<compile_context>
chip_gen: v7x
topology: tpu7x:2x2x1
jax: 0.10.2.dev20260603
libtpu: 0.0.44.dev20260713+nightly
codegen_flags: <defaults>
</compile_context>

<pallas_src>
import functools

import jax
import jax.numpy as jnp
from jax import lax
from jax.experimental import pallas as pl
from jax.experimental.pallas import tpu as pltpu
from jax.experimental.pallas import tpu_sc as plsc

_B = 4
_S = 8192
_D = 1024
_NW = 32
_ROWS_PER_W = _S // _NW
_CHUNK_ROWS = 8
_NCHUNKS = _ROWS_PER_W // _CHUNK_ROWS
_NVREG = _CHUNK_ROWS * _D // 16
_NBUF = 3
_NSTEADY = (_NCHUNKS - 2) // _NBUF

_mesh = plsc.VectorSubcoreMesh(core_axis_name="c", subcore_axis_name="s")


@functools.partial(
    pl.kernel,
    out_type=jax.ShapeDtypeStruct((_B, _S, _D), jnp.float32),
    mesh=_mesh,
    scratch_types=[
        pltpu.VMEM((_NBUF, _CHUNK_ROWS, _D), jnp.float32),
        pltpu.VMEM((_NBUF, _B, _CHUNK_ROWS, _D), jnp.float32),
        pltpu.SemaphoreType.DMA,
        pltpu.SemaphoreType.DMA,
        pltpu.SemaphoreType.DMA,
        pltpu.SemaphoreType.DMA,
        pltpu.SemaphoreType.DMA,
        pltpu.SemaphoreType.DMA,
    ],
)
def _pos_add(x_hbm, pos_hbm, out_hbm, pos_buf, x_buf,
             sin0, sin1, sin2, sout0, sout1, sout2):
    cid = lax.axis_index("c")
    sid = lax.axis_index("s")
    wid = sid * 2 + cid
    base = wid * _ROWS_PER_W
    sin = (sin0, sin1, sin2)
    sout = (sout0, sout1, sout2)

    def load_descs(c, p):
        row = base + c * _CHUNK_ROWS
        return [
            pltpu.make_async_copy(
                pos_hbm.at[pl.ds(row, _CHUNK_ROWS)], pos_buf.at[p], sin[p]),
            pltpu.make_async_copy(
                x_hbm.at[:, pl.ds(row, _CHUNK_ROWS), :], x_buf.at[p],
                sin[p]),
        ]

    def store_descs(c, p):
        row = base + c * _CHUNK_ROWS
        return [pltpu.make_async_copy(
            x_buf.at[p], out_hbm.at[:, pl.ds(row, _CHUNK_ROWS), :],
            sout[p])]

    def compute(p):
        @plsc.parallel_loop(0, _NVREG, unroll=4)
        def _(j):
            r = j // (_D // 16)
            sl = pl.ds((j % (_D // 16)) * 16, 16)
            pv = pos_buf[p, r, sl]
            for b in range(_B):
                x_buf[p, b, r, sl] = x_buf[p, b, r, sl] + pv

    for d in load_descs(0, 0):
        d.start()
    for d in load_descs(1, 1):
        d.start()
    for d in load_descs(0, 0):
        d.wait()
    compute(0)
    for d in store_descs(0, 0):
        d.start()
    for d in load_descs(2, 2):
        d.start()

    def stage(c, p):
        q = (p + 2) % _NBUF
        for d in load_descs(c, p):
            d.wait()
        compute(p)
        for d in store_descs(c, p):
            d.start()
        for d in store_descs(c - 1, q):
            d.wait()
        for d in load_descs(c + 2, q):
            d.start()

    def group(k, carry):
        for pp in range(_NBUF):
            stage(_NBUF * k + 1 + pp, (1 + pp) % _NBUF)
        return carry

    lax.fori_loop(0, _NSTEADY - 1, group, 0)

    for pp in range(_NBUF - 1):
        c = _NBUF * (_NSTEADY - 1) + 1 + pp
        stage(c, c % _NBUF)
    for c in range(_NCHUNKS - 2, _NCHUNKS):
        p = c % _NBUF
        for d in load_descs(c, p):
            d.wait()
        compute(p)
        for d in store_descs(c, p):
            d.start()
    for c in range(_NCHUNKS - 3, _NCHUNKS):
        for d in store_descs(c, c % _NBUF):
            d.wait()


@jax.jit
def kernel(x, pos_table):
    return _pos_add(x, pos_table)

# --- scband reference (transcript-rebuilt; emitter-appended) ---
"""Pipeline reference for scband-learnable-positional-encoding-32049045963151 (READ-ONLY COPY).

The authoritative reference and input builder live on the scoring server;
editing this copy changes nothing except your own understanding.
"""

import jax, jax.numpy as jnp
import numpy as np

D_MODEL = 1024
MAX_LEN = 8192
BATCH = 4
SEQ_LEN = 8192


def setup_inputs(seed: int = 0) -> dict:
    key = jax.random.key(seed)
    kx, kw = jax.random.split(key)
    x = jax.random.normal(kx, (BATCH, SEQ_LEN, D_MODEL), dtype=jnp.float32)
    # nn.Embedding default init: N(0, 1)
    pos_table = jax.random.normal(kw, (MAX_LEN, D_MODEL), dtype=jnp.float32)
    return {"x": x, "pos_table": pos_table}


def reference(x, pos_table):
    batch_size, seq_len, _ = x.shape
    positions = jnp.broadcast_to(jnp.arange(seq_len)[None, :], (batch_size, seq_len))
    position_emb = jnp.take(pos_table, positions, axis=0)  # [B, S, D]
    out = x + position_emb
    # dropout is identity in eval/inference mode
    return out

if __name__ == "__main__":
    import jax
    _d = setup_inputs()
    print(jax.jit(kernel)(*tuple(_d.values())))

</pallas_src>

<mosaic_0001>
#map = affine_map<(d0, d1) -> (0, 0, 0)>
#map1 = affine_map<(d0, d1) -> (0, 0)>
module attributes {stable_mosaic.version = 14 : i64} {
  func.func @_pos_add(%arg0: i32, %arg1: i32, %arg2: memref<4x8192x1024xf32, #tpu.memory_space<hbm>>, %arg3: memref<8192x1024xf32, #tpu.memory_space<hbm>>, %arg4: memref<4x8192x1024xf32, #tpu.memory_space<hbm>>, %arg5: memref<3x8x1024xf32, #tpu.memory_space<vmem>>, %arg6: memref<3x4x8x1024xf32, #tpu.memory_space<vmem>>, %arg7: memref<!tpu.dma_semaphore, #tpu.memory_space<semaphore_mem>>, %arg8: memref<!tpu.dma_semaphore, #tpu.memory_space<semaphore_mem>>, %arg9: memref<!tpu.dma_semaphore, #tpu.memory_space<semaphore_mem>>, %arg10: memref<!tpu.dma_semaphore, #tpu.memory_space<semaphore_mem>>, %arg11: memref<!tpu.dma_semaphore, #tpu.memory_space<semaphore_mem>>, %arg12: memref<!tpu.dma_semaphore, #tpu.memory_space<semaphore_mem>>) attributes {dimension_semantics = [#tpu.dimension_semantics<core_parallel>, #tpu.dimension_semantics<subcore_parallel>], iteration_bounds = array<i64: 2, 16>, scalar_prefetch = 0 : i64, scratch_operands = 8 : i64, tpu.core_type = #tpu.core_type<sc_vector_subcore>, window_params = [{transform_indices = #map}, {transform_indices = #map1}, {transform_indices = #map}]} {
    %mul3A = arith.constant 2 : i32
    %mul3A_0 = arith.muli %arg1, %mul3A : i32
    %add3A = arith.addi %mul3A_0, %arg0 : i32
    %mul3A_1 = arith.constant 256 : i32
    %mul3A_2 = arith.muli %add3A, %mul3A_1 : i32
    %add3A_3 = arith.constant 0 : i32
    %add3A_4 = arith.addi %mul3A_2, %add3A_3 : i32
    %dma_start3A = arith.constant 0 : i32
    %dma_start3A_5 = arith.constant 0 : i32
    %dma_start3A_6 = arith.constant 0 : i32
    %dma_start3A_7 = tpu.memref_slice %arg5[%dma_start3A, %dma_start3A_5, %dma_start3A_6] : memref<3x8x1024xf32, #tpu.memory_space<vmem>> -> memref<1x8x1024xf32, #tpu.memory_space<vmem>>
    %dma_start3A_8 = tpu.memref_squeeze %dma_start3A_7 : memref<1x8x1024xf32, #tpu.memory_space<vmem>> -> memref<8x1024xf32, #tpu.memory_space<vmem>>
    %dma_start3A_9 = arith.constant 0 : i32
    %dma_start3A_10 = tpu.memref_slice %arg3[%add3A_4, %dma_start3A_9] : memref<8192x1024xf32, #tpu.memory_space<hbm>> -> memref<8x1024xf32, #tpu.memory_space<hbm>>
    %dma_start3A_11 = arith.constant 0 : i32
    %dma_start3A_12 = arith.constant 0 : i32
    %dma_start3A_13 = tpu.memref_slice %arg5[%dma_start3A, %dma_start3A_11, %dma_start3A_12] : memref<3x8x1024xf32, #tpu.memory_space<vmem>> -> memref<1x8x1024xf32, #tpu.memory_space<vmem>>
    %dma_start3A_14 = tpu.memref_squeeze %dma_start3A_13 : memref<1x8x1024xf32, #tpu.memory_space<vmem>> -> memref<8x1024xf32, #tpu.memory_space<vmem>>
    %dma_start3A_15 = arith.constant 0 : i32
    %dma_start3A_16 = tpu.memref_slice %arg3[%add3A_4, %dma_start3A_15] : memref<8192x1024xf32, #tpu.memory_space<hbm>> -> memref<8x1024xf32, #tpu.memory_space<hbm>>
    tpu.enqueue_dma source(%dma_start3A_16 : memref<8x1024xf32, #tpu.memory_space<hbm>>) target(%dma_start3A_14 : memref<8x1024xf32, #tpu.memory_space<vmem>>) target_semaphore(%arg7 : memref<!tpu.dma_semaphore, #tpu.memory_space<semaphore_mem>>)
    %dma_start3A_17 = arith.constant 0 : i32
    %dma_start3A_18 = arith.constant 0 : i32
    %dma_start3A_19 = arith.constant 0 : i32
    %dma_start3A_20 = arith.constant 0 : i32
    %dma_start3A_21 = tpu.memref_slice %arg6[%dma_start3A_17, %dma_start3A_18, %dma_start3A_19, %dma_start3A_20] : memref<3x4x8x1024xf32, #tpu.memory_space<vmem>> -> memref<1x4x8x1024xf32, #tpu.memory_space<vmem>>
    %dma_start3A_22 = tpu.memref_squeeze %dma_start3A_21 : memref<1x4x8x1024xf32, #tpu.memory_space<vmem>> -> memref<4x8x1024xf32, #tpu.memory_space<vmem>>
    %dma_start3A_23 = arith.constant 0 : i32
    %dma_start3A_24 = arith.constant 0 : i32
    %dma_start3A_25 = tpu.memref_slice %arg2[%dma_start3A_23, %add3A_4, %dma_start3A_24] : memref<4x8192x1024xf32, #tpu.memory_space<hbm>> -> memref<4x8x1024xf32, #tpu.memory_space<hbm>>
    %dma_start3A_26 = arith.constant 0 : i32
    %dma_start3A_27 = arith.constant 0 : i32
    %dma_start3A_28 = arith.constant 0 : i32
    %dma_start3A_29 = tpu.memref_slice %arg6[%dma_start3A_17, %dma_start3A_26, %dma_start3A_27, %dma_start3A_28] : memref<3x4x8x1024xf32, #tpu.memory_space<vmem>> -> memref<1x4x8x1024xf32, #tpu.memory_space<vmem>>
    %dma_start3A_30 = tpu.memref_squeeze %dma_start3A_29 : memref<1x4x8x1024xf32, #tpu.memory_space<vmem>> -> memref<4x8x1024xf32, #tpu.memory_space<vmem>>
    %dma_start3A_31 = arith.constant 0 : i32
    %dma_start3A_32 = arith.constant 0 : i32
    %dma_start3A_33 = tpu.memref_slice %arg2[%dma_start3A_31, %add3A_4, %dma_start3A_32] : memref<4x8192x1024xf32, #tpu.memory_space<hbm>> -> memref<4x8x1024xf32, #tpu.memory_space<hbm>>
    tpu.enqueue_dma source(%dma_start3A_33 : memref<4x8x1024xf32, #tpu.memory_space<hbm>>) target(%dma_start3A_30 : memref<4x8x1024xf32, #tpu.memory_space<vmem>>) target_semaphore(%arg7 : memref<!tpu.dma_semaphore, #tpu.memory_space<semaphore_mem>>)
    %add3A_34 = arith.constant 8 : i32
    %add3A_35 = arith.addi %mul3A_2, %add3A_34 : i32
    %dma_start3A_36 = arith.constant 1 : i32
    %dma_start3A_37 = arith.constant 0 : i32
    %dma_start3A_38 = arith.constant 0 : i32
    %dma_start3A_39 = tpu.memref_slice %arg5[%dma_start3A_36, %dma_start3A_37, %dma_start3A_38] : memref<3x8x1024xf32, #tpu.memory_space<vmem>> -> memref<1x8x1024xf32, #tpu.memory_space<vmem>>
    %dma_start3A_40 = tpu.memref_squeeze %dma_start3A_39 : memref<1x8x1024xf32, #tpu.memory_space<vmem>> -> memref<8x1024xf32, #tpu.memory_space<vmem>>
    %dma_start3A_41 = arith.constant 0 : i32
    %dma_start3A_42 = tpu.memref_slice %arg3[%add3A_35, %dma_start3A_41] : memref<8192x1024xf32, #tpu.memory_space<hbm>> -> memref<8x1024xf32, #tpu.memory_space<hbm>>
    %dma_start3A_43 = arith.constant 0 : i32
    %dma_start3A_44 = arith.constant 0 : i32
    %dma_start3A_45 = tpu.memref_slice %arg5[%dma_start3A_36, %dma_start3A_43, %dma_start3A_44] : memref<3x8x1024xf32, #tpu.memory_space<vmem>> -> memref<1x8x1024xf32, #tpu.memory_space<vmem>>
    %dma_start3A_46 = tpu.memref_squeeze %dma_start3A_45 : memref<1x8x1024xf32, #tpu.memory_space<vmem>> -> memref<8x1024xf32, #tpu.memory_space<vmem>>
    %dma_start3A_47 = arith.constant 0 : i32
    %dma_start3A_48 = tpu.memref_slice %arg3[%add3A_35, %dma_start3A_47] : memref<8192x1024xf32, #tpu.memory_space<hbm>> -> memref<8x1024xf32, #tpu.memory_space<hbm>>
    tpu.enqueue_dma source(%dma_start3A_48 : memref<8x1024xf32, #tpu.memory_space<hbm>>) target(%dma_start3A_46 : memref<8x1024xf32, #tpu.memory_space<vmem>>) target_semaphore(%arg8 : memref<!tpu.dma_semaphore, #tpu.memory_space<semaphore_mem>>)
    %dma_start3A_49 = arith.constant 1 : i32
    %dma_start3A_50 = arith.constant 0 : i32
    %dma_start3A_51 = arith.constant 0 : i32
    %dma_start3A_52 = arith.constant 0 : i32
    %dma_start3A_53 = tpu.memref_slice %arg6[%dma_start3A_49, %dma_start3A_50, %dma_start3A_51, %dma_start3A_52] : memref<3x4x8x1024xf32, #tpu.memory_space<vmem>> -> memref<1x4x8x1024xf32, #tpu.memory_space<vmem>>
    %dma_start3A_54 = tpu.memref_squeeze %dma_start3A_53 : memref<1x4x8x1024xf32, #tpu.memory_space<vmem>> -> memref<4x8x1024xf32, #tpu.memory_space<vmem>>
    %dma_start3A_55 = arith.constant 0 : i32
    %dma_start3A_56 = arith.constant 0 : i32
    %dma_start3A_57 = tpu.memref_slice %arg2[%dma_start3A_55, %add3A_35, %dma_start3A_56] : memref<4x8192x1024xf32, #tpu.memory_space<hbm>> -> memref<4x8x1024xf32, #tpu.memory_space<hbm>>
    %dma_start3A_58 = arith.constant 0 : i32
    %dma_start3A_59 = arith.constant 0 : i32
    %dma_start3A_60 = arith.constant 0 : i32
    %dma_start3A_61 = tpu.memref_slice %arg6[%dma_start3A_49, %dma_start3A_58, %dma_start3A_59, %dma_start3A_60] : memref<3x4x8x1024xf32, #tpu.memory_space<vmem>> -> memref<1x4x8x1024xf32, #tpu.memory_space<vmem>>
    %dma_start3A_62 = tpu.memref_squeeze %dma_start3A_61 : memref<1x4x8x1024xf32, #tpu.memory_space<vmem>> -> memref<4x8x1024xf32, #tpu.memory_space<vmem>>
    %dma_start3A_63 = arith.constant 0 : i32
    %dma_start3A_64 = arith.constant 0 : i32
    %dma_start3A_65 = tpu.memref_slice %arg2[%dma_start3A_63, %add3A_35, %dma_start3A_64] : memref<4x8192x1024xf32, #tpu.memory_space<hbm>> -> memref<4x8x1024xf32, #tpu.memory_space<hbm>>
    tpu.enqueue_dma source(%dma_start3A_65 : memref<4x8x1024xf32, #tpu.memory_space<hbm>>) target(%dma_start3A_62 : memref<4x8x1024xf32, #tpu.memory_space<vmem>>) target_semaphore(%arg8 : memref<!tpu.dma_semaphore, #tpu.memory_space<semaphore_mem>>)
    %add3A_66 = arith.constant 0 : i32
    %add3A_67 = arith.addi %mul3A_2, %add3A_66 : i32
    %dma_wait3A = arith.constant 0 : i32
    %dma_wait3A_68 = arith.constant 0 : i32
    %dma_wait3A_69 = arith.constant 0 : i32
    %dma_wait3A_70 = tpu.memref_slice %arg5[%dma_wait3A, %dma_wait3A_68, %dma_wait3A_69] : memref<3x8x1024xf32, #tpu.memory_space<vmem>> -> memref<1x8x1024xf32, #tpu.memory_space<vmem>>
    %dma_wait3A_71 = tpu.memref_squeeze %dma_wait3A_70 : memref<1x8x1024xf32, #tpu.memory_space<vmem>> -> memref<8x1024xf32, #tpu.memory_space<vmem>>
    %dma_wait3A_72 = arith.constant 0 : i32
    %dma_wait3A_73 = tpu.memref_slice %arg3[%add3A_67, %dma_wait3A_72] : memref<8192x1024xf32, #tpu.memory_space<hbm>> -> memref<8x1024xf32, #tpu.memory_space<hbm>>
    %dma_wait3A_74 = arith.constant 0 : i32
    %dma_wait3A_75 = arith.constant 0 : i32
    %dma_wait3A_76 = tpu.memref_slice %arg5[%dma_wait3A, %dma_wait3A_74, %dma_wait3A_75] : memref<3x8x1024xf32, #tpu.memory_space<vmem>> -> memref<1x8x1024xf32, #tpu.memory_space<vmem>>
    %dma_wait3A_77 = tpu.memref_squeeze %dma_wait3A_76 : memref<1x8x1024xf32, #tpu.memory_space<vmem>> -> memref<8x1024xf32, #tpu.memory_space<vmem>>
    %dma_wait3A_78 = arith.constant 0 : i32
    %dma_wait3A_79 = tpu.memref_slice %arg3[%add3A_67, %dma_wait3A_78] : memref<8192x1024xf32, #tpu.memory_space<hbm>> -> memref<8x1024xf32, #tpu.memory_space<hbm>>
    tpu.wait_dma2 semaphore(%arg7 : memref<!tpu.dma_semaphore, #tpu.memory_space<semaphore_mem>>) src(%dma_wait3A_79 : memref<8x1024xf32, #tpu.memory_space<hbm>>) dst(%dma_wait3A_77 : memref<8x1024xf32, #tpu.memory_space<vmem>>)
    %dma_wait3A_80 = arith.constant 0 : i32
    %dma_wait3A_81 = arith.constant 0 : i32
    %dma_wait3A_82 = arith.constant 0 : i32
    %dma_wait3A_83 = arith.constant 0 : i32
    %dma_wait3A_84 = tpu.memref_slice %arg6[%dma_wait3A_80, %dma_wait3A_81, %dma_wait3A_82, %dma_wait3A_83] : memref<3x4x8x1024xf32, #tpu.memory_space<vmem>> -> memref<1x4x8x1024xf32, #tpu.memory_space<vmem>>
    %dma_wait3A_85 = tpu.memref_squeeze %dma_wait3A_84 : memref<1x4x8x1024xf32, #tpu.memory_space<vmem>> -> memref<4x8x1024xf32, #tpu.memory_space<vmem>>
    %dma_wait3A_86 = arith.constant 0 : i32
    %dma_wait3A_87 = arith.constant 0 : i32
    %dma_wait3A_88 = tpu.memref_slice %arg2[%dma_wait3A_86, %add3A_67, %dma_wait3A_87] : memref<4x8192x1024xf32, #tpu.memory_space<hbm>> -> memref<4x8x1024xf32, #tpu.memory_space<hbm>>
    %dma_wait3A_89 = arith.constant 0 : i32
    %dma_wait3A_90 = arith.constant 0 : i32
    %dma_wait3A_91 = arith.constant 0 : i32
    %dma_wait3A_92 = tpu.memref_slice %arg6[%dma_wait3A_80, %dma_wait3A_89, %dma_wait3A_90, %dma_wait3A_91] : memref<3x4x8x1024xf32, #tpu.memory_space<vmem>> -> memref<1x4x8x1024xf32, #tpu.memory_space<vmem>>
    %dma_wait3A_93 = tpu.memref_squeeze %dma_wait3A_92 : memref<1x4x8x1024xf32, #tpu.memory_space<vmem>> -> memref<4x8x1024xf32, #tpu.memory_space<vmem>>
    %dma_wait3A_94 = arith.constant 0 : i32
    %dma_wait3A_95 = arith.constant 0 : i32
    %dma_wait3A_96 = tpu.memref_slice %arg2[%dma_wait3A_94, %add3A_67, %dma_wait3A_95] : memref<4x8192x1024xf32, #tpu.memory_space<hbm>> -> memref<4x8x1024xf32, #tpu.memory_space<hbm>>
    tpu.wait_dma2 semaphore(%arg7 : memref<!tpu.dma_semaphore, #tpu.memory_space<semaphore_mem>>) src(%dma_wait3A_96 : memref<4x8x1024xf32, #tpu.memory_space<hbm>>) dst(%dma_wait3A_93 : memref<4x8x1024xf32, #tpu.memory_space<vmem>>)
    %parallel_loop3A = arith.constant 0 : i32
    %parallel_loop3A_97 = arith.constant 512 : i32
    %parallel_loop3A_98 = arith.constant 1 : i32
    scf.for %parallel_loop3A_530 = %parallel_loop3A to %parallel_loop3A_97 step %parallel_loop3A_98  : i32 {
      %parallel_loop3A_531 = arith.constant 64 : i32
      %parallel_loop3A_532 = arith.divsi %parallel_loop3A_530, %parallel_loop3A_531 : i32
      %parallel_loop3A_533 = arith.constant 0 : i32
      %parallel_loop3A_534 = arith.cmpi sgt, %parallel_loop3A_530, %parallel_loop3A_533 : i32
      %parallel_loop3A_535 = arith.extui %parallel_loop3A_534 : i1 to i32
      %parallel_loop3A_536 = arith.constant 0 : i32
      %parallel_loop3A_537 = arith.cmpi slt, %parallel_loop3A_530, %parallel_loop3A_536 : i32
      %parallel_loop3A_538 = arith.extui %parallel_loop3A_537 : i1 to i32
      %parallel_loop3A_539 = arith.subi %parallel_loop3A_535, %parallel_loop3A_538 : i32
      %parallel_loop3A_540 = arith.constant 0 : i32
      %parallel_loop3A_541 = arith.cmpi sgt, %parallel_loop3A_531, %parallel_loop3A_540 : i32
      %parallel_loop3A_542 = arith.extui %parallel_loop3A_541 : i1 to i32
      %parallel_loop3A_543 = arith.constant 0 : i32
      %parallel_loop3A_544 = arith.cmpi slt, %parallel_loop3A_531, %parallel_loop3A_543 : i32
      %parallel_loop3A_545 = arith.extui %parallel_loop3A_544 : i1 to i32
      %parallel_loop3A_546 = arith.subi %parallel_loop3A_542, %parallel_loop3A_545 : i32
      %parallel_loop3A_547 = arith.cmpi ne, %parallel_loop3A_539, %parallel_loop3A_546 : i32
      %parallel_loop3A_548 = arith.remsi %parallel_loop3A_530, %parallel_loop3A_531 : i32
      %parallel_loop3A_549 = arith.constant 0 : i32
      %parallel_loop3A_550 = arith.cmpi ne, %parallel_loop3A_548, %parallel_loop3A_549 : i32
      %parallel_loop3A_551 = arith.andi %parallel_loop3A_547, %parallel_loop3A_550 : i1
      %parallel_loop3A_552 = arith.constant 1 : i32
      %parallel_loop3A_553 = arith.subi %parallel_loop3A_532, %parallel_loop3A_552 : i32
      %parallel_loop3A_554 = arith.select %parallel_loop3A_551, %parallel_loop3A_553, %parallel_loop3A_532 : i32
      %parallel_loop3A_555 = arith.constant 64 : i32
      %parallel_loop3A_556 = arith.constant 0 : i32
      %parallel_loop3A_557 = arith.cmpi eq, %parallel_loop3A_555, %parallel_loop3A_556 : i32
      %parallel_loop3A_558 = arith.constant 1 : i32
      %parallel_loop3A_559 = arith.select %parallel_loop3A_557, %parallel_loop3A_558, %parallel_loop3A_555 : i32
      %parallel_loop3A_560 = arith.remsi %parallel_loop3A_530, %parallel_loop3A_559 : i32
      %parallel_loop3A_561 = arith.constant 0 : i32
      %parallel_loop3A_562 = arith.cmpi ne, %parallel_loop3A_560, %parallel_loop3A_561 : i32
      %parallel_loop3A_563 = arith.constant 0 : i32
      %parallel_loop3A_564 = arith.cmpi slt, %parallel_loop3A_560, %parallel_loop3A_563 : i32
      %parallel_loop3A_565 = arith.constant 0 : i32
      %parallel_loop3A_566 = arith.cmpi slt, %parallel_loop3A_559, %parallel_loop3A_565 : i32
      %parallel_loop3A_567 = arith.xori %parallel_loop3A_564, %parallel_loop3A_566 : i1
      %parallel_loop3A_568 = arith.andi %parallel_loop3A_567, %parallel_loop3A_562 : i1
      %parallel_loop3A_569 = arith.addi %parallel_loop3A_560, %parallel_loop3A_559 : i32
      %parallel_loop3A_570 = arith.select %parallel_loop3A_568, %parallel_loop3A_569, %parallel_loop3A_560 : i32
      %parallel_loop3A_571 = arith.constant 16 : i32
      %parallel_loop3A_572 = arith.muli %parallel_loop3A_570, %parallel_loop3A_571 : i32
      %parallel_loop3A_573 = arith.constant 0 : i32
      %parallel_loop3A_574 = arith.index_cast %parallel_loop3A_573 : i32 to index
      %parallel_loop3A_575 = arith.index_cast %parallel_loop3A_554 : i32 to index
      %parallel_loop3A_576 = arith.index_cast %parallel_loop3A_572 : i32 to index
      %parallel_loop3A_577 = tpu.vector_load %arg5[%parallel_loop3A_574, %parallel_loop3A_575, %parallel_loop3A_576] {strides = array<i32>} : memref<3x8x1024xf32, #tpu.memory_space<vmem>>, vector<1x1x16xf32>,
      %parallel_loop3A_578 = vector.shape_cast %parallel_loop3A_577 : vector<1x1x16xf32> to vector<16xf32>
      %parallel_loop3A_579 = arith.constant 0 : i32
      %parallel_loop3A_580 = arith.constant 0 : i32
      %parallel_loop3A_581 = arith.index_cast %parallel_loop3A_579 : i32 to index
      %parallel_loop3A_582 = arith.index_cast %parallel_loop3A_580 : i32 to index
      %parallel_loop3A_583 = arith.index_cast %parallel_loop3A_554 : i32 to index
      %parallel_loop3A_584 = arith.index_cast %parallel_loop3A_572 : i32 to index
      %parallel_loop3A_585 = tpu.vector_load %arg6[%parallel_loop3A_581, %parallel_loop3A_582, %parallel_loop3A_583, %parallel_loop3A_584] {strides = array<i32>} : memref<3x4x8x1024xf32, #tpu.memory_space<vmem>>, vector<1x1x1x16xf32>,
      %parallel_loop3A_586 = vector.shape_cast %parallel_loop3A_585 : vector<1x1x1x16xf32> to vector<16xf32>
      %parallel_loop3A_587 = arith.addf %parallel_loop3A_586, %parallel_loop3A_578 : vector<16xf32>
      %parallel_loop3A_588 = arith.constant 0 : i32
      %parallel_loop3A_589 = arith.constant 0 : i32
      %parallel_loop3A_590 = arith.index_cast %parallel_loop3A_588 : i32 to index
      %parallel_loop3A_591 = arith.index_cast %parallel_loop3A_589 : i32 to index
      %parallel_loop3A_592 = arith.index_cast %parallel_loop3A_554 : i32 to index
      %parallel_loop3A_593 = arith.index_cast %parallel_loop3A_572 : i32 to index
      %parallel_loop3A_594 = tpu.vector_load %arg6[%parallel_loop3A_590, %parallel_loop3A_591, %parallel_loop3A_592, %parallel_loop3A_593] {strides = array<i32>} : memref<3x4x8x1024xf32, #tpu.memory_space<vmem>>, vector<1x1x1x16xf32>,
      %parallel_loop3A_595 = vector.shape_cast %parallel_loop3A_594 : vector<1x1x1x16xf32> to vector<16xf32>
      %parallel_loop3A_596 = vector.shape_cast %parallel_loop3A_587 : vector<16xf32> to vector<1x1x1x16xf32>
      tpu.vector_store %arg6[%parallel_loop3A_590, %parallel_loop3A_591, %parallel_loop3A_592, %parallel_loop3A_593], %parallel_loop3A_596 {strides = array<i32>} : memref<3x4x8x1024xf32, #tpu.memory_space<vmem>>, vector<1x1x1x16xf32>,
      %parallel_loop3A_597 = arith.constant 0 : i32
      %parallel_loop3A_598 = arith.constant 1 : i32
      %parallel_loop3A_599 = arith.index_cast %parallel_loop3A_597 : i32 to index
      %parallel_loop3A_600 = arith.index_cast %parallel_loop3A_598 : i32 to index
      %parallel_loop3A_601 = arith.index_cast %parallel_loop3A_554 : i32 to index
      %parallel_loop3A_602 = arith.index_cast %parallel_loop3A_572 : i32 to index
      %parallel_loop3A_603 = tpu.vector_load %arg6[%parallel_loop3A_599, %parallel_loop3A_600, %parallel_loop3A_601, %parallel_loop3A_602] {strides = array<i32>} : memref<3x4x8x1024xf32, #tpu.memory_space<vmem>>, vector<1x1x1x16xf32>,
      %parallel_loop3A_604 = vector.shape_cast %parallel_loop3A_603 : vector<1x1x1x16xf32> to vector<16xf32>
      %parallel_loop3A_605 = arith.addf %parallel_loop3A_604, %parallel_loop3A_578 : vector<16xf32>
      %parallel_loop3A_606 = arith.constant 0 : i32
      %parallel_loop3A_607 = arith.constant 1 : i32
      %parallel_loop3A_608 = arith.index_cast %parallel_loop3A_606 : i32 to index
      %parallel_loop3A_609 = arith.index_cast %parallel_loop3A_607 : i32 to index
      %parallel_loop3A_610 = arith.index_cast %parallel_loop3A_554 : i32 to index
      %parallel_loop3A_611 = arith.index_cast %parallel_loop3A_572 : i32 to index
      %parallel_loop3A_612 = tpu.vector_load %arg6[%parallel_loop3A_608, %parallel_loop3A_609, %parallel_loop3A_610, %parallel_loop3A_611] {strides = array<i32>} : memref<3x4x8x1024xf32, #tpu.memory_space<vmem>>, vector<1x1x1x16xf32>,
      %parallel_loop3A_613 = vector.shape_cast %parallel_loop3A_612 : vector<1x1x1x16xf32> to vector<16xf32>
      %parallel_loop3A_614 = vector.shape_cast %parallel_loop3A_605 : vector<16xf32> to vector<1x1x1x16xf32>
      tpu.vector_store %arg6[%parallel_loop3A_608, %parallel_loop3A_609, %parallel_loop3A_610, %parallel_loop3A_611], %parallel_loop3A_614 {strides = array<i32>} : memref<3x4x8x1024xf32, #tpu.memory_space<vmem>>, vector<1x1x1x16xf32>,
      %parallel_loop3A_615 = arith.constant 0 : i32
      %parallel_loop3A_616 = arith.constant 2 : i32
      %parallel_loop3A_617 = arith.index_cast %parallel_loop3A_615 : i32 to index
      %parallel_loop3A_618 = arith.index_cast %parallel_loop3A_616 : i32 to index
      %parallel_loop3A_619 = arith.index_cast %parallel_loop3A_554 : i32 to index
      %parallel_loop3A_620 = arith.index_cast %parallel_loop3A_572 : i32 to index
      %parallel_loop3A_621 = tpu.vector_load %arg6[%parallel_loop3A_617, %parallel_loop3A_618, %parallel_loop3A_619, %parallel_loop3A_620] {strides = array<i32>} : memref<3x4x8x1024xf32, #tpu.memory_space<vmem>>, vector<1x1x1x16xf32>,
      %parallel_loop3A_622 = vector.shape_cast %parallel_loop3A_621 : vector<1x1x1x16xf32> to vector<16xf32>
      %parallel_loop3A_623 = arith.addf %parallel_loop3A_622, %parallel_loop3A_578 : vector<16xf32>
      %parallel_loop3A_624 = arith.constant 0 : i32
      %parallel_loop3A_625 = arith.constant 2 : i32
      %parallel_loop3A_626 = arith.index_cast %parallel_loop3A_624 : i32 to index
      %parallel_loop3A_627 = arith.index_cast %parallel_loop3A_625 : i32 to index
      %parallel_loop3A_628 = arith.index_cast %parallel_loop3A_554 : i32 to index
      %parallel_loop3A_629 = arith.index_cast %parallel_loop3A_572 : i32 to index
      %parallel_loop3A_630 = tpu.vector_load %arg6[%parallel_loop3A_626, %parallel_loop3A_627, %parallel_loop3A_628, %parallel_loop3A_629] {strides = array<i32>} : memref<3x4x8x1024xf32, #tpu.memory_space<vmem>>, vector<1x1x1x16xf32>,
      %parallel_loop3A_631 = vector.shape_cast %parallel_loop3A_630 : vector<1x1x1x16xf32> to vector<16xf32>
      %parallel_loop3A_632 = vector.shape_cast %parallel_loop3A_623 : vector<16xf32> to vector<1x1x1x16xf32>
      tpu.vector_store %arg6[%parallel_loop3A_626, %parallel_loop3A_627, %parallel_loop3A_628, %parallel_loop3A_629], %parallel_loop3A_632 {strides = array<i32>} : memref<3x4x8x1024xf32, #tpu.memory_space<vmem>>, vector<1x1x1x16xf32>,
      %parallel_loop3A_633 = arith.constant 0 : i32
      %parallel_loop3A_634 = arith.constant 3 : i32
      %parallel_loop3A_635 = arith.index_cast %parallel_loop3A_633 : i32 to index
      %parallel_loop3A_636 = arith.index_cast %parallel_loop3A_634 : i32 to index
      %parallel_loop3A_637 = arith.index_cast %parallel_loop3A_554 : i32 to index
      %parallel_loop3A_638 = arith.index_cast %parallel_loop3A_572 : i32 to index
      %parallel_loop3A_639 = tpu.vector_load %arg6[%parallel_loop3A_635, %parallel_loop3A_636, %parallel_loop3A_637, %parallel_loop3A_638] {strides = array<i32>} : memref<3x4x8x1024xf32, #tpu.memory_space<vmem>>, vector<1x1x1x16xf32>,
      %parallel_loop3A_640 = vector.shape_cast %parallel_loop3A_639 : vector<1x1x1x16xf32> to vector<16xf32>
      %parallel_loop3A_641 = arith.addf %parallel_loop3A_640, %parallel_loop3A_578 : vector<16xf32>
      %parallel_loop3A_642 = arith.constant 0 : i32
      %parallel_loop3A_643 = arith.constant 3 : i32
      %parallel_loop3A_644 = arith.index_cast %parallel_loop3A_642 : i32 to index
      %parallel_loop3A_645 = arith.index_cast %parallel_loop3A_643 : i32 to index
      %parallel_loop3A_646 = arith.index_cast %parallel_loop3A_554 : i32 to index
      %parallel_loop3A_647 = arith.index_cast %parallel_loop3A_572 : i32 to index
      %parallel_loop3A_648 = tpu.vector_load %arg6[%parallel_loop3A_644, %parallel_loop3A_645, %parallel_loop3A_646, %parallel_loop3A_647] {strides = array<i32>} : memref<3x4x8x1024xf32, #tpu.memory_space<vmem>>, vector<1x1x1x16xf32>,
      %parallel_loop3A_649 = vector.shape_cast %parallel_loop3A_648 : vector<1x1x1x16xf32> to vector<16xf32>
      %parallel_loop3A_650 = vector.shape_cast %parallel_loop3A_641 : vector<16xf32> to vector<1x1x1x16xf32>
      tpu.vector_store %arg6[%parallel_loop3A_644, %parallel_loop3A_645, %parallel_loop3A_646, %parallel_loop3A_647], %parallel_loop3A_650 {strides = array<i32>} : memref<3x4x8x1024xf32, #tpu.memory_space<vmem>>, vector<1x1x1x16xf32>,
    } {sc.loop_unroll_factor = 4 : i64, sc.parallel_access}
    %add3A_99 = arith.constant 0 : i32
    %add3A_100 = arith.addi %mul3A_2, %add3A_99 : i32
    %dma_start3A_101 = arith.constant 0 : i32
    %dma_start3A_102 = arith.constant 0 : i32
    %dma_start3A_103 = arith.constant 0 : i32
    %dma_start3A_104 = arith.constant 0 : i32
    %dma_start3A_105 = tpu.memref_slice %arg6[%dma_start3A_101, %dma_start3A_102, %dma_start3A_103, %dma_start3A_104] : memref<3x4x8x1024xf32, #tpu.memory_space<vmem>> -> memref<1x4x8x1024xf32, #tpu.memory_space<vmem>>
    %dma_start3A_106 = tpu.memref_squeeze %dma_start3A_105 : memref<1x4x8x1024xf32, #tpu.memory_space<vmem>> -> memref<4x8x1024xf32, #tpu.memory_space<vmem>>
    %dma_start3A_107 = arith.constant 0 : i32
    %dma_start3A_108 = arith.constant 0 : i32
    %dma_start3A_109 = tpu.memref_slice %arg4[%dma_start3A_107, %add3A_100, %dma_start3A_108] : memref<4x8192x1024xf32, #tpu.memory_space<hbm>> -> memref<4x8x1024xf32, #tpu.memory_space<hbm>>
    %dma_start3A_110 = arith.constant 0 : i32
    %dma_start3A_111 = arith.constant 0 : i32
    %dma_start3A_112 = tpu.memref_slice %arg4[%dma_start3A_110, %add3A_100, %dma_start3A_111] : memref<4x8192x1024xf32, #tpu.memory_space<hbm>> -> memref<4x8x1024xf32, #tpu.memory_space<hbm>>
    %dma_start3A_113 = arith.constant 0 : i32
    %dma_start3A_114 = arith.constant 0 : i32
    %dma_start3A_115 = arith.constant 0 : i32
    %dma_start3A_116 = tpu.memref_slice %arg6[%dma_start3A_101, %dma_start3A_113, %dma_start3A_114, %dma_start3A_115] : memref<3x4x8x1024xf32, #tpu.memory_space<vmem>> -> memref<1x4x8x1024xf32, #tpu.memory_space<vmem>>
    %dma_start3A_117 = tpu.memref_squeeze %dma_start3A_116 : memref<1x4x8x1024xf32, #tpu.memory_space<vmem>> -> memref<4x8x1024xf32, #tpu.memory_space<vmem>>
    tpu.enqueue_dma source(%dma_start3A_117 : memref<4x8x1024xf32, #tpu.memory_space<vmem>>) target(%dma_start3A_112 : memref<4x8x1024xf32, #tpu.memory_space<hbm>>) target_semaphore(%arg10 : memref<!tpu.dma_semaphore, #tpu.memory_space<semaphore_mem>>)
    %add3A_118 = arith.constant 16 : i32
    %add3A_119 = arith.addi %mul3A_2, %add3A_118 : i32
    %dma_start3A_120 = arith.constant 2 : i32
    %dma_start3A_121 = arith.constant 0 : i32
    %dma_start3A_122 = arith.constant 0 : i32
    %dma_start3A_123 = tpu.memref_slice %arg5[%dma_start3A_120, %dma_start3A_121, %dma_start3A_122] : memref<3x8x1024xf32, #tpu.memory_space<vmem>> -> memref<1x8x1024xf32, #tpu.memory_space<vmem>>
    %dma_start3A_124 = tpu.memref_squeeze %dma_start3A_123 : memref<1x8x1024xf32, #tpu.memory_space<vmem>> -> memref<8x1024xf32, #tpu.memory_space<vmem>>
    %dma_start3A_125 = arith.constant 0 : i32
    %dma_start3A_126 = tpu.memref_slice %arg3[%add3A_119, %dma_start3A_125] : memref<8192x1024xf32, #tpu.memory_space<hbm>> -> memref<8x1024xf32, #tpu.memory_space<hbm>>
    %dma_start3A_127 = arith.constant 0 : i32
    %dma_start3A_128 = arith.constant 0 : i32
    %dma_start3A_129 = tpu.memref_slice %arg5[%dma_start3A_120, %dma_start3A_127, %dma_start3A_128] : memref<3x8x1024xf32, #tpu.memory_space<vmem>> -> memref<1x8x1024xf32, #tpu.memory_space<vmem>>
    %dma_start3A_130 = tpu.memref_squeeze %dma_start3A_129 : memref<1x8x1024xf32, #tpu.memory_space<vmem>> -> memref<8x1024xf32, #tpu.memory_space<vmem>>
    %dma_start3A_131 = arith.constant 0 : i32
    %dma_start3A_132 = tpu.memref_slice %arg3[%add3A_119, %dma_start3A_131] : memref<8192x1024xf32, #tpu.memory_space<hbm>> -> memref<8x1024xf32, #tpu.memory_space<hbm>>
    tpu.enqueue_dma source(%dma_start3A_132 : memref<8x1024xf32, #tpu.memory_space<hbm>>) target(%dma_start3A_130 : memref<8x1024xf32, #tpu.memory_space<vmem>>) target_semaphore(%arg9 : memref<!tpu.dma_semaphore, #tpu.memory_space<semaphore_mem>>)
    %dma_start3A_133 = arith.constant 2 : i32
    %dma_start3A_134 = arith.constant 0 : i32
    %dma_start3A_135 = arith.constant 0 : i32
    %dma_start3A_136 = arith.constant 0 : i32
    %dma_start3A_137 = tpu.memref_slice %arg6[%dma_start3A_133, %dma_start3A_134, %dma_start3A_135, %dma_start3A_136] : memref<3x4x8x1024xf32, #tpu.memory_space<vmem>> -> memref<1x4x8x1024xf32, #tpu.memory_space<vmem>>
    %dma_start3A_138 = tpu.memref_squeeze %dma_start3A_137 : memref<1x4x8x1024xf32, #tpu.memory_space<vmem>> -> memref<4x8x1024xf32, #tpu.memory_space<vmem>>
    %dma_start3A_139 = arith.constant 0 : i32
    %dma_start3A_140 = arith.constant 0 : i32
    %dma_start3A_141 = tpu.memref_slice %arg2[%dma_start3A_139, %add3A_119, %dma_start3A_140] : memref<4x8192x1024xf32, #tpu.memory_space<hbm>> -> memref<4x8x1024xf32, #tpu.memory_space<hbm>>
    %dma_start3A_142 = arith.constant 0 : i32
    %dma_start3A_143 = arith.constant 0 : i32
    %dma_start3A_144 = arith.constant 0 : i32
    %dma_start3A_145 = tpu.memref_slice %arg6[%dma_start3A_133, %dma_start3A_142, %dma_start3A_143, %dma_start3A_144] : memref<3x4x8x1024xf32, #tpu.memory_space<vmem>> -> memref<1x4x8x1024xf32, #tpu.memory_space<vmem>>
    %dma_start3A_146 = tpu.memref_squeeze %dma_start3A_145 : memref<1x4x8x1024xf32, #tpu.memory_space<vmem>> -> memref<4x8x1024xf32, #tpu.memory_space<vmem>>
    %dma_start3A_147 = arith.constant 0 : i32
    %dma_start3A_148 = arith.constant 0 : i32
    %dma_start3A_149 = tpu.memref_slice %arg2[%dma_start3A_147, %add3A_119, %dma_start3A_148] : memref<4x8192x1024xf32, #tpu.memory_space<hbm>> -> memref<4x8x1024xf32, #tpu.memory_space<hbm>>
    tpu.enqueue_dma source(%dma_start3A_149 : memref<4x8x1024xf32, #tpu.memory_space<hbm>>) target(%dma_start3A_146 : memref<4x8x1024xf32, #tpu.memory_space<vmem>>) target_semaphore(%arg9 : memref<!tpu.dma_semaphore, #tpu.memory_space<semaphore_mem>>)
    %scan3A = arith.constant 0 : i32
    %scan3A_150 = arith.constant 0 : i32
    %scan3A_151 = arith.constant 9 : i32
    %scan3A_152 = arith.addi %scan3A_150, %scan3A_151 : i32
    %scan3A_153 = arith.constant 1 : i32
    scf.for %scan3A_530 = %scan3A_150 to %scan3A_152 step %scan3A_153  : i32 {
      %mul3A_531 = arith.constant 3 : i32
      %mul3A_532 = arith.muli %mul3A_531, %scan3A_530 : i32
      %add3A_533 = arith.constant 1 : i32
      %add3A_534 = arith.addi %mul3A_532, %add3A_533 : i32
      %add3A_535 = arith.constant 0 : i32
      %add3A_536 = arith.addi %add3A_534, %add3A_535 : i32
      %mul3A_537 = arith.constant 8 : i32
      %mul3A_538 = arith.muli %add3A_536, %mul3A_537 : i32
      %add3A_539 = arith.addi %mul3A_2, %mul3A_538 : i32
      %dma_wait3A_540 = arith.constant 1 : i32
      %dma_wait3A_541 = arith.constant 0 : i32
      %dma_wait3A_542 = arith.constant 0 : i32
      %dma_wait3A_543 = tpu.memref_slice %arg5[%dma_wait3A_540, %dma_wait3A_541, %dma_wait3A_542] : memref<3x8x1024xf32, #tpu.memory_space<vmem>> -> memref<1x8x1024xf32, #tpu.memory_space<vmem>>
      %dma_wait3A_544 = tpu.memref_squeeze %dma_wait3A_543 : memref<1x8x1024xf32, #tpu.memory_space<vmem>> -> memref<8x1024xf32, #tpu.memory_space<vmem>>
      %dma_wait3A_545 = arith.constant 0 : i32
      %dma_wait3A_546 = tpu.memref_slice %arg3[%add3A_539, %dma_wait3A_545] : memref<8192x1024xf32, #tpu.memory_space<hbm>> -> memref<8x1024xf32, #tpu.memory_space<hbm>>
      %dma_wait3A_547 = arith.constant 0 : i32
      %dma_wait3A_548 = arith.constant 0 : i32
      %dma_wait3A_549 = tpu.memref_slice %arg5[%dma_wait3A_540, %dma_wait3A_547, %dma_wait3A_548] : memref<3x8x1024xf32, #tpu.memory_space<vmem>> -> memref<1x8x1024xf32, #tpu.memory_space<vmem>>
      %dma_wait3A_550 = tpu.memref_squeeze %dma_wait3A_549 : memref<1x8x1024xf32, #tpu.memory_space<vmem>> -> memref<8x1024xf32, #tpu.memory_space<vmem>>
      %dma_wait3A_551 = arith.constant 0 : i32
      %dma_wait3A_552 = tpu.memref_slice %arg3[%add3A_539, %dma_wait3A_551] : memref<8192x1024xf32, #tpu.memory_space<hbm>> -> memref<8x1024xf32, #tpu.memory_space<hbm>>
      tpu.wait_dma2 semaphore(%arg8 : memref<!tpu.dma_semaphore, #tpu.memory_space<semaphore_mem>>) src(%dma_wait3A_552 : memref<8x1024xf32, #tpu.memory_space<hbm>>) dst(%dma_wait3A_550 : memref<8x1024xf32, #tpu.memory_space<vmem>>)
      %dma_wait3A_553 = arith.constant 1 : i32
      %dma_wait3A_554 = arith.constant 0 : i32
      %dma_wait3A_555 = arith.constant 0 : i32
      %dma_wait3A_556 = arith.constant 0 : i32
      %dma_wait3A_557 = tpu.memref_slice %arg6[%dma_wait3A_553, %dma_wait3A_554, %dma_wait3A_555, %dma_wait3A_556] : memref<3x4x8x1024xf32, #tpu.memory_space<vmem>> -> memref<1x4x8x1024xf32, #tpu.memory_space<vmem>>
      %dma_wait3A_558 = tpu.memref_squeeze %dma_wait3A_557 : memref<1x4x8x1024xf32, #tpu.memory_space<vmem>> -> memref<4x8x1024xf32, #tpu.memory_space<vmem>>
      %dma_wait3A_559 = arith.constant 0 : i32
      %dma_wait3A_560 = arith.constant 0 : i32
      %dma_wait3A_561 = tpu.memref_slice %arg2[%dma_wait3A_559, %add3A_539, %dma_wait3A_560] : memref<4x8192x1024xf32, #tpu.memory_space<hbm>> -> memref<4x8x1024xf32, #tpu.memory_space<hbm>>
      %dma_wait3A_562 = arith.constant 0 : i32
      %dma_wait3A_563 = arith.constant 0 : i32
      %dma_wait3A_564 = arith.constant 0 : i32
      %dma_wait3A_565 = tpu.memref_slice %arg6[%dma_wait3A_553, %dma_wait3A_562, %dma_wait3A_563, %dma_wait3A_564] : memref<3x4x8x1024xf32, #tpu.memory_space<vmem>> -> memref<1x4x8x1024xf32, #tpu.memory_space<vmem>>
      %dma_wait3A_566 = tpu.memref_squeeze %dma_wait3A_565 : memref<1x4x8x1024xf32, #tpu.memory_space<vmem>> -> memref<4x8x1024xf32, #tpu.memory_space<vmem>>
      %dma_wait3A_567 = arith.constant 0 : i32
      %dma_wait3A_568 = arith.constant 0 : i32
      %dma_wait3A_569 = tpu.memref_slice %arg2[%dma_wait3A_567, %add3A_539, %dma_wait3A_568] : memref<4x8192x1024xf32, #tpu.memory_space<hbm>> -> memref<4x8x1024xf32, #tpu.memory_space<hbm>>
      tpu.wait_dma2 semaphore(%arg8 : memref<!tpu.dma_semaphore, #tpu.memory_space<semaphore_mem>>) src(%dma_wait3A_569 : memref<4x8x1024xf32, #tpu.memory_space<hbm>>) dst(%dma_wait3A_566 : memref<4x8x1024xf32, #tpu.memory_space<vmem>>)
      %parallel_loop3A_570 = arith.constant 0 : i32
      %parallel_loop3A_571 = arith.constant 512 : i32
      %parallel_loop3A_572 = arith.constant 1 : i32
      scf.for %parallel_loop3A_887 = %parallel_loop3A_570 to %parallel_loop3A_571 step %parallel_loop3A_572  : i32 {
        %parallel_loop3A_888 = arith.constant 64 : i32
        %parallel_loop3A_889 = arith.divsi %parallel_loop3A_887, %parallel_loop3A_888 : i32
        %parallel_loop3A_890 = arith.constant 0 : i32
        %parallel_loop3A_891 = arith.cmpi sgt, %parallel_loop3A_887, %parallel_loop3A_890 : i32
        %parallel_loop3A_892 = arith.extui %parallel_loop3A_891 : i1 to i32
        %parallel_loop3A_893 = arith.constant 0 : i32
        %parallel_loop3A_894 = arith.cmpi slt, %parallel_loop3A_887, %parallel_loop3A_893 : i32
        %parallel_loop3A_895 = arith.extui %parallel_loop3A_894 : i1 to i32
        %parallel_loop3A_896 = arith.subi %parallel_loop3A_892, %parallel_loop3A_895 : i32
        %parallel_loop3A_897 = arith.constant 0 : i32
        %parallel_loop3A_898 = arith.cmpi sgt, %parallel_loop3A_888, %parallel_loop3A_897 : i32
        %parallel_loop3A_899 = arith.extui %parallel_loop3A_898 : i1 to i32
        %parallel_loop3A_900 = arith.constant 0 : i32
        %parallel_loop3A_901 = arith.cmpi slt, %parallel_loop3A_888, %parallel_loop3A_900 : i32
        %parallel_loop3A_902 = arith.extui %parallel_loop3A_901 : i1 to i32
        %parallel_loop3A_903 = arith.subi %parallel_loop3A_899, %parallel_loop3A_902 : i32
        %parallel_loop3A_904 = arith.cmpi ne, %parallel_loop3A_896, %parallel_loop3A_903 : i32
        %parallel_loop3A_905 = arith.remsi %parallel_loop3A_887, %parallel_loop3A_888 : i32
        %parallel_loop3A_906 = arith.constant 0 : i32
        %parallel_loop3A_907 = arith.cmpi ne, %parallel_loop3A_905, %parallel_loop3A_906 : i32
        %parallel_loop3A_908 = arith.andi %parallel_loop3A_904, %parallel_loop3A_907 : i1
        %parallel_loop3A_909 = arith.constant 1 : i32
        %parallel_loop3A_910 = arith.subi %parallel_loop3A_889, %parallel_loop3A_909 : i32
        %parallel_loop3A_911 = arith.select %parallel_loop3A_908, %parallel_loop3A_910, %parallel_loop3A_889 : i32
        %parallel_loop3A_912 = arith.constant 64 : i32
        %parallel_loop3A_913 = arith.constant 0 : i32
        %parallel_loop3A_914 = arith.cmpi eq, %parallel_loop3A_912, %parallel_loop3A_913 : i32
        %parallel_loop3A_915 = arith.constant 1 : i32
        %parallel_loop3A_916 = arith.select %parallel_loop3A_914, %parallel_loop3A_915, %parallel_loop3A_912 : i32
        %parallel_loop3A_917 = arith.remsi %parallel_loop3A_887, %parallel_loop3A_916 : i32
        %parallel_loop3A_918 = arith.constant 0 : i32
        %parallel_loop3A_919 = arith.cmpi ne, %parallel_loop3A_917, %parallel_loop3A_918 : i32
        %parallel_loop3A_920 = arith.constant 0 : i32
        %parallel_loop3A_921 = arith.cmpi slt, %parallel_loop3A_917, %parallel_loop3A_920 : i32
        %parallel_loop3A_922 = arith.constant 0 : i32
        %parallel_loop3A_923 = arith.cmpi slt, %parallel_loop3A_916, %parallel_loop3A_922 : i32
        %parallel_loop3A_924 = arith.xori %parallel_loop3A_921, %parallel_loop3A_923 : i1
        %parallel_loop3A_925 = arith.andi %parallel_loop3A_924, %parallel_loop3A_919 : i1
        %parallel_loop3A_926 = arith.addi %parallel_loop3A_917, %parallel_loop3A_916 : i32
        %parallel_loop3A_927 = arith.select %parallel_loop3A_925, %parallel_loop3A_926, %parallel_loop3A_917 : i32
        %parallel_loop3A_928 = arith.constant 16 : i32
        %parallel_loop3A_929 = arith.muli %parallel_loop3A_927, %parallel_loop3A_928 : i32
        %parallel_loop3A_930 = arith.constant 1 : i32
        %parallel_loop3A_931 = arith.index_cast %parallel_loop3A_930 : i32 to index
        %parallel_loop3A_932 = arith.index_cast %parallel_loop3A_911 : i32 to index
        %parallel_loop3A_933 = arith.index_cast %parallel_loop3A_929 : i32 to index
        %parallel_loop3A_934 = tpu.vector_load %arg5[%parallel_loop3A_931, %parallel_loop3A_932, %parallel_loop3A_933] {strides = array<i32>} : memref<3x8x1024xf32, #tpu.memory_space<vmem>>, vector<1x1x16xf32>,
        %parallel_loop3A_935 = vector.shape_cast %parallel_loop3A_934 : vector<1x1x16xf32> to vector<16xf32>
        %parallel_loop3A_936 = arith.constant 1 : i32
        %parallel_loop3A_937 = arith.constant 0 : i32
        %parallel_loop3A_938 = arith.index_cast %parallel_loop3A_936 : i32 to index
        %parallel_loop3A_939 = arith.index_cast %parallel_loop3A_937 : i32 to index
        %parallel_loop3A_940 = arith.index_cast %parallel_loop3A_911 : i32 to index
        %parallel_loop3A_941 = arith.index_cast %parallel_loop3A_929 : i32 to index
        %parallel_loop3A_942 = tpu.vector_load %arg6[%parallel_loop3A_938, %parallel_loop3A_939, %parallel_loop3A_940, %parallel_loop3A_941] {strides = array<i32>} : memref<3x4x8x1024xf32, #tpu.memory_space<vmem>>, vector<1x1x1x16xf32>,
        %parallel_loop3A_943 = vector.shape_cast %parallel_loop3A_942 : vector<1x1x1x16xf32> to vector<16xf32>
        %parallel_loop3A_944 = arith.addf %parallel_loop3A_943, %parallel_loop3A_935 : vector<16xf32>
        %parallel_loop3A_945 = arith.constant 1 : i32
        %parallel_loop3A_946 = arith.constant 0 : i32
        %parallel_loop3A_947 = arith.index_cast %parallel_loop3A_945 : i32 to index
        %parallel_loop3A_948 = arith.index_cast %parallel_loop3A_946 : i32 to index
        %parallel_loop3A_949 = arith.index_cast %parallel_loop3A_911 : i32 to index
        %parallel_loop3A_950 = arith.index_cast %parallel_loop3A_929 : i32 to index
        %parallel_loop3A_951 = tpu.vector_load %arg6[%parallel_loop3A_947, %parallel_loop3A_948, %parallel_loop3A_949, %parallel_loop3A_950] {strides = array<i32>} : memref<3x4x8x1024xf32, #tpu.memory_space<vmem>>, vector<1x1x1x16xf32>,
        %parallel_loop3A_952 = vector.shape_cast %parallel_loop3A_951 : vector<1x1x1x16xf32> to vector<16xf32>
        %parallel_loop3A_953 = vector.shape_cast %parallel_loop3A_944 : vector<16xf32> to vector<1x1x1x16xf32>
        tpu.vector_store %arg6[%parallel_loop3A_947, %parallel_loop3A_948, %parallel_loop3A_949, %parallel_loop3A_950], %parallel_loop3A_953 {strides = array<i32>} : memref<3x4x8x1024xf32, #tpu.memory_space<vmem>>, vector<1x1x1x16xf32>,
        %parallel_loop3A_954 = arith.constant 1 : i32
        %parallel_loop3A_955 = arith.constant 1 : i32
        %parallel_loop3A_956 = arith.index_cast %parallel_loop3A_954 : i32 to index
        %parallel_loop3A_957 = arith.index_cast %parallel_loop3A_955 : i32 to index
        %parallel_loop3A_958 = arith.index_cast %parallel_loop3A_911 : i32 to index
        %parallel_loop3A_959 = arith.index_cast %parallel_loop3A_929 : i32 to index
        %parallel_loop3A_960 = tpu.vector_load %arg6[%parallel_loop3A_956, %parallel_loop3A_957, %parallel_loop3A_958, %parallel_loop3A_959] {strides = array<i32>} : memref<3x4x8x1024xf32, #tpu.memory_space<vmem>>, vector<1x1x1x16xf32>,
        %parallel_loop3A_961 = vector.shape_cast %parallel_loop3A_960 : vector<1x1x1x16xf32> to vector<16xf32>
        %parallel_loop3A_962 = arith.addf %parallel_loop3A_961, %parallel_loop3A_935 : vector<16xf32>
        %parallel_loop3A_963 = arith.constant 1 : i32
        %parallel_loop3A_964 = arith.constant 1 : i32
        %parallel_loop3A_965 = arith.index_cast %parallel_loop3A_963 : i32 to index
        %parallel_loop3A_966 = arith.index_cast %parallel_loop3A_964 : i32 to index
        %parallel_loop3A_967 = arith.index_cast %parallel_loop3A_911 : i32 to index
        %parallel_loop3A_968 = arith.index_cast %parallel_loop3A_929 : i32 to index
        %parallel_loop3A_969 = tpu.vector_load %arg6[%parallel_loop3A_965, %parallel_loop3A_966, %parallel_loop3A_967, %parallel_loop3A_968] {strides = array<i32>} : memref<3x4x8x1024xf32, #tpu.memory_space<vmem>>, vector<1x1x1x16xf32>,
        %parallel_loop3A_970 = vector.shape_cast %parallel_loop3A_969 : vector<1x1x1x16xf32> to vector<16xf32>
        %parallel_loop3A_971 = vector.shape_cast %parallel_loop3A_962 : vector<16xf32> to vector<1x1x1x16xf32>
        tpu.vector_store %arg6[%parallel_loop3A_965, %parallel_loop3A_966, %parallel_loop3A_967, %parallel_loop3A_968], %parallel_loop3A_971 {strides = array<i32>} : memref<3x4x8x1024xf32, #tpu.memory_space<vmem>>, vector<1x1x1x16xf32>,
        %parallel_loop3A_972 = arith.constant 1 : i32
        %parallel_loop3A_973 = arith.constant 2 : i32
        %parallel_loop3A_974 = arith.index_cast %parallel_loop3A_972 : i32 to index
        %parallel_loop3A_975 = arith.index_cast %parallel_loop3A_973 : i32 to index
        %parallel_loop3A_976 = arith.index_cast %parallel_loop3A_911 : i32 to index
        %parallel_loop3A_977 = arith.index_cast %parallel_loop3A_929 : i32 to index
        %parallel_loop3A_978 = tpu.vector_load %arg6[%parallel_loop3A_974, %parallel_loop3A_975, %parallel_loop3A_976, %parallel_loop3A_977] {strides = array<i32>} : memref<3x4x8x1024xf32, #tpu.memory_space<vmem>>, vector<1x1x1x16xf32>,
        %parallel_loop3A_979 = vector.shape_cast %parallel_loop3A_978 : vector<1x1x1x16xf32> to vector<16xf32>
        %parallel_loop3A_980 = arith.addf %parallel_loop3A_979, %parallel_loop3A_935 : vector<16xf32>
        %parallel_loop3A_981 = arith.constant 1 : i32
        %parallel_loop3A_982 = arith.constant 2 : i32
        %parallel_loop3A_983 = arith.index_cast %parallel_loop3A_981 : i32 to index
        %parallel_loop3A_984 = arith.index_cast %parallel_loop3A_982 : i32 to index
        %parallel_loop3A_985 = arith.index_cast %parallel_loop3A_911 : i32 to index
        %parallel_loop3A_986 = arith.index_cast %parallel_loop3A_929 : i32 to index
        %parallel_loop3A_987 = tpu.vector_load %arg6[%parallel_loop3A_983, %parallel_loop3A_984, %parallel_loop3A_985, %parallel_loop3A_986] {strides = array<i32>} : memref<3x4x8x1024xf32, #tpu.memory_space<vmem>>, vector<1x1x1x16xf32>,
        %parallel_loop3A_988 = vector.shape_cast %parallel_loop3A_987 : vector<1x1x1x16xf32> to vector<16xf32>
        %parallel_loop3A_989 = vector.shape_cast %parallel_loop3A_980 : vector<16xf32> to vector<1x1x1x16xf32>
        tpu.vector_store %arg6[%parallel_loop3A_983, %parallel_loop3A_984, %parallel_loop3A_985, %parallel_loop3A_986], %parallel_loop3A_989 {strides = array<i32>} : memref<3x4x8x1024xf32, #tpu.memory_space<vmem>>, vector<1x1x1x16xf32>,
        %parallel_loop3A_990 = arith.constant 1 : i32
        %parallel_loop3A_991 = arith.constant 3 : i32
        %parallel_loop3A_992 = arith.index_cast %parallel_loop3A_990 : i32 to index
        %parallel_loop3A_993 = arith.index_cast %parallel_loop3A_991 : i32 to index
        %parallel_loop3A_994 = arith.index_cast %parallel_loop3A_911 : i32 to index
        %parallel_loop3A_995 = arith.index_cast %parallel_loop3A_929 : i32 to index
        %parallel_loop3A_996 = tpu.vector_load %arg6[%parallel_loop3A_992, %parallel_loop3A_993, %parallel_loop3A_994, %parallel_loop3A_995] {strides = array<i32>} : memref<3x4x8x1024xf32, #tpu.memory_space<vmem>>, vector<1x1x1x16xf32>,
        %parallel_loop3A_997 = vector.shape_cast %parallel_loop3A_996 : vector<1x1x1x16xf32> to vector<16xf32>
        %parallel_loop3A_998 = arith.addf %parallel_loop3A_997, %parallel_loop3A_935 : vector<16xf32>
        %parallel_loop3A_999 = arith.constant 1 : i32
        %parallel_loop3A_1000 = arith.constant 3 : i32
        %parallel_loop3A_1001 = arith.index_cast %parallel_loop3A_999 : i32 to index
        %parallel_loop3A_1002 = arith.index_cast %parallel_loop3A_1000 : i32 to index
        %parallel_loop3A_1003 = arith.index_cast %parallel_loop3A_911 : i32 to index
        %parallel_loop3A_1004 = arith.index_cast %parallel_loop3A_929 : i32 to index
        %parallel_loop3A_1005 = tpu.vector_load %arg6[%parallel_loop3A_1001, %parallel_loop3A_1002, %parallel_loop3A_1003, %parallel_loop3A_1004] {strides = array<i32>} : memref<3x4x8x1024xf32, #tpu.memory_space<vmem>>, vector<1x1x1x16xf32>,
        %parallel_loop3A_1006 = vector.shape_cast %parallel_loop3A_1005 : vector<1x1x1x16xf32> to vector<16xf32>
        %parallel_loop3A_1007 = vector.shape_cast %parallel_loop3A_998 : vector<16xf32> to vector<1x1x1x16xf32>
        tpu.vector_store %arg6[%parallel_loop3A_1001, %parallel_loop3A_1002, %parallel_loop3A_1003, %parallel_loop3A_1004], %parallel_loop3A_1007 {strides = array<i32>} : memref<3x4x8x1024xf32, #tpu.memory_space<vmem>>, vector<1x1x1x16xf32>,
      } {sc.loop_unroll_factor = 4 : i64, sc.parallel_access}
      %mul3A_573 = arith.constant 8 : i32
      %mul3A_574 = arith.muli %add3A_536, %mul3A_573 : i32
      %add3A_575 = arith.addi %mul3A_2, %mul3A_574 : i32
      %dma_start3A_576 = arith.constant 1 : i32
      %dma_start3A_577 = arith.constant 0 : i32
      %dma_start3A_578 = arith.constant 0 : i32
      %dma_start3A_579 = arith.constant 0 : i32
      %dma_start3A_580 = tpu.memref_slice %arg6[%dma_start3A_576, %dma_start3A_577, %dma_start3A_578, %dma_start3A_579] : memref<3x4x8x1024xf32, #tpu.memory_space<vmem>> -> memref<1x4x8x1024xf32, #tpu.memory_space<vmem>>
      %dma_start3A_581 = tpu.memref_squeeze %dma_start3A_580 : memref<1x4x8x1024xf32, #tpu.memory_space<vmem>> -> memref<4x8x1024xf32, #tpu.memory_space<vmem>>
      %dma_start3A_582 = arith.constant 0 : i32
      %dma_start3A_583 = arith.constant 0 : i32
      %dma_start3A_584 = tpu.memref_slice %arg4[%dma_start3A_582, %add3A_575, %dma_start3A_583] : memref<4x8192x1024xf32, #tpu.memory_space<hbm>> -> memref<4x8x1024xf32, #tpu.memory_space<hbm>>
      %dma_start3A_585 = arith.constant 0 : i32
      %dma_start3A_586 = arith.constant 0 : i32
      %dma_start3A_587 = tpu.memref_slice %arg4[%dma_start3A_585, %add3A_575, %dma_start3A_586] : memref<4x8192x1024xf32, #tpu.memory_space<hbm>> -> memref<4x8x1024xf32, #tpu.memory_space<hbm>>
      %dma_start3A_588 = arith.constant 0 : i32
      %dma_start3A_589 = arith.constant 0 : i32
      %dma_start3A_590 = arith.constant 0 : i32
      %dma_start3A_591 = tpu.memref_slice %arg6[%dma_start3A_576, %dma_start3A_588, %dma_start3A_589, %dma_start3A_590] : memref<3x4x8x1024xf32, #tpu.memory_space<vmem>> -> memref<1x4x8x1024xf32, #tpu.memory_space<vmem>>
      %dma_start3A_592 = tpu.memref_squeeze %dma_start3A_591 : memref<1x4x8x1024xf32, #tpu.memory_space<vmem>> -> memref<4x8x1024xf32, #tpu.memory_space<vmem>>
      tpu.enqueue_dma source(%dma_start3A_592 : memref<4x8x1024xf32, #tpu.memory_space<vmem>>) target(%dma_start3A_587 : memref<4x8x1024xf32, #tpu.memory_space<hbm>>) target_semaphore(%arg11 : memref<!tpu.dma_semaphore, #tpu.memory_space<semaphore_mem>>)
      %sub3A = arith.constant 1 : i32
      %sub3A_593 = arith.subi %add3A_536, %sub3A : i32
      %mul3A_594 = arith.constant 8 : i32
      %mul3A_595 = arith.muli %sub3A_593, %mul3A_594 : i32
      %add3A_596 = arith.addi %mul3A_2, %mul3A_595 : i32
      %dma_wait3A_597 = arith.constant 0 : i32
      %dma_wait3A_598 = arith.constant 0 : i32
      %dma_wait3A_599 = arith.constant 0 : i32
      %dma_wait3A_600 = arith.constant 0 : i32
      %dma_wait3A_601 = tpu.memref_slice %arg6[%dma_wait3A_597, %dma_wait3A_598, %dma_wait3A_599, %dma_wait3A_600] : memref<3x4x8x1024xf32, #tpu.memory_space<vmem>> -> memref<1x4x8x1024xf32, #tpu.memory_space<vmem>>
      %dma_wait3A_602 = tpu.memref_squeeze %dma_wait3A_601 : memref<1x4x8x1024xf32, #tpu.memory_space<vmem>> -> memref<4x8x1024xf32, #tpu.memory_space<vmem>>
      %dma_wait3A_603 = arith.constant 0 : i32
      %dma_wait3A_604 = arith.constant 0 : i32
      %dma_wait3A_605 = tpu.memref_slice %arg4[%dma_wait3A_603, %add3A_596, %dma_wait3A_604] : memref<4x8192x1024xf32, #tpu.memory_space<hbm>> -> memref<4x8x1024xf32, #tpu.memory_space<hbm>>
      %dma_wait3A_606 = arith.constant 0 : i32
      %dma_wait3A_607 = arith.constant 0 : i32
      %dma_wait3A_608 = tpu.memref_slice %arg4[%dma_wait3A_606, %add3A_596, %dma_wait3A_607] : memref<4x8192x1024xf32, #tpu.memory_space<hbm>> -> memref<4x8x1024xf32, #tpu.memory_space<hbm>>
      %dma_wait3A_609 = arith.constant 0 : i32
      %dma_wait3A_610 = arith.constant 0 : i32
      %dma_wait3A_611 = arith.constant 0 : i32
      %dma_wait3A_612 = tpu.memref_slice %arg6[%dma_wait3A_597, %dma_wait3A_609, %dma_wait3A_610, %dma_wait3A_611] : memref<3x4x8x1024xf32, #tpu.memory_space<vmem>> -> memref<1x4x8x1024xf32, #tpu.memory_space<vmem>>
      %dma_wait3A_613 = tpu.memref_squeeze %dma_wait3A_612 : memref<1x4x8x1024xf32, #tpu.memory_space<vmem>> -> memref<4x8x1024xf32, #tpu.memory_space<vmem>>
      tpu.wait_dma2 semaphore(%arg10 : memref<!tpu.dma_semaphore, #tpu.memory_space<semaphore_mem>>) src(%dma_wait3A_613 : memref<4x8x1024xf32, #tpu.memory_space<vmem>>) dst(%dma_wait3A_608 : memref<4x8x1024xf32, #tpu.memory_space<hbm>>)
      %add3A_614 = arith.constant 2 : i32
      %add3A_615 = arith.addi %add3A_536, %add3A_614 : i32
      %mul3A_616 = arith.constant 8 : i32
      %mul3A_617 = arith.muli %add3A_615, %mul3A_616 : i32
      %add3A_618 = arith.addi %mul3A_2, %mul3A_617 : i32
      %dma_start3A_619 = arith.constant 0 : i32
      %dma_start3A_620 = arith.constant 0 : i32
      %dma_start3A_621 = arith.constant 0 : i32
      %dma_start3A_622 = tpu.memref_slice %arg5[%dma_start3A_619, %dma_start3A_620, %dma_start3A_621] : memref<3x8x1024xf32, #tpu.memory_space<vmem>> -> memref<1x8x1024xf32, #tpu.memory_space<vmem>>
      %dma_start3A_623 = tpu.memref_squeeze %dma_start3A_622 : memref<1x8x1024xf32, #tpu.memory_space<vmem>> -> memref<8x1024xf32, #tpu.memory_space<vmem>>
      %dma_start3A_624 = arith.constant 0 : i32
      %dma_start3A_625 = tpu.memref_slice %arg3[%add3A_618, %dma_start3A_624] : memref<8192x1024xf32, #tpu.memory_space<hbm>> -> memref<8x1024xf32, #tpu.memory_space<hbm>>
      %dma_start3A_626 = arith.constant 0 : i32
      %dma_start3A_627 = arith.constant 0 : i32
      %dma_start3A_628 = tpu.memref_slice %arg5[%dma_start3A_619, %dma_start3A_626, %dma_start3A_627] : memref<3x8x1024xf32, #tpu.memory_space<vmem>> -> memref<1x8x1024xf32, #tpu.memory_space<vmem>>
      %dma_start3A_629 = tpu.memref_squeeze %dma_start3A_628 : memref<1x8x1024xf32, #tpu.memory_space<vmem>> -> memref<8x1024xf32, #tpu.memory_space<vmem>>
      %dma_start3A_630 = arith.constant 0 : i32
      %dma_start3A_631 = tpu.memref_slice %arg3[%add3A_618, %dma_start3A_630] : memref<8192x1024xf32, #tpu.memory_space<hbm>> -> memref<8x1024xf32, #tpu.memory_space<hbm>>
      tpu.enqueue_dma source(%dma_start3A_631 : memref<8x1024xf32, #tpu.memory_space<hbm>>) target(%dma_start3A_629 : memref<8x1024xf32, #tpu.memory_space<vmem>>) target_semaphore(%arg7 : memref<!tpu.dma_semaphore, #tpu.memory_space<semaphore_mem>>)
      %dma_start3A_632 = arith.constant 0 : i32
      %dma_start3A_633 = arith.constant 0 : i32
      %dma_start3A_634 = arith.constant 0 : i32
      %dma_start3A_635 = arith.constant 0 : i32
      %dma_start3A_636 = tpu.memref_slice %arg6[%dma_start3A_632, %dma_start3A_633, %dma_start3A_634, %dma_start3A_635] : memref<3x4x8x1024xf32, #tpu.memory_space<vmem>> -> memref<1x4x8x1024xf32, #tpu.memory_space<vmem>>
      %dma_start3A_637 = tpu.memref_squeeze %dma_start3A_636 : memref<1x4x8x1024xf32, #tpu.memory_space<vmem>> -> memref<4x8x1024xf32, #tpu.memory_space<vmem>>
      %dma_start3A_638 = arith.constant 0 : i32
      %dma_start3A_639 = arith.constant 0 : i32
      %dma_start3A_640 = tpu.memref_slice %arg2[%dma_start3A_638, %add3A_618, %dma_start3A_639] : memref<4x8192x1024xf32, #tpu.memory_space<hbm>> -> memref<4x8x1024xf32, #tpu.memory_space<hbm>>
      %dma_start3A_641 = arith.constant 0 : i32
      %dma_start3A_642 = arith.constant 0 : i32
      %dma_start3A_643 = arith.constant 0 : i32
      %dma_start3A_644 = tpu.memref_slice %arg6[%dma_start3A_632, %dma_start3A_641, %dma_start3A_642, %dma_start3A_643] : memref<3x4x8x1024xf32, #tpu.memory_space<vmem>> -> memref<1x4x8x1024xf32, #tpu.memory_space<vmem>>
      %dma_start3A_645 = tpu.memref_squeeze %dma_start3A_644 : memref<1x4x8x1024xf32, #tpu.memory_space<vmem>> -> memref<4x8x1024xf32, #tpu.memory_space<vmem>>
      %dma_start3A_646 = arith.constant 0 : i32
      %dma_start3A_647 = arith.constant 0 : i32
      %dma_start3A_648 = tpu.memref_slice %arg2[%dma_start3A_646, %add3A_618, %dma_start3A_647] : memref<4x8192x1024xf32, #tpu.memory_space<hbm>> -> memref<4x8x1024xf32, #tpu.memory_space<hbm>>
      tpu.enqueue_dma source(%dma_start3A_648 : memref<4x8x1024xf32, #tpu.memory_space<hbm>>) target(%dma_start3A_645 : memref<4x8x1024xf32, #tpu.memory_space<vmem>>) target_semaphore(%arg7 : memref<!tpu.dma_semaphore, #tpu.memory_space<semaphore_mem>>)
      %mul3A_649 = arith.constant 3 : i32
      %mul3A_650 = arith.muli %mul3A_649, %scan3A_530 : i32
      %add3A_651 = arith.constant 1 : i32
      %add3A_652 = arith.addi %mul3A_650, %add3A_651 : i32
      %add3A_653 = arith.constant 1 : i32
      %add3A_654 = arith.addi %add3A_652, %add3A_653 : i32
      %mul3A_655 = arith.constant 8 : i32
      %mul3A_656 = arith.muli %add3A_654, %mul3A_655 : i32
      %add3A_657 = arith.addi %mul3A_2, %mul3A_656 : i32
      %dma_wait3A_658 = arith.constant 2 : i32
      %dma_wait3A_659 = arith.constant 0 : i32
      %dma_wait3A_660 = arith.constant 0 : i32
      %dma_wait3A_661 = tpu.memref_slice %arg5[%dma_wait3A_658, %dma_wait3A_659, %dma_wait3A_660] : memref<3x8x1024xf32, #tpu.memory_space<vmem>> -> memref<1x8x1024xf32, #tpu.memory_space<vmem>>
      %dma_wait3A_662 = tpu.memref_squeeze %dma_wait3A_661 : memref<1x8x1024xf32, #tpu.memory_space<vmem>> -> memref<8x1024xf32, #tpu.memory_space<vmem>>
      %dma_wait3A_663 = arith.constant 0 : i32
      %dma_wait3A_664 = tpu.memref_slice %arg3[%add3A_657, %dma_wait3A_663] : memref<8192x1024xf32, #tpu.memory_space<hbm>> -> memref<8x1024xf32, #tpu.memory_space<hbm>>
      %dma_wait3A_665 = arith.constant 0 : i32
      %dma_wait3A_666 = arith.constant 0 : i32
      %dma_wait3A_667 = tpu.memref_slice %arg5[%dma_wait3A_658, %dma_wait3A_665, %dma_wait3A_666] : memref<3x8x1024xf32, #tpu.memory_space<vmem>> -> memref<1x8x1024xf32, #tpu.memory_space<vmem>>
      %dma_wait3A_668 = tpu.memref_squeeze %dma_wait3A_667 : memref<1x8x1024xf32, #tpu.memory_space<vmem>> -> memref<8x1024xf32, #tpu.memory_space<vmem>>
      %dma_wait3A_669 = arith.constant 0 : i32
      %dma_wait3A_670 = tpu.memref_slice %arg3[%add3A_657, %dma_wait3A_669] : memref<8192x1024xf32, #tpu.memory_space<hbm>> -> memref<8x1024xf32, #tpu.memory_space<hbm>>
      tpu.wait_dma2 semaphore(%arg9 : memref<!tpu.dma_semaphore, #tpu.memory_space<semaphore_mem>>) src(%dma_wait3A_670 : memref<8x1024xf32, #tpu.memory_space<hbm>>) dst(%dma_wait3A_668 : memref<8x1024xf32, #tpu.memory_space<vmem>>)
      %dma_wait3A_671 = arith.constant 2 : i32
      %dma_wait3A_672 = arith.constant 0 : i32
      %dma_wait3A_673 = arith.constant 0 : i32
      %dma_wait3A_674 = arith.constant 0 : i32
      %dma_wait3A_675 = tpu.memref_slice %arg6[%dma_wait3A_671, %dma_wait3A_672, %dma_wait3A_673, %dma_wait3A_674] : memref<3x4x8x1024xf32, #tpu.memory_space<vmem>> -> memref<1x4x8x1024xf32, #tpu.memory_space<vmem>>
      %dma_wait3A_676 = tpu.memref_squeeze %dma_wait3A_675 : memref<1x4x8x1024xf32, #tpu.memory_space<vmem>> -> memref<4x8x1024xf32, #tpu.memory_space<vmem>>
      %dma_wait3A_677 = arith.constant 0 : i32
      %dma_wait3A_678 = arith.constant 0 : i32
      %dma_wait3A_679 = tpu.memref_slice %arg2[%dma_wait3A_677, %add3A_657, %dma_wait3A_678] : memref<4x8192x1024xf32, #tpu.memory_space<hbm>> -> memref<4x8x1024xf32, #tpu.memory_space<hbm>>
      %dma_wait3A_680 = arith.constant 0 : i32
      %dma_wait3A_681 = arith.constant 0 : i32
      %dma_wait3A_682 = arith.constant 0 : i32
      %dma_wait3A_683 = tpu.memref_slice %arg6[%dma_wait3A_671, %dma_wait3A_680, %dma_wait3A_681, %dma_wait3A_682] : memref<3x4x8x1024xf32, #tpu.memory_space<vmem>> -> memref<1x4x8x1024xf32, #tpu.memory_space<vmem>>
      %dma_wait3A_684 = tpu.memref_squeeze %dma_wait3A_683 : memref<1x4x8x1024xf32, #tpu.memory_space<vmem>> -> memref<4x8x1024xf32, #tpu.memory_space<vmem>>
      %dma_wait3A_685 = arith.constant 0 : i32
      %dma_wait3A_686 = arith.constant 0 : i32
      %dma_wait3A_687 = tpu.memref_slice %arg2[%dma_wait3A_685, %add3A_657, %dma_wait3A_686] : memref<4x8192x1024xf32, #tpu.memory_space<hbm>> -> memref<4x8x1024xf32, #tpu.memory_space<hbm>>
      tpu.wait_dma2 semaphore(%arg9 : memref<!tpu.dma_semaphore, #tpu.memory_space<semaphore_mem>>) src(%dma_wait3A_687 : memref<4x8x1024xf32, #tpu.memory_space<hbm>>) dst(%dma_wait3A_684 : memref<4x8x1024xf32, #tpu.memory_space<vmem>>)
      %parallel_loop3A_688 = arith.constant 0 : i32
      %parallel_loop3A_689 = arith.constant 512 : i32
      %parallel_loop3A_690 = arith.constant 1 : i32
      scf.for %parallel_loop3A_887 = %parallel_loop3A_688 to %parallel_loop3A_689 step %parallel_loop3A_690  : i32 {
        %parallel_loop3A_888 = arith.constant 64 : i32
        %parallel_loop3A_889 = arith.divsi %parallel_loop3A_887, %parallel_loop3A_888 : i32
        %parallel_loop3A_890 = arith.constant 0 : i32
        %parallel_loop3A_891 = arith.cmpi sgt, %parallel_loop3A_887, %parallel_loop3A_890 : i32
        %parallel_loop3A_892 = arith.extui %parallel_loop3A_891 : i1 to i32
        %parallel_loop3A_893 = arith.constant 0 : i32
        %parallel_loop3A_894 = arith.cmpi slt, %parallel_loop3A_887, %parallel_loop3A_893 : i32
        %parallel_loop3A_895 = arith.extui %parallel_loop3A_894 : i1 to i32
        %parallel_loop3A_896 = arith.subi %parallel_loop3A_892, %parallel_loop3A_895 : i32
        %parallel_loop3A_897 = arith.constant 0 : i32
        %parallel_loop3A_898 = arith.cmpi sgt, %parallel_loop3A_888, %parallel_loop3A_897 : i32
        %parallel_loop3A_899 = arith.extui %parallel_loop3A_898 : i1 to i32
        %parallel_loop3A_900 = arith.constant 0 : i32
        %parallel_loop3A_901 = arith.cmpi slt, %parallel_loop3A_888, %parallel_loop3A_900 : i32
        %parallel_loop3A_902 = arith.extui %parallel_loop3A_901 : i1 to i32
        %parallel_loop3A_903 = arith.subi %parallel_loop3A_899, %parallel_loop3A_902 : i32
        %parallel_loop3A_904 = arith.cmpi ne, %parallel_loop3A_896, %parallel_loop3A_903 : i32
        %parallel_loop3A_905 = arith.remsi %parallel_loop3A_887, %parallel_loop3A_888 : i32
        %parallel_loop3A_906 = arith.constant 0 : i32
        %parallel_loop3A_907 = arith.cmpi ne, %parallel_loop3A_905, %parallel_loop3A_906 : i32
        %parallel_loop3A_908 = arith.andi %parallel_loop3A_904, %parallel_loop3A_907 : i1
        %parallel_loop3A_909 = arith.constant 1 : i32
        %parallel_loop3A_910 = arith.subi %parallel_loop3A_889, %parallel_loop3A_909 : i32
        %parallel_loop3A_911 = arith.select %parallel_loop3A_908, %parallel_loop3A_910, %parallel_loop3A_889 : i32
        %parallel_loop3A_912 = arith.constant 64 : i32
        %parallel_loop3A_913 = arith.constant 0 : i32
        %parallel_loop3A_914 = arith.cmpi eq, %parallel_loop3A_912, %parallel_loop3A_913 : i32
        %parallel_loop3A_915 = arith.constant 1 : i32
        %parallel_loop3A_916 = arith.select %parallel_loop3A_914, %parallel_loop3A_915, %parallel_loop3A_912 : i32
        %parallel_loop3A_917 = arith.remsi %parallel_loop3A_887, %parallel_loop3A_916 : i32
        %parallel_loop3A_918 = arith.constant 0 : i32
        %parallel_loop3A_919 = arith.cmpi ne, %parallel_loop3A_917, %parallel_loop3A_918 : i32
        %parallel_loop3A_920 = arith.constant 0 : i32
        %parallel_loop3A_921 = arith.cmpi slt, %parallel_loop3A_917, %parallel_loop3A_920 : i32
        %parallel_loop3A_922 = arith.constant 0 : i32
        %parallel_loop3A_923 = arith.cmpi slt, %parallel_loop3A_916, %parallel_loop3A_922 : i32
        %parallel_loop3A_924 = arith.xori %parallel_loop3A_921, %parallel_loop3A_923 : i1
        %parallel_loop3A_925 = arith.andi %parallel_loop3A_924, %parallel_loop3A_919 : i1
        %parallel_loop3A_926 = arith.addi %parallel_loop3A_917, %parallel_loop3A_916 : i32
        %parallel_loop3A_927 = arith.select %parallel_loop3A_925, %parallel_loop3A_926, %parallel_loop3A_917 : i32
        %parallel_loop3A_928 = arith.constant 16 : i32
        %parallel_loop3A_929 = arith.muli %parallel_loop3A_927, %parallel_loop3A_928 : i32
        %parallel_loop3A_930 = arith.constant 2 : i32
        %parallel_loop3A_931 = arith.index_cast %parallel_loop3A_930 : i32 to index
        %parallel_loop3A_932 = arith.index_cast %parallel_loop3A_911 : i32 to index
        %parallel_loop3A_933 = arith.index_cast %parallel_loop3A_929 : i32 to index
        %parallel_loop3A_934 = tpu.vector_load %arg5[%parallel_loop3A_931, %parallel_loop3A_932, %parallel_loop3A_933] {strides = array<i32>} : memref<3x8x1024xf32, #tpu.memory_space<vmem>>, vector<1x1x16xf32>,
        %parallel_loop3A_935 = vector.shape_cast %parallel_loop3A_934 : vector<1x1x16xf32> to vector<16xf32>
        %parallel_loop3A_936 = arith.constant 2 : i32
        %parallel_loop3A_937 = arith.constant 0 : i32
        %parallel_loop3A_938 = arith.index_cast %parallel_loop3A_936 : i32 to index
        %parallel_loop3A_939 = arith.index_cast %parallel_loop3A_937 : i32 to index
        %parallel_loop3A_940 = arith.index_cast %parallel_loop3A_911 : i32 to index
        %parallel_loop3A_941 = arith.index_cast %parallel_loop3A_929 : i32 to index
        %parallel_loop3A_942 = tpu.vector_load %arg6[%parallel_loop3A_938, %parallel_loop3A_939, %parallel_loop3A_940, %parallel_loop3A_941] {strides = array<i32>} : memref<3x4x8x1024xf32, #tpu.memory_space<vmem>>, vector<1x1x1x16xf32>,
        %parallel_loop3A_943 = vector.shape_cast %parallel_loop3A_942 : vector<1x1x1x16xf32> to vector<16xf32>
        %parallel_loop3A_944 = arith.addf %parallel_loop3A_943, %parallel_loop3A_935 : vector<16xf32>
        %parallel_loop3A_945 = arith.constant 2 : i32
        %parallel_loop3A_946 = arith.constant 0 : i32
        %parallel_loop3A_947 = arith.index_cast %parallel_loop3A_945 : i32 to index
        %parallel_loop3A_948 = arith.index_cast %parallel_loop3A_946 : i32 to index
        %parallel_loop3A_949 = arith.index_cast %parallel_loop3A_911 : i32 to index
        %parallel_loop3A_950 = arith.index_cast %parallel_loop3A_929 : i32 to index
        %parallel_loop3A_951 = tpu.vector_load %arg6[%parallel_loop3A_947, %parallel_loop3A_948, %parallel_loop3A_949, %parallel_loop3A_950] {strides = array<i32>} : memref<3x4x8x1024xf32, #tpu.memory_space<vmem>>, vector<1x1x1x16xf32>,
        %parallel_loop3A_952 = vector.shape_cast %parallel_loop3A_951 : vector<1x1x1x16xf32> to vector<16xf32>
        %parallel_loop3A_953 = vector.shape_cast %parallel_loop3A_944 : vector<16xf32> to vector<1x1x1x16xf32>
        tpu.vector_store %arg6[%parallel_loop3A_947, %parallel_loop3A_948, %parallel_loop3A_949, %parallel_loop3A_950], %parallel_loop3A_953 {strides = array<i32>} : memref<3x4x8x1024xf32, #tpu.memory_space<vmem>>, vector<1x1x1x16xf32>,
        %parallel_loop3A_954 = arith.constant 2 : i32
        %parallel_loop3A_955 = arith.constant 1 : i32
        %parallel_loop3A_956 = arith.index_cast %parallel_loop3A_954 : i32 to index
        %parallel_loop3A_957 = arith.index_cast %parallel_loop3A_955 : i32 to index
        %parallel_loop3A_958 = arith.index_cast %parallel_loop3A_911 : i32 to index
        %parallel_loop3A_959 = arith.index_cast %parallel_loop3A_929 : i32 to index
        %parallel_loop3A_960 = tpu.vector_load %arg6[%parallel_loop3A_956, %parallel_loop3A_957, %parallel_loop3A_958, %parallel_loop3A_959] {strides = array<i32>} : memref<3x4x8x1024xf32, #tpu.memory_space<vmem>>, vector<1x1x1x16xf32>,
        %parallel_loop3A_961 = vector.shape_cast %parallel_loop3A_960 : vector<1x1x1x16xf32> to vector<16xf32>
        %parallel_loop3A_962 = arith.addf %parallel_loop3A_961, %parallel_loop3A_935 : vector<16xf32>
        %parallel_loop3A_963 = arith.constant 2 : i32
        %parallel_loop3A_964 = arith.constant 1 : i32
        %parallel_loop3A_965 = arith.index_cast %parallel_loop3A_963 : i32 to index
        %parallel_loop3A_966 = arith.index_cast %parallel_loop3A_964 : i32 to index
        %parallel_loop3A_967 = arith.index_cast %parallel_loop3A_911 : i32 to index
        %parallel_loop3A_968 = arith.index_cast %parallel_loop3A_929 : i32 to index
        %parallel_loop3A_969 = tpu.vector_load %arg6[%parallel_loop3A_965, %parallel_loop3A_966, %parallel_loop3A_967, %parallel_loop3A_968] {strides = array<i32>} : memref<3x4x8x1024xf32, #tpu.memory_space<vmem>>, vector<1x1x1x16xf32>,
        %parallel_loop3A_970 = vector.shape_cast %parallel_loop3A_969 : vector<1x1x1x16xf32> to vector<16xf32>
        %parallel_loop3A_971 = vector.shape_cast %parallel_loop3A_962 : vector<16xf32> to vector<1x1x1x16xf32>
        tpu.vector_store %arg6[%parallel_loop3A_965, %parallel_loop3A_966, %parallel_loop3A_967, %parallel_loop3A_968], %parallel_loop3A_971 {strides = array<i32>} : memref<3x4x8x1024xf32, #tpu.memory_space<vmem>>, vector<1x1x1x16xf32>,
        %parallel_loop3A_972 = arith.constant 2 : i32
        %parallel_loop3A_973 = arith.constant 2 : i32
        %parallel_loop3A_974 = arith.index_cast %parallel_loop3A_972 : i32 to index
        %parallel_loop3A_975 = arith.index_cast %parallel_loop3A_973 : i32 to index
        %parallel_loop3A_976 = arith.index_cast %parallel_loop3A_911 : i32 to index
        %parallel_loop3A_977 = arith.index_cast %parallel_loop3A_929 : i32 to index
        %parallel_loop3A_978 = tpu.vector_load %arg6[%parallel_loop3A_974, %parallel_loop3A_975, %parallel_loop3A_976, %parallel_loop3A_977] {strides = array<i32>} : memref<3x4x8x1024xf32, #tpu.memory_space<vmem>>, vector<1x1x1x16xf32>,
        %parallel_loop3A_979 = vector.shape_cast %parallel_loop3A_978 : vector<1x1x1x16xf32> to vector<16xf32>
        %parallel_loop3A_980 = arith.addf %parallel_loop3A_979, %parallel_loop3A_935 : vector<16xf32>
        %parallel_loop3A_981 = arith.constant 2 : i32
        %parallel_loop3A_982 = arith.constant 2 : i32
        %parallel_loop3A_983 = arith.index_cast %parallel_loop3A_981 : i32 to index
        %parallel_loop3A_984 = arith.index_cast %parallel_loop3A_982 : i32 to index
        %parallel_loop3A_985 = arith.index_cast %parallel_loop3A_911 : i32 to index
        %parallel_loop3A_986 = arith.index_cast %parallel_loop3A_929 : i32 to index
        %parallel_loop3A_987 = tpu.vector_load %arg6[%parallel_loop3A_983, %parallel_loop3A_984, %parallel_loop3A_985, %parallel_loop3A_986] {strides = array<i32>} : memref<3x4x8x1024xf32, #tpu.memory_space<vmem>>, vector<1x1x1x16xf32>,
        %parallel_loop3A_988 = vector.shape_cast %parallel_loop3A_987 : vector<1x1x1x16xf32> to vector<16xf32>
        %parallel_loop3A_989 = vector.shape_cast %parallel_loop3A_980 : vector<16xf32> to vector<1x1x1x16xf32>
        tpu.vector_store %arg6[%parallel_loop3A_983, %parallel_loop3A_984, %parallel_loop3A_985, %parallel_loop3A_986], %parallel_loop3A_989 {strides = array<i32>} : memref<3x4x8x1024xf32, #tpu.memory_space<vmem>>, vector<1x1x1x16xf32>,
        %parallel_loop3A_990 = arith.constant 2 : i32
        %parallel_loop3A_991 = arith.constant 3 : i32
        %parallel_loop3A_992 = arith.index_cast %parallel_loop3A_990 : i32 to index
        %parallel_loop3A_993 = arith.index_cast %parallel_loop3A_991 : i32 to index
        %parallel_loop3A_994 = arith.index_cast %parallel_loop3A_911 : i32 to index
        %parallel_loop3A_995 = arith.index_cast %parallel_loop3A_929 : i32 to index
        %parallel_loop3A_996 = tpu.vector_load %arg6[%parallel_loop3A_992, %parallel_loop3A_993, %parallel_loop3A_994, %parallel_loop3A_995] {strides = array<i32>} : memref<3x4x8x1024xf32, #tpu.memory_space<vmem>>, vector<1x1x1x16xf32>,
        %parallel_loop3A_997 = vector.shape_cast %parallel_loop3A_996 : vector<1x1x1x16xf32> to vector<16xf32>
        %parallel_loop3A_998 = arith.addf %parallel_loop3A_997, %parallel_loop3A_935 : vector<16xf32>
        %parallel_loop3A_999 = arith.constant 2 : i32
        %parallel_loop3A_1000 = arith.constant 3 : i32
        %parallel_loop3A_1001 = arith.index_cast %parallel_loop3A_999 : i32 to index
        %parallel_loop3A_1002 = arith.index_cast %parallel_loop3A_1000 : i32 to index
        %parallel_loop3A_1003 = arith.index_cast %parallel_loop3A_911 : i32 to index
        %parallel_loop3A_1004 = arith.index_cast %parallel_loop3A_929 : i32 to index
        %parallel_loop3A_1005 = tpu.vector_load %arg6[%parallel_loop3A_1001, %parallel_loop3A_1002, %parallel_loop3A_1003, %parallel_loop3A_1004] {strides = array<i32>} : memref<3x4x8x1024xf32, #tpu.memory_space<vmem>>, vector<1x1x1x16xf32>,
        %parallel_loop3A_1006 = vector.shape_cast %parallel_loop3A_1005 : vector<1x1x1x16xf32> to vector<16xf32>
        %parallel_loop3A_1007 = vector.shape_cast %parallel_loop3A_998 : vector<16xf32> to vector<1x1x1x16xf32>
        tpu.vector_store %arg6[%parallel_loop3A_1001, %parallel_loop3A_1002, %parallel_loop3A_1003, %parallel_loop3A_1004], %parallel_loop3A_1007 {strides = array<i32>} : memref<3x4x8x1024xf32, #tpu.memory_space<vmem>>, vector<1x1x1x16xf32>,
      } {sc.loop_unroll_factor = 4 : i64, sc.parallel_access}
      %mul3A_691 = arith.constant 8 : i32
      %mul3A_692 = arith.muli %add3A_654, %mul3A_691 : i32
      %add3A_693 = arith.addi %mul3A_2, %mul3A_692 : i32
      %dma_start3A_694 = arith.constant 2 : i32
      %dma_start3A_695 = arith.constant 0 : i32
      %dma_start3A_696 = arith.constant 0 : i32
      %dma_start3A_697 = arith.constant 0 : i32
      %dma_start3A_698 = tpu.memref_slice %arg6[%dma_start3A_694, %dma_start3A_695, %dma_start3A_696, %dma_start3A_697] : memref<3x4x8x1024xf32, #tpu.memory_space<vmem>> -> memref<1x4x8x1024xf32, #tpu.memory_space<vmem>>
      %dma_start3A_699 = tpu.memref_squeeze %dma_start3A_698 : memref<1x4x8x1024xf32, #tpu.memory_space<vmem>> -> memref<4x8x1024xf32, #tpu.memory_space<vmem>>
      %dma_start3A_700 = arith.constant 0 : i32
      %dma_start3A_701 = arith.constant 0 : i32
      %dma_start3A_702 = tpu.memref_slice %arg4[%dma_start3A_700, %add3A_693, %dma_start3A_701] : memref<4x8192x1024xf32, #tpu.memory_space<hbm>> -> memref<4x8x1024xf32, #tpu.memory_space<hbm>>
      %dma_start3A_703 = arith.constant 0 : i32
      %dma_start3A_704 = arith.constant 0 : i32
      %dma_start3A_705 = tpu.memref_slice %arg4[%dma_start3A_703, %add3A_693, %dma_start3A_704] : memref<4x8192x1024xf32, #tpu.memory_space<hbm>> -> memref<4x8x1024xf32, #tpu.memory_space<hbm>>
      %dma_start3A_706 = arith.constant 0 : i32
      %dma_start3A_707 = arith.constant 0 : i32
      %dma_start3A_708 = arith.constant 0 : i32
      %dma_start3A_709 = tpu.memref_slice %arg6[%dma_start3A_694, %dma_start3A_706, %dma_start3A_707, %dma_start3A_708] : memref<3x4x8x1024xf32, #tpu.memory_space<vmem>> -> memref<1x4x8x1024xf32, #tpu.memory_space<vmem>>
      %dma_start3A_710 = tpu.memref_squeeze %dma_start3A_709 : memref<1x4x8x1024xf32, #tpu.memory_space<vmem>> -> memref<4x8x1024xf32, #tpu.memory_space<vmem>>
      tpu.enqueue_dma source(%dma_start3A_710 : memref<4x8x1024xf32, #tpu.memory_space<vmem>>) target(%dma_start3A_705 : memref<4x8x1024xf32, #tpu.memory_space<hbm>>) target_semaphore(%arg12 : memref<!tpu.dma_semaphore, #tpu.memory_space<semaphore_mem>>)
      %sub3A_711 = arith.constant 1 : i32
      %sub3A_712 = arith.subi %add3A_654, %sub3A_711 : i32
      %mul3A_713 = arith.constant 8 : i32
      %mul3A_714 = arith.muli %sub3A_712, %mul3A_713 : i32
      %add3A_715 = arith.addi %mul3A_2, %mul3A_714 : i32
      %dma_wait3A_716 = arith.constant 1 : i32
      %dma_wait3A_717 = arith.constant 0 : i32
      %dma_wait3A_718 = arith.constant 0 : i32
      %dma_wait3A_719 = arith.constant 0 : i32
      %dma_wait3A_720 = tpu.memref_slice %arg6[%dma_wait3A_716, %dma_wait3A_717, %dma_wait3A_718, %dma_wait3A_719] : memref<3x4x8x1024xf32, #tpu.memory_space<vmem>> -> memref<1x4x8x1024xf32, #tpu.memory_space<vmem>>
      %dma_wait3A_721 = tpu.memref_squeeze %dma_wait3A_720 : memref<1x4x8x1024xf32, #tpu.memory_space<vmem>> -> memref<4x8x1024xf32, #tpu.memory_space<vmem>>
      %dma_wait3A_722 = arith.constant 0 : i32
      %dma_wait3A_723 = arith.constant 0 : i32
      %dma_wait3A_724 = tpu.memref_slice %arg4[%dma_wait3A_722, %add3A_715, %dma_wait3A_723] : memref<4x8192x1024xf32, #tpu.memory_space<hbm>> -> memref<4x8x1024xf32, #tpu.memory_space<hbm>>
      %dma_wait3A_725 = arith.constant 0 : i32
      %dma_wait3A_726 = arith.constant 0 : i32
      %dma_wait3A_727 = tpu.memref_slice %arg4[%dma_wait3A_725, %add3A_715, %dma_wait3A_726] : memref<4x8192x1024xf32, #tpu.memory_space<hbm>> -> memref<4x8x1024xf32, #tpu.memory_space<hbm>>
      %dma_wait3A_728 = arith.constant 0 : i32
      %dma_wait3A_729 = arith.constant 0 : i32
      %dma_wait3A_730 = arith.constant 0 : i32
      %dma_wait3A_731 = tpu.memref_slice %arg6[%dma_wait3A_716, %dma_wait3A_728, %dma_wait3A_729, %dma_wait3A_730] : memref<3x4x8x1024xf32, #tpu.memory_space<vmem>> -> memref<1x4x8x1024xf32, #tpu.memory_space<vmem>>
      %dma_wait3A_732 = tpu.memref_squeeze %dma_wait3A_731 : memref<1x4x8x1024xf32, #tpu.memory_space<vmem>> -> memref<4x8x1024xf32, #tpu.memory_space<vmem>>
      tpu.wait_dma2 semaphore(%arg11 : memref<!tpu.dma_semaphore, #tpu.memory_space<semaphore_mem>>) src(%dma_wait3A_732 : memref<4x8x1024xf32, #tpu.memory_space<vmem>>) dst(%dma_wait3A_727 : memref<4x8x1024xf32, #tpu.memory_space<hbm>>)
      %add3A_733 = arith.constant 2 : i32
      %add3A_734 = arith.addi %add3A_654, %add3A_733 : i32
      %mul3A_735 = arith.constant 8 : i32
      %mul3A_736 = arith.muli %add3A_734, %mul3A_735 : i32
      %add3A_737 = arith.addi %mul3A_2, %mul3A_736 : i32
      %dma_start3A_738 = arith.constant 1 : i32
      %dma_start3A_739 = arith.constant 0 : i32
      %dma_start3A_740 = arith.constant 0 : i32
      %dma_start3A_741 = tpu.memref_slice %arg5[%dma_start3A_738, %dma_start3A_739, %dma_start3A_740] : memref<3x8x1024xf32, #tpu.memory_space<vmem>> -> memref<1x8x1024xf32, #tpu.memory_space<vmem>>
      %dma_start3A_742 = tpu.memref_squeeze %dma_start3A_741 : memref<1x8x1024xf32, #tpu.memory_space<vmem>> -> memref<8x1024xf32, #tpu.memory_space<vmem>>
      %dma_start3A_743 = arith.constant 0 : i32
      %dma_start3A_744 = tpu.memref_slice %arg3[%add3A_737, %dma_start3A_743] : memref<8192x1024xf32, #tpu.memory_space<hbm>> -> memref<8x1024xf32, #tpu.memory_space<hbm>>
      %dma_start3A_745 = arith.constant 0 : i32
      %dma_start3A_746 = arith.constant 0 : i32
      %dma_start3A_747 = tpu.memref_slice %arg5[%dma_start3A_738, %dma_start3A_745, %dma_start3A_746] : memref<3x8x1024xf32, #tpu.memory_space<vmem>> -> memref<1x8x1024xf32, #tpu.memory_space<vmem>>
      %dma_start3A_748 = tpu.memref_squeeze %dma_start3A_747 : memref<1x8x1024xf32, #tpu.memory_space<vmem>> -> memref<8x1024xf32, #tpu.memory_space<vmem>>
      %dma_start3A_749 = arith.constant 0 : i32
      %dma_start3A_750 = tpu.memref_slice %arg3[%add3A_737, %dma_start3A_749] : memref<8192x1024xf32, #tpu.memory_space<hbm>> -> memref<8x1024xf32, #tpu.memory_space<hbm>>
      tpu.enqueue_dma source(%dma_start3A_750 : memref<8x1024xf32, #tpu.memory_space<hbm>>) target(%dma_start3A_748 : memref<8x1024xf32, #tpu.memory_space<vmem>>) target_semaphore(%arg8 : memref<!tpu.dma_semaphore, #tpu.memory_space<semaphore_mem>>)
      %dma_start3A_751 = arith.constant 1 : i32
      %dma_start3A_752 = arith.constant 0 : i32
      %dma_start3A_753 = arith.constant 0 : i32
      %dma_start3A_754 = arith.constant 0 : i32
      %dma_start3A_755 = tpu.memref_slice %arg6[%dma_start3A_751, %dma_start3A_752, %dma_start3A_753, %dma_start3A_754] : memref<3x4x8x1024xf32, #tpu.memory_space<vmem>> -> memref<1x4x8x1024xf32, #tpu.memory_space<vmem>>
      %dma_start3A_756 = tpu.memref_squeeze %dma_start3A_755 : memref<1x4x8x1024xf32, #tpu.memory_space<vmem>> -> memref<4x8x1024xf32, #tpu.memory_space<vmem>>
      %dma_start3A_757 = arith.constant 0 : i32
      %dma_start3A_758 = arith.constant 0 : i32
      %dma_start3A_759 = tpu.memref_slice %arg2[%dma_start3A_757, %add3A_737, %dma_start3A_758] : memref<4x8192x1024xf32, #tpu.memory_space<hbm>> -> memref<4x8x1024xf32, #tpu.memory_space<hbm>>
      %dma_start3A_760 = arith.constant 0 : i32
      %dma_start3A_761 = arith.constant 0 : i32
      %dma_start3A_762 = arith.constant 0 : i32
      %dma_start3A_763 = tpu.memref_slice %arg6[%dma_start3A_751, %dma_start3A_760, %dma_start3A_761, %dma_start3A_762] : memref<3x4x8x1024xf32, #tpu.memory_space<vmem>> -> memref<1x4x8x1024xf32, #tpu.memory_space<vmem>>
      %dma_start3A_764 = tpu.memref_squeeze %dma_start3A_763 : memref<1x4x8x1024xf32, #tpu.memory_space<vmem>> -> memref<4x8x1024xf32, #tpu.memory_space<vmem>>
      %dma_start3A_765 = arith.constant 0 : i32
      %dma_start3A_766 = arith.constant 0 : i32
      %dma_start3A_767 = tpu.memref_slice %arg2[%dma_start3A_765, %add3A_737, %dma_start3A_766] : memref<4x8192x1024xf32, #tpu.memory_space<hbm>> -> memref<4x8x1024xf32, #tpu.memory_space<hbm>>
      tpu.enqueue_dma source(%dma_start3A_767 : memref<4x8x1024xf32, #tpu.memory_space<hbm>>) target(%dma_start3A_764 : memref<4x8x1024xf32, #tpu.memory_space<vmem>>) target_semaphore(%arg8 : memref<!tpu.dma_semaphore, #tpu.memory_space<semaphore_mem>>)
      %mul3A_768 = arith.constant 3 : i32
      %mul3A_769 = arith.muli %mul3A_768, %scan3A_530 : i32
      %add3A_770 = arith.constant 1 : i32
      %add3A_771 = arith.addi %mul3A_769, %add3A_770 : i32
      %add3A_772 = arith.constant 2 : i32
      %add3A_773 = arith.addi %add3A_771, %add3A_772 : i32
      %mul3A_774 = arith.constant 8 : i32
      %mul3A_775 = arith.muli %add3A_773, %mul3A_774 : i32
      %add3A_776 = arith.addi %mul3A_2, %mul3A_775 : i32
      %dma_wait3A_777 = arith.constant 0 : i32
      %dma_wait3A_778 = arith.constant 0 : i32
      %dma_wait3A_779 = arith.constant 0 : i32
      %dma_wait3A_780 = tpu.memref_slice %arg5[%dma_wait3A_777, %dma_wait3A_778, %dma_wait3A_779] : memref<3x8x1024xf32, #tpu.memory_space<vmem>> -> memref<1x8x1024xf32, #tpu.memory_space<vmem>>
      %dma_wait3A_781 = tpu.memref_squeeze %dma_wait3A_780 : memref<1x8x1024xf32, #tpu.memory_space<vmem>> -> memref<8x1024xf32, #tpu.memory_space<vmem>>
      %dma_wait3A_782 = arith.constant 0 : i32
      %dma_wait3A_783 = tpu.memref_slice %arg3[%add3A_776, %dma_wait3A_782] : memref<8192x1024xf32, #tpu.memory_space<hbm>> -> memref<8x1024xf32, #tpu.memory_space<hbm>>
      %dma_wait3A_784 = arith.constant 0 : i32
      %dma_wait3A_785 = arith.constant 0 : i32
      %dma_wait3A_786 = tpu.memref_slice %arg5[%dma_wait3A_777, %dma_wait3A_784, %dma_wait3A_785] : memref<3x8x1024xf32, #tpu.memory_space<vmem>> -> memref<1x8x1024xf32, #tpu.memory_space<vmem>>
      %dma_wait3A_787 = tpu.memref_squeeze %dma_wait3A_786 : memref<1x8x1024xf32, #tpu.memory_space<vmem>> -> memref<8x1024xf32, #tpu.memory_space<vmem>>
      %dma_wait3A_788 = arith.constant 0 : i32
      %dma_wait3A_789 = tpu.memref_slice %arg3[%add3A_776, %dma_wait3A_788] : memref<8192x1024xf32, #tpu.memory_space<hbm>> -> memref<8x1024xf32, #tpu.memory_space<hbm>>
      tpu.wait_dma2 semaphore(%arg7 : memref<!tpu.dma_semaphore, #tpu.memory_space<semaphore_mem>>) src(%dma_wait3A_789 : memref<8x1024xf32, #tpu.memory_space<hbm>>) dst(%dma_wait3A_787 : memref<8x1024xf32, #tpu.memory_space<vmem>>)
      %dma_wait3A_790 = arith.constant 0 : i32
      %dma_wait3A_791 = arith.constant 0 : i32
      %dma_wait3A_792 = arith.constant 0 : i32
      %dma_wait3A_793 = arith.constant 0 : i32
      %dma_wait3A_794 = tpu.memref_slice %arg6[%dma_wait3A_790, %dma_wait3A_791, %dma_wait3A_792, %dma_wait3A_793] : memref<3x4x8x1024xf32, #tpu.memory_space<vmem>> -> memref<1x4x8x1024xf32, #tpu.memory_space<vmem>>
      %dma_wait3A_795 = tpu.memref_squeeze %dma_wait3A_794 : memref<1x4x8x1024xf32, #tpu.memory_space<vmem>> -> memref<4x8x1024xf32, #tpu.memory_space<vmem>>
      %dma_wait3A_796 = arith.constant 0 : i32
      %dma_wait3A_797 = arith.constant 0 : i32
      %dma_wait3A_798 = tpu.memref_slice %arg2[%dma_wait3A_796, %add3A_776, %dma_wait3A_797] : memref<4x8192x1024xf32, #tpu.memory_space<hbm>> -> memref<4x8x1024xf32, #tpu.memory_space<hbm>>
      %dma_wait3A_799 = arith.constant 0 : i32
      %dma_wait3A_800 = arith.constant 0 : i32
      %dma_wait3A_801 = arith.constant 0 : i32
      %dma_wait3A_802 = tpu.memref_slice %arg6[%dma_wait3A_790, %dma_wait3A_799, %dma_wait3A_800, %dma_wait3A_801] : memref<3x4x8x1024xf32, #tpu.memory_space<vmem>> -> memref<1x4x8x1024xf32, #tpu.memory_space<vmem>>
      %dma_wait3A_803 = tpu.memref_squeeze %dma_wait3A_802 : memref<1x4x8x1024xf32, #tpu.memory_space<vmem>> -> memref<4x8x1024xf32, #tpu.memory_space<vmem>>
      %dma_wait3A_804 = arith.constant 0 : i32
      %dma_wait3A_805 = arith.constant 0 : i32
      %dma_wait3A_806 = tpu.memref_slice %arg2[%dma_wait3A_804, %add3A_776, %dma_wait3A_805] : memref<4x8192x1024xf32, #tpu.memory_space<hbm>> -> memref<4x8x1024xf32, #tpu.memory_space<hbm>>
      tpu.wait_dma2 semaphore(%arg7 : memref<!tpu.dma_semaphore, #tpu.memory_space<semaphore_mem>>) src(%dma_wait3A_806 : memref<4x8x1024xf32, #tpu.memory_space<hbm>>) dst(%dma_wait3A_803 : memref<4x8x1024xf32, #tpu.memory_space<vmem>>)
      %parallel_loop3A_807 = arith.constant 0 : i32
      %parallel_loop3A_808 = arith.constant 512 : i32
      %parallel_loop3A_809 = arith.constant 1 : i32
      scf.for %parallel_loop3A_887 = %parallel_loop3A_807 to %parallel_loop3A_808 step %parallel_loop3A_809  : i32 {
        %parallel_loop3A_888 = arith.constant 64 : i32
        %parallel_loop3A_889 = arith.divsi %parallel_loop3A_887, %parallel_loop3A_888 : i32
        %parallel_loop3A_890 = arith.constant 0 : i32
        %parallel_loop3A_891 = arith.cmpi sgt, %parallel_loop3A_887, %parallel_loop3A_890 : i32
        %parallel_loop3A_892 = arith.extui %parallel_loop3A_891 : i1 to i32
        %parallel_loop3A_893 = arith.constant 0 : i32
        %parallel_loop3A_894 = arith.cmpi slt, %parallel_loop3A_887, %parallel_loop3A_893 : i32
        %parallel_loop3A_895 = arith.extui %parallel_loop3A_894 : i1 to i32
        %parallel_loop3A_896 = arith.subi %parallel_loop3A_892, %parallel_loop3A_895 : i32
        %parallel_loop3A_897 = arith.constant 0 : i32
        %parallel_loop3A_898 = arith.cmpi sgt, %parallel_loop3A_888, %parallel_loop3A_897 : i32
        %parallel_loop3A_899 = arith.extui %parallel_loop3A_898 : i1 to i32
        %parallel_loop3A_900 = arith.constant 0 : i32
        %parallel_loop3A_901 = arith.cmpi slt, %parallel_loop3A_888, %parallel_loop3A_900 : i32
        %parallel_loop3A_902 = arith.extui %parallel_loop3A_901 : i1 to i32
        %parallel_loop3A_903 = arith.subi %parallel_loop3A_899, %parallel_loop3A_902 : i32
        %parallel_loop3A_904 = arith.cmpi ne, %parallel_loop3A_896, %parallel_loop3A_903 : i32
        %parallel_loop3A_905 = arith.remsi %parallel_loop3A_887, %parallel_loop3A_888 : i32
        %parallel_loop3A_906 = arith.constant 0 : i32
        %parallel_loop3A_907 = arith.cmpi ne, %parallel_loop3A_905, %parallel_loop3A_906 : i32
        %parallel_loop3A_908 = arith.andi %parallel_loop3A_904, %parallel_loop3A_907 : i1
        %parallel_loop3A_909 = arith.constant 1 : i32
        %parallel_loop3A_910 = arith.subi %parallel_loop3A_889, %parallel_loop3A_909 : i32
        %parallel_loop3A_911 = arith.select %parallel_loop3A_908, %parallel_loop3A_910, %parallel_loop3A_889 : i32
        %parallel_loop3A_912 = arith.constant 64 : i32
        %parallel_loop3A_913 = arith.constant 0 : i32
        %parallel_loop3A_914 = arith.cmpi eq, %parallel_loop3A_912, %parallel_loop3A_913 : i32
        %parallel_loop3A_915 = arith.constant 1 : i32
        %parallel_loop3A_916 = arith.select %parallel_loop3A_914, %parallel_loop3A_915, %parallel_loop3A_912 : i32
        %parallel_loop3A_917 = arith.remsi %parallel_loop3A_887, %parallel_loop3A_916 : i32
        %parallel_loop3A_918 = arith.constant 0 : i32
        %parallel_loop3A_919 = arith.cmpi ne, %parallel_loop3A_917, %parallel_loop3A_918 : i32
        %parallel_loop3A_920 = arith.constant 0 : i32
        %parallel_loop3A_921 = arith.cmpi slt, %parallel_loop3A_917, %parallel_loop3A_920 : i32
        %parallel_loop3A_922 = arith.constant 0 : i32
        %parallel_loop3A_923 = arith.cmpi slt, %parallel_loop3A_916, %parallel_loop3A_922 : i32
        %parallel_loop3A_924 = arith.xori %parallel_loop3A_921, %parallel_loop3A_923 : i1
        %parallel_loop3A_925 = arith.andi %parallel_loop3A_924, %parallel_loop3A_919 : i1
        %parallel_loop3A_926 = arith.addi %parallel_loop3A_917, %parallel_loop3A_916 : i32
        %parallel_loop3A_927 = arith.select %parallel_loop3A_925, %parallel_loop3A_926, %parallel_loop3A_917 : i32
        %parallel_loop3A_928 = arith.constant 16 : i32
        %parallel_loop3A_929 = arith.muli %parallel_loop3A_927, %parallel_loop3A_928 : i32
        %parallel_loop3A_930 = arith.constant 0 : i32
        %parallel_loop3A_931 = arith.index_cast %parallel_loop3A_930 : i32 to index
        %parallel_loop3A_932 = arith.index_cast %parallel_loop3A_911 : i32 to index
        %parallel_loop3A_933 = arith.index_cast %parallel_loop3A_929 : i32 to index
        %parallel_loop3A_934 = tpu.vector_load %arg5[%parallel_loop3A_931, %parallel_loop3A_932, %parallel_loop3A_933] {strides = array<i32>} : memref<3x8x1024xf32, #tpu.memory_space<vmem>>, vector<1x1x16xf32>,
        %parallel_loop3A_935 = vector.shape_cast %parallel_loop3A_934 : vector<1x1x16xf32> to vector<16xf32>
        %parallel_loop3A_936 = arith.constant 0 : i32
        %parallel_loop3A_937 = arith.constant 0 : i32
        %parallel_loop3A_938 = arith.index_cast %parallel_loop3A_936 : i32 to index
        %parallel_loop3A_939 = arith.index_cast %parallel_loop3A_937 : i32 to index
        %parallel_loop3A_940 = arith.index_cast %parallel_loop3A_911 : i32 to index
        %parallel_loop3A_941 = arith.index_cast %parallel_loop3A_929 : i32 to index
        %parallel_loop3A_942 = tpu.vector_load %arg6[%parallel_loop3A_938, %parallel_loop3A_939, %parallel_loop3A_940, %parallel_loop3A_941] {strides = array<i32>} : memref<3x4x8x1024xf32, #tpu.memory_space<vmem>>, vector<1x1x1x16xf32>,
        %parallel_loop3A_943 = vector.shape_cast %parallel_loop3A_942 : vector<1x1x1x16xf32> to vector<16xf32>
        %parallel_loop3A_944 = arith.addf %parallel_loop3A_943, %parallel_loop3A_935 : vector<16xf32>
        %parallel_loop3A_945 = arith.constant 0 : i32
        %parallel_loop3A_946 = arith.constant 0 : i32
        %parallel_loop3A_947 = arith.index_cast %parallel_loop3A_945 : i32 to index
        %parallel_loop3A_948 = arith.index_cast %parallel_loop3A_946 : i32 to index
        %parallel_loop3A_949 = arith.index_cast %parallel_loop3A_911 : i32 to index
        %parallel_loop3A_950 = arith.index_cast %parallel_loop3A_929 : i32 to index
        %parallel_loop3A_951 = tpu.vector_load %arg6[%parallel_loop3A_947, %parallel_loop3A_948, %parallel_loop3A_949, %parallel_loop3A_950] {strides = array<i32>} : memref<3x4x8x1024xf32, #tpu.memory_space<vmem>>, vector<1x1x1x16xf32>,
        %parallel_loop3A_952 = vector.shape_cast %parallel_loop3A_951 : vector<1x1x1x16xf32> to vector<16xf32>
        %parallel_loop3A_953 = vector.shape_cast %parallel_loop3A_944 : vector<16xf32> to vector<1x1x1x16xf32>
        tpu.vector_store %arg6[%parallel_loop3A_947, %parallel_loop3A_948, %parallel_loop3A_949, %parallel_loop3A_950], %parallel_loop3A_953 {strides = array<i32>} : memref<3x4x8x1024xf32, #tpu.memory_space<vmem>>, vector<1x1x1x16xf32>,
        %parallel_loop3A_954 = arith.constant 0 : i32
        %parallel_loop3A_955 = arith.constant 1 : i32
        %parallel_loop3A_956 = arith.index_cast %parallel_loop3A_954 : i32 to index
        %parallel_loop3A_957 = arith.index_cast %parallel_loop3A_955 : i32 to index
        %parallel_loop3A_958 = arith.index_cast %parallel_loop3A_911 : i32 to index
        %parallel_loop3A_959 = arith.index_cast %parallel_loop3A_929 : i32 to index
        %parallel_loop3A_960 = tpu.vector_load %arg6[%parallel_loop3A_956, %parallel_loop3A_957, %parallel_loop3A_958, %parallel_loop3A_959] {strides = array<i32>} : memref<3x4x8x1024xf32, #tpu.memory_space<vmem>>, vector<1x1x1x16xf32>,
        %parallel_loop3A_961 = vector.shape_cast %parallel_loop3A_960 : vector<1x1x1x16xf32> to vector<16xf32>
        %parallel_loop3A_962 = arith.addf %parallel_loop3A_961, %parallel_loop3A_935 : vector<16xf32>
        %parallel_loop3A_963 = arith.constant 0 : i32
        %parallel_loop3A_964 = arith.constant 1 : i32
        %parallel_loop3A_965 = arith.index_cast %parallel_loop3A_963 : i32 to index
        %parallel_loop3A_966 = arith.index_cast %parallel_loop3A_964 : i32 to index
        %parallel_loop3A_967 = arith.index_cast %parallel_loop3A_911 : i32 to index
        %parallel_loop3A_968 = arith.index_cast %parallel_loop3A_929 : i32 to index
        %parallel_loop3A_969 = tpu.vector_load %arg6[%parallel_loop3A_965, %parallel_loop3A_966, %parallel_loop3A_967, %parallel_loop3A_968] {strides = array<i32>} : memref<3x4x8x1024xf32, #tpu.memory_space<vmem>>, vector<1x1x1x16xf32>,
        %parallel_loop3A_970 = vector.shape_cast %parallel_loop3A_969 : vector<1x1x1x16xf32> to vector<16xf32>
        %parallel_loop3A_971 = vector.shape_cast %parallel_loop3A_962 : vector<16xf32> to vector<1x1x1x16xf32>
        tpu.vector_store %arg6[%parallel_loop3A_965, %parallel_loop3A_966, %parallel_loop3A_967, %parallel_loop3A_968], %parallel_loop3A_971 {strides = array<i32>} : memref<3x4x8x1024xf32, #tpu.memory_space<vmem>>, vector<1x1x1x16xf32>,
        %parallel_loop3A_972 = arith.constant 0 : i32
        %parallel_loop3A_973 = arith.constant 2 : i32
        %parallel_loop3A_974 = arith.index_cast %parallel_loop3A_972 : i32 to index
        %parallel_loop3A_975 = arith.index_cast %parallel_loop3A_973 : i32 to index
        %parallel_loop3A_976 = arith.index_cast %parallel_loop3A_911 : i32 to index
        %parallel_loop3A_977 = arith.index_cast %parallel_loop3A_929 : i32 to index
        %parallel_loop3A_978 = tpu.vector_load %arg6[%parallel_loop3A_974, %parallel_loop3A_975, %parallel_loop3A_976, %parallel_loop3A_977] {strides = array<i32>} : memref<3x4x8x1024xf32, #tpu.memory_space<vmem>>, vector<1x1x1x16xf32>,
        %parallel_loop3A_979 = vector.shape_cast %parallel_loop3A_978 : vector<1x1x1x16xf32> to vector<16xf32>
        %parallel_loop3A_980 = arith.addf %parallel_loop3A_979, %parallel_loop3A_935 : vector<16xf32>
        %parallel_loop3A_981 = arith.constant 0 : i32
        %parallel_loop3A_982 = arith.constant 2 : i32
        %parallel_loop3A_983 = arith.index_cast %parallel_loop3A_981 : i32 to index
        %parallel_loop3A_984 = arith.index_cast %parallel_loop3A_982 : i32 to index
        %parallel_loop3A_985 = arith.index_cast %parallel_loop3A_911 : i32 to index
        %parallel_loop3A_986 = arith.index_cast %parallel_loop3A_929 : i32 to index
        %parallel_loop3A_987 = tpu.vector_load %arg6[%parallel_loop3A_983, %parallel_loop3A_984, %parallel_loop3A_985, %parallel_loop3A_986] {strides = array<i32>} : memref<3x4x8x1024xf32, #tpu.memory_space<vmem>>, vector<1x1x1x16xf32>,
        %parallel_loop3A_988 = vector.shape_cast %parallel_loop3A_987 : vector<1x1x1x16xf32> to vector<16xf32>
        %parallel_loop3A_989 = vector.shape_cast %parallel_loop3A_980 : vector<16xf32> to vector<1x1x1x16xf32>
        tpu.vector_store %arg6[%parallel_loop3A_983, %parallel_loop3A_984, %parallel_loop3A_985, %parallel_loop3A_986], %parallel_loop3A_989 {strides = array<i32>} : memref<3x4x8x1024xf32, #tpu.memory_space<vmem>>, vector<1x1x1x16xf32>,
        %parallel_loop3A_990 = arith.constant 0 : i32
        %parallel_loop3A_991 = arith.constant 3 : i32
        %parallel_loop3A_992 = arith.index_cast %parallel_loop3A_990 : i32 to index
        %parallel_loop3A_993 = arith.index_cast %parallel_loop3A_991 : i32 to index
        %parallel_loop3A_994 = arith.index_cast %parallel_loop3A_911 : i32 to index
        %parallel_loop3A_995 = arith.index_cast %parallel_loop3A_929 : i32 to index
        %parallel_loop3A_996 = tpu.vector_load %arg6[%parallel_loop3A_992, %parallel_loop3A_993, %parallel_loop3A_994, %parallel_loop3A_995] {strides = array<i32>} : memref<3x4x8x1024xf32, #tpu.memory_space<vmem>>, vector<1x1x1x16xf32>,
        %parallel_loop3A_997 = vector.shape_cast %parallel_loop3A_996 : vector<1x1x1x16xf32> to vector<16xf32>
        %parallel_loop3A_998 = arith.addf %parallel_loop3A_997, %parallel_loop3A_935 : vector<16xf32>
        %parallel_loop3A_999 = arith.constant 0 : i32
        %parallel_loop3A_1000 = arith.constant 3 : i32
        %parallel_loop3A_1001 = arith.index_cast %parallel_loop3A_999 : i32 to index
        %parallel_loop3A_1002 = arith.index_cast %parallel_loop3A_1000 : i32 to index
        %parallel_loop3A_1003 = arith.index_cast %parallel_loop3A_911 : i32 to index
        %parallel_loop3A_1004 = arith.index_cast %parallel_loop3A_929 : i32 to index
        %parallel_loop3A_1005 = tpu.vector_load %arg6[%parallel_loop3A_1001, %parallel_loop3A_1002, %parallel_loop3A_1003, %parallel_loop3A_1004] {strides = array<i32>} : memref<3x4x8x1024xf32, #tpu.memory_space<vmem>>, vector<1x1x1x16xf32>,
        %parallel_loop3A_1006 = vector.shape_cast %parallel_loop3A_1005 : vector<1x1x1x16xf32> to vector<16xf32>
        %parallel_loop3A_1007 = vector.shape_cast %parallel_loop3A_998 : vector<16xf32> to vector<1x1x1x16xf32>
        tpu.vector_store %arg6[%parallel_loop3A_1001, %parallel_loop3A_1002, %parallel_loop3A_1003, %parallel_loop3A_1004], %parallel_loop3A_1007 {strides = array<i32>} : memref<3x4x8x1024xf32, #tpu.memory_space<vmem>>, vector<1x1x1x16xf32>,
      } {sc.loop_unroll_factor = 4 : i64, sc.parallel_access}
      %mul3A_810 = arith.constant 8 : i32
      %mul3A_811 = arith.muli %add3A_773, %mul3A_810 : i32
      %add3A_812 = arith.addi %mul3A_2, %mul3A_811 : i32
      %dma_start3A_813 = arith.constant 0 : i32
      %dma_start3A_814 = arith.constant 0 : i32
      %dma_start3A_815 = arith.constant 0 : i32
      %dma_start3A_816 = arith.constant 0 : i32
      %dma_start3A_817 = tpu.memref_slice %arg6[%dma_start3A_813, %dma_start3A_814, %dma_start3A_815, %dma_start3A_816] : memref<3x4x8x1024xf32, #tpu.memory_space<vmem>> -> memref<1x4x8x1024xf32, #tpu.memory_space<vmem>>
      %dma_start3A_818 = tpu.memref_squeeze %dma_start3A_817 : memref<1x4x8x1024xf32, #tpu.memory_space<vmem>> -> memref<4x8x1024xf32, #tpu.memory_space<vmem>>
      %dma_start3A_819 = arith.constant 0 : i32
      %dma_start3A_820 = arith.constant 0 : i32
      %dma_start3A_821 = tpu.memref_slice %arg4[%dma_start3A_819, %add3A_812, %dma_start3A_820] : memref<4x8192x1024xf32, #tpu.memory_space<hbm>> -> memref<4x8x1024xf32, #tpu.memory_space<hbm>>
      %dma_start3A_822 = arith.constant 0 : i32
      %dma_start3A_823 = arith.constant 0 : i32
      %dma_start3A_824 = tpu.memref_slice %arg4[%dma_start3A_822, %add3A_812, %dma_start3A_823] : memref<4x8192x1024xf32, #tpu.memory_space<hbm>> -> memref<4x8x1024xf32, #tpu.memory_space<hbm>>
      %dma_start3A_825 = arith.constant 0 : i32
      %dma_start3A_826 = arith.constant 0 : i32
      %dma_start3A_827 = arith.constant 0 : i32
      %dma_start3A_828 = tpu.memref_slice %arg6[%dma_start3A_813, %dma_start3A_825, %dma_start3A_826, %dma_start3A_827] : memref<3x4x8x1024xf32, #tpu.memory_space<vmem>> -> memref<1x4x8x1024xf32, #tpu.memory_space<vmem>>
      %dma_start3A_829 = tpu.memref_squeeze %dma_start3A_828 : memref<1x4x8x1024xf32, #tpu.memory_space<vmem>> -> memref<4x8x1024xf32, #tpu.memory_space<vmem>>
      tpu.enqueue_dma source(%dma_start3A_829 : memref<4x8x1024xf32, #tpu.memory_space<vmem>>) target(%dma_start3A_824 : memref<4x8x1024xf32, #tpu.memory_space<hbm>>) target_semaphore(%arg10 : memref<!tpu.dma_semaphore, #tpu.memory_space<semaphore_mem>>)
      %sub3A_830 = arith.constant 1 : i32
      %sub3A_831 = arith.subi %add3A_773, %sub3A_830 : i32
      %mul3A_832 = arith.constant 8 : i32
      %mul3A_833 = arith.muli %sub3A_831, %mul3A_832 : i32
      %add3A_834 = arith.addi %mul3A_2, %mul3A_833 : i32
      %dma_wait3A_835 = arith.constant 2 : i32
      %dma_wait3A_836 = arith.constant 0 : i32
      %dma_wait3A_837 = arith.constant 0 : i32
      %dma_wait3A_838 = arith.constant 0 : i32
      %dma_wait3A_839 = tpu.memref_slice %arg6[%dma_wait3A_835, %dma_wait3A_836, %dma_wait3A_837, %dma_wait3A_838] : memref<3x4x8x1024xf32, #tpu.memory_space<vmem>> -> memref<1x4x8x1024xf32, #tpu.memory_space<vmem>>
      %dma_wait3A_840 = tpu.memref_squeeze %dma_wait3A_839 : memref<1x4x8x1024xf32, #tpu.memory_space<vmem>> -> memref<4x8x1024xf32, #tpu.memory_space<vmem>>
      %dma_wait3A_841 = arith.constant 0 : i32
      %dma_wait3A_842 = arith.constant 0 : i32
      %dma_wait3A_843 = tpu.memref_slice %arg4[%dma_wait3A_841, %add3A_834, %dma_wait3A_842] : memref<4x8192x1024xf32, #tpu.memory_space<hbm>> -> memref<4x8x1024xf32, #tpu.memory_space<hbm>>
      %dma_wait3A_844 = arith.constant 0 : i32
      %dma_wait3A_845 = arith.constant 0 : i32
      %dma_wait3A_846 = tpu.memref_slice %arg4[%dma_wait3A_844, %add3A_834, %dma_wait3A_845] : memref<4x8192x1024xf32, #tpu.memory_space<hbm>> -> memref<4x8x1024xf32, #tpu.memory_space<hbm>>
      %dma_wait3A_847 = arith.constant 0 : i32
      %dma_wait3A_848 = arith.constant 0 : i32
      %dma_wait3A_849 = arith.constant 0 : i32
      %dma_wait3A_850 = tpu.memref_slice %arg6[%dma_wait3A_835, %dma_wait3A_847, %dma_wait3A_848, %dma_wait3A_849] : memref<3x4x8x1024xf32, #tpu.memory_space<vmem>> -> memref<1x4x8x1024xf32, #tpu.memory_space<vmem>>
      %dma_wait3A_851 = tpu.memref_squeeze %dma_wait3A_850 : memref<1x4x8x1024xf32, #tpu.memory_space<vmem>> -> memref<4x8x1024xf32, #tpu.memory_space<vmem>>
      tpu.wait_dma2 semaphore(%arg12 : memref<!tpu.dma_semaphore, #tpu.memory_space<semaphore_mem>>) src(%dma_wait3A_851 : memref<4x8x1024xf32, #tpu.memory_space<vmem>>) dst(%dma_wait3A_846 : memref<4x8x1024xf32, #tpu.memory_space<hbm>>)
      %add3A_852 = arith.constant 2 : i32
      %add3A_853 = arith.addi %add3A_773, %add3A_852 : i32
      %mul3A_854 = arith.constant 8 : i32
      %mul3A_855 = arith.muli %add3A_853, %mul3A_854 : i32
      %add3A_856 = arith.addi %mul3A_2, %mul3A_855 : i32
      %dma_start3A_857 = arith.constant 2 : i32
      %dma_start3A_858 = arith.constant 0 : i32
      %dma_start3A_859 = arith.constant 0 : i32
      %dma_start3A_860 = tpu.memref_slice %arg5[%dma_start3A_857, %dma_start3A_858, %dma_start3A_859] : memref<3x8x1024xf32, #tpu.memory_space<vmem>> -> memref<1x8x1024xf32, #tpu.memory_space<vmem>>
      %dma_start3A_861 = tpu.memref_squeeze %dma_start3A_860 : memref<1x8x1024xf32, #tpu.memory_space<vmem>> -> memref<8x1024xf32, #tpu.memory_space<vmem>>
      %dma_start3A_862 = arith.constant 0 : i32
      %dma_start3A_863 = tpu.memref_slice %arg3[%add3A_856, %dma_start3A_862] : memref<8192x1024xf32, #tpu.memory_space<hbm>> -> memref<8x1024xf32, #tpu.memory_space<hbm>>
      %dma_start3A_864 = arith.constant 0 : i32
      %dma_start3A_865 = arith.constant 0 : i32
      %dma_start3A_866 = tpu.memref_slice %arg5[%dma_start3A_857, %dma_start3A_864, %dma_start3A_865] : memref<3x8x1024xf32, #tpu.memory_space<vmem>> -> memref<1x8x1024xf32, #tpu.memory_space<vmem>>
      %dma_start3A_867 = tpu.memref_squeeze %dma_start3A_866 : memref<1x8x1024xf32, #tpu.memory_space<vmem>> -> memref<8x1024xf32, #tpu.memory_space<vmem>>
      %dma_start3A_868 = arith.constant 0 : i32
      %dma_start3A_869 = tpu.memref_slice %arg3[%add3A_856, %dma_start3A_868] : memref<8192x1024xf32, #tpu.memory_space<hbm>> -> memref<8x1024xf32, #tpu.memory_space<hbm>>
      tpu.enqueue_dma source(%dma_start3A_869 : memref<8x1024xf32, #tpu.memory_space<hbm>>) target(%dma_start3A_867 : memref<8x1024xf32, #tpu.memory_space<vmem>>) target_semaphore(%arg9 : memref<!tpu.dma_semaphore, #tpu.memory_space<semaphore_mem>>)
      %dma_start3A_870 = arith.constant 2 : i32
      %dma_start3A_871 = arith.constant 0 : i32
      %dma_start3A_872 = arith.constant 0 : i32
      %dma_start3A_873 = arith.constant 0 : i32
      %dma_start3A_874 = tpu.memref_slice %arg6[%dma_start3A_870, %dma_start3A_871, %dma_start3A_872, %dma_start3A_873] : memref<3x4x8x1024xf32, #tpu.memory_space<vmem>> -> memref<1x4x8x1024xf32, #tpu.memory_space<vmem>>
      %dma_start3A_875 = tpu.memref_squeeze %dma_start3A_874 : memref<1x4x8x1024xf32, #tpu.memory_space<vmem>> -> memref<4x8x1024xf32, #tpu.memory_space<vmem>>
      %dma_start3A_876 = arith.constant 0 : i32
      %dma_start3A_877 = arith.constant 0 : i32
      %dma_start3A_878 = tpu.memref_slice %arg2[%dma_start3A_876, %add3A_856, %dma_start3A_877] : memref<4x8192x1024xf32, #tpu.memory_space<hbm>> -> memref<4x8x1024xf32, #tpu.memory_space<hbm>>
      %dma_start3A_879 = arith.constant 0 : i32
      %dma_start3A_880 = arith.constant 0 : i32
      %dma_start3A_881 = arith.constant 0 : i32
      %dma_start3A_882 = tpu.memref_slice %arg6[%dma_start3A_870, %dma_start3A_879, %dma_start3A_880, %dma_start3A_881] : memref<3x4x8x1024xf32, #tpu.memory_space<vmem>> -> memref<1x4x8x1024xf32, #tpu.memory_space<vmem>>
      %dma_start3A_883 = tpu.memref_squeeze %dma_start3A_882 : memref<1x4x8x1024xf32, #tpu.memory_space<vmem>> -> memref<4x8x1024xf32, #tpu.memory_space<vmem>>
      %dma_start3A_884 = arith.constant 0 : i32
      %dma_start3A_885 = arith.constant 0 : i32
      %dma_start3A_886 = tpu.memref_slice %arg2[%dma_start3A_884, %add3A_856, %dma_start3A_885] : memref<4x8192x1024xf32, #tpu.memory_space<hbm>> -> memref<4x8x1024xf32, #tpu.memory_space<hbm>>
      tpu.enqueue_dma source(%dma_start3A_886 : memref<4x8x1024xf32, #tpu.memory_space<hbm>>) target(%dma_start3A_883 : memref<4x8x1024xf32, #tpu.memory_space<vmem>>) target_semaphore(%arg9 : memref<!tpu.dma_semaphore, #tpu.memory_space<semaphore_mem>>)
    }
    %scan3A_154 = arith.constant 9 : i32
    %add3A_155 = arith.constant 224 : i32
    %add3A_156 = arith.addi %mul3A_2, %add3A_155 : i32
    %dma_wait3A_157 = arith.constant 1 : i32
    %dma_wait3A_158 = arith.constant 0 : i32
    %dma_wait3A_159 = arith.constant 0 : i32
    %dma_wait3A_160 = tpu.memref_slice %arg5[%dma_wait3A_157, %dma_wait3A_158, %dma_wait3A_159] : memref<3x8x1024xf32, #tpu.memory_space<vmem>> -> memref<1x8x1024xf32, #tpu.memory_space<vmem>>
    %dma_wait3A_161 = tpu.memref_squeeze %dma_wait3A_160 : memref<1x8x1024xf32, #tpu.memory_space<vmem>> -> memref<8x1024xf32, #tpu.memory_space<vmem>>
    %dma_wait3A_162 = arith.constant 0 : i32
    %dma_wait3A_163 = tpu.memref_slice %arg3[%add3A_156, %dma_wait3A_162] : memref<8192x1024xf32, #tpu.memory_space<hbm>> -> memref<8x1024xf32, #tpu.memory_space<hbm>>
    %dma_wait3A_164 = arith.constant 0 : i32
    %dma_wait3A_165 = arith.constant 0 : i32
    %dma_wait3A_166 = tpu.memref_slice %arg5[%dma_wait3A_157, %dma_wait3A_164, %dma_wait3A_165] : memref<3x8x1024xf32, #tpu.memory_space<vmem>> -> memref<1x8x1024xf32, #tpu.memory_space<vmem>>
    %dma_wait3A_167 = tpu.memref_squeeze %dma_wait3A_166 : memref<1x8x1024xf32, #tpu.memory_space<vmem>> -> memref<8x1024xf32, #tpu.memory_space<vmem>>
    %dma_wait3A_168 = arith.constant 0 : i32
    %dma_wait3A_169 = tpu.memref_slice %arg3[%add3A_156, %dma_wait3A_168] : memref<8192x1024xf32, #tpu.memory_space<hbm>> -> memref<8x1024xf32, #tpu.memory_space<hbm>>
    tpu.wait_dma2 semaphore(%arg8 : memref<!tpu.dma_semaphore, #tpu.memory_space<semaphore_mem>>) src(%dma_wait3A_169 : memref<8x1024xf32, #tpu.memory_space<hbm>>) dst(%dma_wait3A_167 : memref<8x1024xf32, #tpu.memory_space<vmem>>)
    %dma_wait3A_170 = arith.constant 1 : i32
    %dma_wait3A_171 = arith.constant 0 : i32
    %dma_wait3A_172 = arith.constant 0 : i32
    %dma_wait3A_173 = arith.constant 0 : i32
    %dma_wait3A_174 = tpu.memref_slice %arg6[%dma_wait3A_170, %dma_wait3A_171, %dma_wait3A_172, %dma_wait3A_173] : memref<3x4x8x1024xf32, #tpu.memory_space<vmem>> -> memref<1x4x8x1024xf32, #tpu.memory_space<vmem>>
    %dma_wait3A_175 = tpu.memref_squeeze %dma_wait3A_174 : memref<1x4x8x1024xf32, #tpu.memory_space<vmem>> -> memref<4x8x1024xf32, #tpu.memory_space<vmem>>
    %dma_wait3A_176 = arith.constant 0 : i32
    %dma_wait3A_177 = arith.constant 0 : i32
    %dma_wait3A_178 = tpu.memref_slice %arg2[%dma_wait3A_176, %add3A_156, %dma_wait3A_177] : memref<4x8192x1024xf32, #tpu.memory_space<hbm>> -> memref<4x8x1024xf32, #tpu.memory_space<hbm>>
    %dma_wait3A_179 = arith.constant 0 : i32
    %dma_wait3A_180 = arith.constant 0 : i32
    %dma_wait3A_181 = arith.constant 0 : i32
    %dma_wait3A_182 = tpu.memref_slice %arg6[%dma_wait3A_170, %dma_wait3A_179, %dma_wait3A_180, %dma_wait3A_181] : memref<3x4x8x1024xf32, #tpu.memory_space<vmem>> -> memref<1x4x8x1024xf32, #tpu.memory_space<vmem>>
    %dma_wait3A_183 = tpu.memref_squeeze %dma_wait3A_182 : memref<1x4x8x1024xf32, #tpu.memory_space<vmem>> -> memref<4x8x1024xf32, #tpu.memory_space<vmem>>
    %dma_wait3A_184 = arith.constant 0 : i32
    %dma_wait3A_185 = arith.constant 0 : i32
    %dma_wait3A_186 = tpu.memref_slice %arg2[%dma_wait3A_184, %add3A_156, %dma_wait3A_185] : memref<4x8192x1024xf32, #tpu.memory_space<hbm>> -> memref<4x8x1024xf32, #tpu.memory_space<hbm>>
    tpu.wait_dma2 semaphore(%arg8 : memref<!tpu.dma_semaphore, #tpu.memory_space<semaphore_mem>>) src(%dma_wait3A_186 : memref<4x8x1024xf32, #tpu.memory_space<hbm>>) dst(%dma_wait3A_183 : memref<4x8x1024xf32, #tpu.memory_space<vmem>>)
    %parallel_loop3A_187 = arith.constant 0 : i32
    %parallel_loop3A_188 = arith.constant 512 : i32
    %parallel_loop3A_189 = arith.constant 1 : i32
    scf.for %parallel_loop3A_530 = %parallel_loop3A_187 to %parallel_loop3A_188 step %parallel_loop3A_189  : i32 {
      %parallel_loop3A_531 = arith.constant 64 : i32
      %parallel_loop3A_532 = arith.divsi %parallel_loop3A_530, %parallel_loop3A_531 : i32
      %parallel_loop3A_533 = arith.constant 0 : i32
      %parallel_loop3A_534 = arith.cmpi sgt, %parallel_loop3A_530, %parallel_loop3A_533 : i32
      %parallel_loop3A_535 = arith.extui %parallel_loop3A_534 : i1 to i32
      %parallel_loop3A_536 = arith.constant 0 : i32
      %parallel_loop3A_537 = arith.cmpi slt, %parallel_loop3A_530, %parallel_loop3A_536 : i32
      %parallel_loop3A_538 = arith.extui %parallel_loop3A_537 : i1 to i32
      %parallel_loop3A_539 = arith.subi %parallel_loop3A_535, %parallel_loop3A_538 : i32
      %parallel_loop3A_540 = arith.constant 0 : i32
      %parallel_loop3A_541 = arith.cmpi sgt, %parallel_loop3A_531, %parallel_loop3A_540 : i32
      %parallel_loop3A_542 = arith.extui %parallel_loop3A_541 : i1 to i32
      %parallel_loop3A_543 = arith.constant 0 : i32
      %parallel_loop3A_544 = arith.cmpi slt, %parallel_loop3A_531, %parallel_loop3A_543 : i32
      %parallel_loop3A_545 = arith.extui %parallel_loop3A_544 : i1 to i32
      %parallel_loop3A_546 = arith.subi %parallel_loop3A_542, %parallel_loop3A_545 : i32
      %parallel_loop3A_547 = arith.cmpi ne, %parallel_loop3A_539, %parallel_loop3A_546 : i32
      %parallel_loop3A_548 = arith.remsi %parallel_loop3A_530, %parallel_loop3A_531 : i32
      %parallel_loop3A_549 = arith.constant 0 : i32
      %parallel_loop3A_550 = arith.cmpi ne, %parallel_loop3A_548, %parallel_loop3A_549 : i32
      %parallel_loop3A_551 = arith.andi %parallel_loop3A_547, %parallel_loop3A_550 : i1
      %parallel_loop3A_552 = arith.constant 1 : i32
      %parallel_loop3A_553 = arith.subi %parallel_loop3A_532, %parallel_loop3A_552 : i32
      %parallel_loop3A_554 = arith.select %parallel_loop3A_551, %parallel_loop3A_553, %parallel_loop3A_532 : i32
      %parallel_loop3A_555 = arith.constant 64 : i32
      %parallel_loop3A_556 = arith.constant 0 : i32
      %parallel_loop3A_557 = arith.cmpi eq, %parallel_loop3A_555, %parallel_loop3A_556 : i32
      %parallel_loop3A_558 = arith.constant 1 : i32
      %parallel_loop3A_559 = arith.select %parallel_loop3A_557, %parallel_loop3A_558, %parallel_loop3A_555 : i32
      %parallel_loop3A_560 = arith.remsi %parallel_loop3A_530, %parallel_loop3A_559 : i32
      %parallel_loop3A_561 = arith.constant 0 : i32
      %parallel_loop3A_562 = arith.cmpi ne, %parallel_loop3A_560, %parallel_loop3A_561 : i32
      %parallel_loop3A_563 = arith.constant 0 : i32
      %parallel_loop3A_564 = arith.cmpi slt, %parallel_loop3A_560, %parallel_loop3A_563 : i32
      %parallel_loop3A_565 = arith.constant 0 : i32
      %parallel_loop3A_566 = arith.cmpi slt, %parallel_loop3A_559, %parallel_loop3A_565 : i32
      %parallel_loop3A_567 = arith.xori %parallel_loop3A_564, %parallel_loop3A_566 : i1
      %parallel_loop3A_568 = arith.andi %parallel_loop3A_567, %parallel_loop3A_562 : i1
      %parallel_loop3A_569 = arith.addi %parallel_loop3A_560, %parallel_loop3A_559 : i32
      %parallel_loop3A_570 = arith.select %parallel_loop3A_568, %parallel_loop3A_569, %parallel_loop3A_560 : i32
      %parallel_loop3A_571 = arith.constant 16 : i32
      %parallel_loop3A_572 = arith.muli %parallel_loop3A_570, %parallel_loop3A_571 : i32
      %parallel_loop3A_573 = arith.constant 1 : i32
      %parallel_loop3A_574 = arith.index_cast %parallel_loop3A_573 : i32 to index
      %parallel_loop3A_575 = arith.index_cast %parallel_loop3A_554 : i32 to index
      %parallel_loop3A_576 = arith.index_cast %parallel_loop3A_572 : i32 to index
      %parallel_loop3A_577 = tpu.vector_load %arg5[%parallel_loop3A_574, %parallel_loop3A_575, %parallel_loop3A_576] {strides = array<i32>} : memref<3x8x1024xf32, #tpu.memory_space<vmem>>, vector<1x1x16xf32>,
      %parallel_loop3A_578 = vector.shape_cast %parallel_loop3A_577 : vector<1x1x16xf32> to vector<16xf32>
      %parallel_loop3A_579 = arith.constant 1 : i32
      %parallel_loop3A_580 = arith.constant 0 : i32
      %parallel_loop3A_581 = arith.index_cast %parallel_loop3A_579 : i32 to index
      %parallel_loop3A_582 = arith.index_cast %parallel_loop3A_580 : i32 to index
      %parallel_loop3A_583 = arith.index_cast %parallel_loop3A_554 : i32 to index
      %parallel_loop3A_584 = arith.index_cast %parallel_loop3A_572 : i32 to index
      %parallel_loop3A_585 = tpu.vector_load %arg6[%parallel_loop3A_581, %parallel_loop3A_582, %parallel_loop3A_583, %parallel_loop3A_584] {strides = array<i32>} : memref<3x4x8x1024xf32, #tpu.memory_space<vmem>>, vector<1x1x1x16xf32>,
      %parallel_loop3A_586 = vector.shape_cast %parallel_loop3A_585 : vector<1x1x1x16xf32> to vector<16xf32>
      %parallel_loop3A_587 = arith.addf %parallel_loop3A_586, %parallel_loop3A_578 : vector<16xf32>
      %parallel_loop3A_588 = arith.constant 1 : i32
      %parallel_loop3A_589 = arith.constant 0 : i32
      %parallel_loop3A_590 = arith.index_cast %parallel_loop3A_588 : i32 to index
      %parallel_loop3A_591 = arith.index_cast %parallel_loop3A_589 : i32 to index
      %parallel_loop3A_592 = arith.index_cast %parallel_loop3A_554 : i32 to index
      %parallel_loop3A_593 = arith.index_cast %parallel_loop3A_572 : i32 to index
      %parallel_loop3A_594 = tpu.vector_load %arg6[%parallel_loop3A_590, %parallel_loop3A_591, %parallel_loop3A_592, %parallel_loop3A_593] {strides = array<i32>} : memref<3x4x8x1024xf32, #tpu.memory_space<vmem>>, vector<1x1x1x16xf32>,
      %parallel_loop3A_595 = vector.shape_cast %parallel_loop3A_594 : vector<1x1x1x16xf32> to vector<16xf32>
      %parallel_loop3A_596 = vector.shape_cast %parallel_loop3A_587 : vector<16xf32> to vector<1x1x1x16xf32>
      tpu.vector_store %arg6[%parallel_loop3A_590, %parallel_loop3A_591, %parallel_loop3A_592, %parallel_loop3A_593], %parallel_loop3A_596 {strides = array<i32>} : memref<3x4x8x1024xf32, #tpu.memory_space<vmem>>, vector<1x1x1x16xf32>,
      %parallel_loop3A_597 = arith.constant 1 : i32
      %parallel_loop3A_598 = arith.constant 1 : i32
      %parallel_loop3A_599 = arith.index_cast %parallel_loop3A_597 : i32 to index
      %parallel_loop3A_600 = arith.index_cast %parallel_loop3A_598 : i32 to index
      %parallel_loop3A_601 = arith.index_cast %parallel_loop3A_554 : i32 to index
      %parallel_loop3A_602 = arith.index_cast %parallel_loop3A_572 : i32 to index
      %parallel_loop3A_603 = tpu.vector_load %arg6[%parallel_loop3A_599, %parallel_loop3A_600, %parallel_loop3A_601, %parallel_loop3A_602] {strides = array<i32>} : memref<3x4x8x1024xf32, #tpu.memory_space<vmem>>, vector<1x1x1x16xf32>,
      %parallel_loop3A_604 = vector.shape_cast %parallel_loop3A_603 : vector<1x1x1x16xf32> to vector<16xf32>
      %parallel_loop3A_605 = arith.addf %parallel_loop3A_604, %parallel_loop3A_578 : vector<16xf32>
      %parallel_loop3A_606 = arith.constant 1 : i32
      %parallel_loop3A_607 = arith.constant 1 : i32
      %parallel_loop3A_608 = arith.index_cast %parallel_loop3A_606 : i32 to index
      %parallel_loop3A_609 = arith.index_cast %parallel_loop3A_607 : i32 to index
      %parallel_loop3A_610 = arith.index_cast %parallel_loop3A_554 : i32 to index
      %parallel_loop3A_611 = arith.index_cast %parallel_loop3A_572 : i32 to index
      %parallel_loop3A_612 = tpu.vector_load %arg6[%parallel_loop3A_608, %parallel_loop3A_609, %parallel_loop3A_610, %parallel_loop3A_611] {strides = array<i32>} : memref<3x4x8x1024xf32, #tpu.memory_space<vmem>>, vector<1x1x1x16xf32>,
      %parallel_loop3A_613 = vector.shape_cast %parallel_loop3A_612 : vector<1x1x1x16xf32> to vector<16xf32>
      %parallel_loop3A_614 = vector.shape_cast %parallel_loop3A_605 : vector<16xf32> to vector<1x1x1x16xf32>
      tpu.vector_store %arg6[%parallel_loop3A_608, %parallel_loop3A_609, %parallel_loop3A_610, %parallel_loop3A_611], %parallel_loop3A_614 {strides = array<i32>} : memref<3x4x8x1024xf32, #tpu.memory_space<vmem>>, vector<1x1x1x16xf32>,
      %parallel_loop3A_615 = arith.constant 1 : i32
      %parallel_loop3A_616 = arith.constant 2 : i32
      %parallel_loop3A_617 = arith.index_cast %parallel_loop3A_615 : i32 to index
      %parallel_loop3A_618 = arith.index_cast %parallel_loop3A_616 : i32 to index
      %parallel_loop3A_619 = arith.index_cast %parallel_loop3A_554 : i32 to index
      %parallel_loop3A_620 = arith.index_cast %parallel_loop3A_572 : i32 to index
      %parallel_loop3A_621 = tpu.vector_load %arg6[%parallel_loop3A_617, %parallel_loop3A_618, %parallel_loop3A_619, %parallel_loop3A_620] {strides = array<i32>} : memref<3x4x8x1024xf32, #tpu.memory_space<vmem>>, vector<1x1x1x16xf32>,
      %parallel_loop3A_622 = vector.shape_cast %parallel_loop3A_621 : vector<1x1x1x16xf32> to vector<16xf32>
      %parallel_loop3A_623 = arith.addf %parallel_loop3A_622, %parallel_loop3A_578 : vector<16xf32>
      %parallel_loop3A_624 = arith.constant 1 : i32
      %parallel_loop3A_625 = arith.constant 2 : i32
      %parallel_loop3A_626 = arith.index_cast %parallel_loop3A_624 : i32 to index
      %parallel_loop3A_627 = arith.index_cast %parallel_loop3A_625 : i32 to index
      %parallel_loop3A_628 = arith.index_cast %parallel_loop3A_554 : i32 to index
      %parallel_loop3A_629 = arith.index_cast %parallel_loop3A_572 : i32 to index
      %parallel_loop3A_630 = tpu.vector_load %arg6[%parallel_loop3A_626, %parallel_loop3A_627, %parallel_loop3A_628, %parallel_loop3A_629] {strides = array<i32>} : memref<3x4x8x1024xf32, #tpu.memory_space<vmem>>, vector<1x1x1x16xf32>,
      %parallel_loop3A_631 = vector.shape_cast %parallel_loop3A_630 : vector<1x1x1x16xf32> to vector<16xf32>
      %parallel_loop3A_632 = vector.shape_cast %parallel_loop3A_623 : vector<16xf32> to vector<1x1x1x16xf32>
      tpu.vector_store %arg6[%parallel_loop3A_626, %parallel_loop3A_627, %parallel_loop3A_628, %parallel_loop3A_629], %parallel_loop3A_632 {strides = array<i32>} : memref<3x4x8x1024xf32, #tpu.memory_space<vmem>>, vector<1x1x1x16xf32>,
      %parallel_loop3A_633 = arith.constant 1 : i32
      %parallel_loop3A_634 = arith.constant 3 : i32
      %parallel_loop3A_635 = arith.index_cast %parallel_loop3A_633 : i32 to index
      %parallel_loop3A_636 = arith.index_cast %parallel_loop3A_634 : i32 to index
      %parallel_loop3A_637 = arith.index_cast %parallel_loop3A_554 : i32 to index
      %parallel_loop3A_638 = arith.index_cast %parallel_loop3A_572 : i32 to index
      %parallel_loop3A_639 = tpu.vector_load %arg6[%parallel_loop3A_635, %parallel_loop3A_636, %parallel_loop3A_637, %parallel_loop3A_638] {strides = array<i32>} : memref<3x4x8x1024xf32, #tpu.memory_space<vmem>>, vector<1x1x1x16xf32>,
      %parallel_loop3A_640 = vector.shape_cast %parallel_loop3A_639 : vector<1x1x1x16xf32> to vector<16xf32>
      %parallel_loop3A_641 = arith.addf %parallel_loop3A_640, %parallel_loop3A_578 : vector<16xf32>
      %parallel_loop3A_642 = arith.constant 1 : i32
      %parallel_loop3A_643 = arith.constant 3 : i32
      %parallel_loop3A_644 = arith.index_cast %parallel_loop3A_642 : i32 to index
      %parallel_loop3A_645 = arith.index_cast %parallel_loop3A_643 : i32 to index
      %parallel_loop3A_646 = arith.index_cast %parallel_loop3A_554 : i32 to index
      %parallel_loop3A_647 = arith.index_cast %parallel_loop3A_572 : i32 to index
      %parallel_loop3A_648 = tpu.vector_load %arg6[%parallel_loop3A_644, %parallel_loop3A_645, %parallel_loop3A_646, %parallel_loop3A_647] {strides = array<i32>} : memref<3x4x8x1024xf32, #tpu.memory_space<vmem>>, vector<1x1x1x16xf32>,
      %parallel_loop3A_649 = vector.shape_cast %parallel_loop3A_648 : vector<1x1x1x16xf32> to vector<16xf32>
      %parallel_loop3A_650 = vector.shape_cast %parallel_loop3A_641 : vector<16xf32> to vector<1x1x1x16xf32>
      tpu.vector_store %arg6[%parallel_loop3A_644, %parallel_loop3A_645, %parallel_loop3A_646, %parallel_loop3A_647], %parallel_loop3A_650 {strides = array<i32>} : memref<3x4x8x1024xf32, #tpu.memory_space<vmem>>, vector<1x1x1x16xf32>,
    } {sc.loop_unroll_factor = 4 : i64, sc.parallel_access}
    %add3A_190 = arith.constant 224 : i32
    %add3A_191 = arith.addi %mul3A_2, %add3A_190 : i32
    %dma_start3A_192 = arith.constant 1 : i32
    %dma_start3A_193 = arith.constant 0 : i32
    %dma_start3A_194 = arith.constant 0 : i32
    %dma_start3A_195 = arith.constant 0 : i32
    %dma_start3A_196 = tpu.memref_slice %arg6[%dma_start3A_192, %dma_start3A_193, %dma_start3A_194, %dma_start3A_195] : memref<3x4x8x1024xf32, #tpu.memory_space<vmem>> -> memref<1x4x8x1024xf32, #tpu.memory_space<vmem>>
    %dma_start3A_197 = tpu.memref_squeeze %dma_start3A_196 : memref<1x4x8x1024xf32, #tpu.memory_space<vmem>> -> memref<4x8x1024xf32, #tpu.memory_space<vmem>>
    %dma_start3A_198 = arith.constant 0 : i32
    %dma_start3A_199 = arith.constant 0 : i32
    %dma_start3A_200 = tpu.memref_slice %arg4[%dma_start3A_198, %add3A_191, %dma_start3A_199] : memref<4x8192x1024xf32, #tpu.memory_space<hbm>> -> memref<4x8x1024xf32, #tpu.memory_space<hbm>>
    %dma_start3A_201 = arith.constant 0 : i32
    %dma_start3A_202 = arith.constant 0 : i32
    %dma_start3A_203 = tpu.memref_slice %arg4[%dma_start3A_201, %add3A_191, %dma_start3A_202] : memref<4x8192x1024xf32, #tpu.memory_space<hbm>> -> memref<4x8x1024xf32, #tpu.memory_space<hbm>>
    %dma_start3A_204 = arith.constant 0 : i32
    %dma_start3A_205 = arith.constant 0 : i32
    %dma_start3A_206 = arith.constant 0 : i32
    %dma_start3A_207 = tpu.memref_slice %arg6[%dma_start3A_192, %dma_start3A_204, %dma_start3A_205, %dma_start3A_206] : memref<3x4x8x1024xf32, #tpu.memory_space<vmem>> -> memref<1x4x8x1024xf32, #tpu.memory_space<vmem>>
    %dma_start3A_208 = tpu.memref_squeeze %dma_start3A_207 : memref<1x4x8x1024xf32, #tpu.memory_space<vmem>> -> memref<4x8x1024xf32, #tpu.memory_space<vmem>>
    tpu.enqueue_dma source(%dma_start3A_208 : memref<4x8x1024xf32, #tpu.memory_space<vmem>>) target(%dma_start3A_203 : memref<4x8x1024xf32, #tpu.memory_space<hbm>>) target_semaphore(%arg11 : memref<!tpu.dma_semaphore, #tpu.memory_space<semaphore_mem>>)
    %add3A_209 = arith.constant 216 : i32
    %add3A_210 = arith.addi %mul3A_2, %add3A_209 : i32
    %dma_wait3A_211 = arith.constant 0 : i32
    %dma_wait3A_212 = arith.constant 0 : i32
    %dma_wait3A_213 = arith.constant 0 : i32
    %dma_wait3A_214 = arith.constant 0 : i32
    %dma_wait3A_215 = tpu.memref_slice %arg6[%dma_wait3A_211, %dma_wait3A_212, %dma_wait3A_213, %dma_wait3A_214] : memref<3x4x8x1024xf32, #tpu.memory_space<vmem>> -> memref<1x4x8x1024xf32, #tpu.memory_space<vmem>>
    %dma_wait3A_216 = tpu.memref_squeeze %dma_wait3A_215 : memref<1x4x8x1024xf32, #tpu.memory_space<vmem>> -> memref<4x8x1024xf32, #tpu.memory_space<vmem>>
    %dma_wait3A_217 = arith.constant 0 : i32
    %dma_wait3A_218 = arith.constant 0 : i32
    %dma_wait3A_219 = tpu.memref_slice %arg4[%dma_wait3A_217, %add3A_210, %dma_wait3A_218] : memref<4x8192x1024xf32, #tpu.memory_space<hbm>> -> memref<4x8x1024xf32, #tpu.memory_space<hbm>>
    %dma_wait3A_220 = arith.constant 0 : i32
    %dma_wait3A_221 = arith.constant 0 : i32
    %dma_wait3A_222 = tpu.memref_slice %arg4[%dma_wait3A_220, %add3A_210, %dma_wait3A_221] : memref<4x8192x1024xf32, #tpu.memory_space<hbm>> -> memref<4x8x1024xf32, #tpu.memory_space<hbm>>
    %dma_wait3A_223 = arith.constant 0 : i32
    %dma_wait3A_224 = arith.constant 0 : i32
    %dma_wait3A_225 = arith.constant 0 : i32
    %dma_wait3A_226 = tpu.memref_slice %arg6[%dma_wait3A_211, %dma_wait3A_223, %dma_wait3A_224, %dma_wait3A_225] : memref<3x4x8x1024xf32, #tpu.memory_space<vmem>> -> memref<1x4x8x1024xf32, #tpu.memory_space<vmem>>
    %dma_wait3A_227 = tpu.memref_squeeze %dma_wait3A_226 : memref<1x4x8x1024xf32, #tpu.memory_space<vmem>> -> memref<4x8x1024xf32, #tpu.memory_space<vmem>>
    tpu.wait_dma2 semaphore(%arg10 : memref<!tpu.dma_semaphore, #tpu.memory_space<semaphore_mem>>) src(%dma_wait3A_227 : memref<4x8x1024xf32, #tpu.memory_space<vmem>>) dst(%dma_wait3A_222 : memref<4x8x1024xf32, #tpu.memory_space<hbm>>)
    %add3A_228 = arith.constant 240 : i32
    %add3A_229 = arith.addi %mul3A_2, %add3A_228 : i32
    %dma_start3A_230 = arith.constant 0 : i32
    %dma_start3A_231 = arith.constant 0 : i32
    %dma_start3A_232 = arith.constant 0 : i32
    %dma_start3A_233 = tpu.memref_slice %arg5[%dma_start3A_230, %dma_start3A_231, %dma_start3A_232] : memref<3x8x1024xf32, #tpu.memory_space<vmem>> -> memref<1x8x1024xf32, #tpu.memory_space<vmem>>
    %dma_start3A_234 = tpu.memref_squeeze %dma_start3A_233 : memref<1x8x1024xf32, #tpu.memory_space<vmem>> -> memref<8x1024xf32, #tpu.memory_space<vmem>>
    %dma_start3A_235 = arith.constant 0 : i32
    %dma_start3A_236 = tpu.memref_slice %arg3[%add3A_229, %dma_start3A_235] : memref<8192x1024xf32, #tpu.memory_space<hbm>> -> memref<8x1024xf32, #tpu.memory_space<hbm>>
    %dma_start3A_237 = arith.constant 0 : i32
    %dma_start3A_238 = arith.constant 0 : i32
    %dma_start3A_239 = tpu.memref_slice %arg5[%dma_start3A_230, %dma_start3A_237, %dma_start3A_238] : memref<3x8x1024xf32, #tpu.memory_space<vmem>> -> memref<1x8x1024xf32, #tpu.memory_space<vmem>>
    %dma_start3A_240 = tpu.memref_squeeze %dma_start3A_239 : memref<1x8x1024xf32, #tpu.memory_space<vmem>> -> memref<8x1024xf32, #tpu.memory_space<vmem>>
    %dma_start3A_241 = arith.constant 0 : i32
    %dma_start3A_242 = tpu.memref_slice %arg3[%add3A_229, %dma_start3A_241] : memref<8192x1024xf32, #tpu.memory_space<hbm>> -> memref<8x1024xf32, #tpu.memory_space<hbm>>
    tpu.enqueue_dma source(%dma_start3A_242 : memref<8x1024xf32, #tpu.memory_space<hbm>>) target(%dma_start3A_240 : memref<8x1024xf32, #tpu.memory_space<vmem>>) target_semaphore(%arg7 : memref<!tpu.dma_semaphore, #tpu.memory_space<semaphore_mem>>)
    %dma_start3A_243 = arith.constant 0 : i32
    %dma_start3A_244 = arith.constant 0 : i32
    %dma_start3A_245 = arith.constant 0 : i32
    %dma_start3A_246 = arith.constant 0 : i32
    %dma_start3A_247 = tpu.memref_slice %arg6[%dma_start3A_243, %dma_start3A_244, %dma_start3A_245, %dma_start3A_246] : memref<3x4x8x1024xf32, #tpu.memory_space<vmem>> -> memref<1x4x8x1024xf32, #tpu.memory_space<vmem>>
    %dma_start3A_248 = tpu.memref_squeeze %dma_start3A_247 : memref<1x4x8x1024xf32, #tpu.memory_space<vmem>> -> memref<4x8x1024xf32, #tpu.memory_space<vmem>>
    %dma_start3A_249 = arith.constant 0 : i32
    %dma_start3A_250 = arith.constant 0 : i32
    %dma_start3A_251 = tpu.memref_slice %arg2[%dma_start3A_249, %add3A_229, %dma_start3A_250] : memref<4x8192x1024xf32, #tpu.memory_space<hbm>> -> memref<4x8x1024xf32, #tpu.memory_space<hbm>>
    %dma_start3A_252 = arith.constant 0 : i32
    %dma_start3A_253 = arith.constant 0 : i32
    %dma_start3A_254 = arith.constant 0 : i32
    %dma_start3A_255 = tpu.memref_slice %arg6[%dma_start3A_243, %dma_start3A_252, %dma_start3A_253, %dma_start3A_254] : memref<3x4x8x1024xf32, #tpu.memory_space<vmem>> -> memref<1x4x8x1024xf32, #tpu.memory_space<vmem>>
    %dma_start3A_256 = tpu.memref_squeeze %dma_start3A_255 : memref<1x4x8x1024xf32, #tpu.memory_space<vmem>> -> memref<4x8x1024xf32, #tpu.memory_space<vmem>>
    %dma_start3A_257 = arith.constant 0 : i32
    %dma_start3A_258 = arith.constant 0 : i32
    %dma_start3A_259 = tpu.memref_slice %arg2[%dma_start3A_257, %add3A_229, %dma_start3A_258] : memref<4x8192x1024xf32, #tpu.memory_space<hbm>> -> memref<4x8x1024xf32, #tpu.memory_space<hbm>>
    tpu.enqueue_dma source(%dma_start3A_259 : memref<4x8x1024xf32, #tpu.memory_space<hbm>>) target(%dma_start3A_256 : memref<4x8x1024xf32, #tpu.memory_space<vmem>>) target_semaphore(%arg7 : memref<!tpu.dma_semaphore, #tpu.memory_space<semaphore_mem>>)
    %add3A_260 = arith.constant 232 : i32
    %add3A_261 = arith.addi %mul3A_2, %add3A_260 : i32
    %dma_wait3A_262 = arith.constant 2 : i32
    %dma_wait3A_263 = arith.constant 0 : i32
    %dma_wait3A_264 = arith.constant 0 : i32
    %dma_wait3A_265 = tpu.memref_slice %arg5[%dma_wait3A_262, %dma_wait3A_263, %dma_wait3A_264] : memref<3x8x1024xf32, #tpu.memory_space<vmem>> -> memref<1x8x1024xf32, #tpu.memory_space<vmem>>
    %dma_wait3A_266 = tpu.memref_squeeze %dma_wait3A_265 : memref<1x8x1024xf32, #tpu.memory_space<vmem>> -> memref<8x1024xf32, #tpu.memory_space<vmem>>
    %dma_wait3A_267 = arith.constant 0 : i32
    %dma_wait3A_268 = tpu.memref_slice %arg3[%add3A_261, %dma_wait3A_267] : memref<8192x1024xf32, #tpu.memory_space<hbm>> -> memref<8x1024xf32, #tpu.memory_space<hbm>>
    %dma_wait3A_269 = arith.constant 0 : i32
    %dma_wait3A_270 = arith.constant 0 : i32
    %dma_wait3A_271 = tpu.memref_slice %arg5[%dma_wait3A_262, %dma_wait3A_269, %dma_wait3A_270] : memref<3x8x1024xf32, #tpu.memory_space<vmem>> -> memref<1x8x1024xf32, #tpu.memory_space<vmem>>
    %dma_wait3A_272 = tpu.memref_squeeze %dma_wait3A_271 : memref<1x8x1024xf32, #tpu.memory_space<vmem>> -> memref<8x1024xf32, #tpu.memory_space<vmem>>
    %dma_wait3A_273 = arith.constant 0 : i32
    %dma_wait3A_274 = tpu.memref_slice %arg3[%add3A_261, %dma_wait3A_273] : memref<8192x1024xf32, #tpu.memory_space<hbm>> -> memref<8x1024xf32, #tpu.memory_space<hbm>>
    tpu.wait_dma2 semaphore(%arg9 : memref<!tpu.dma_semaphore, #tpu.memory_space<semaphore_mem>>) src(%dma_wait3A_274 : memref<8x1024xf32, #tpu.memory_space<hbm>>) dst(%dma_wait3A_272 : memref<8x1024xf32, #tpu.memory_space<vmem>>)
    %dma_wait3A_275 = arith.constant 2 : i32
    %dma_wait3A_276 = arith.constant 0 : i32
    %dma_wait3A_277 = arith.constant 0 : i32
    %dma_wait3A_278 = arith.constant 0 : i32
    %dma_wait3A_279 = tpu.memref_slice %arg6[%dma_wait3A_275, %dma_wait3A_276, %dma_wait3A_277, %dma_wait3A_278] : memref<3x4x8x1024xf32, #tpu.memory_space<vmem>> -> memref<1x4x8x1024xf32, #tpu.memory_space<vmem>>
    %dma_wait3A_280 = tpu.memref_squeeze %dma_wait3A_279 : memref<1x4x8x1024xf32, #tpu.memory_space<vmem>> -> memref<4x8x1024xf32, #tpu.memory_space<vmem>>
    %dma_wait3A_281 = arith.constant 0 : i32
    %dma_wait3A_282 = arith.constant 0 : i32
    %dma_wait3A_283 = tpu.memref_slice %arg2[%dma_wait3A_281, %add3A_261, %dma_wait3A_282] : memref<4x8192x1024xf32, #tpu.memory_space<hbm>> -> memref<4x8x1024xf32, #tpu.memory_space<hbm>>
    %dma_wait3A_284 = arith.constant 0 : i32
    %dma_wait3A_285 = arith.constant 0 : i32
    %dma_wait3A_286 = arith.constant 0 : i32
    %dma_wait3A_287 = tpu.memref_slice %arg6[%dma_wait3A_275, %dma_wait3A_284, %dma_wait3A_285, %dma_wait3A_286] : memref<3x4x8x1024xf32, #tpu.memory_space<vmem>> -> memref<1x4x8x1024xf32, #tpu.memory_space<vmem>>
    %dma_wait3A_288 = tpu.memref_squeeze %dma_wait3A_287 : memref<1x4x8x1024xf32, #tpu.memory_space<vmem>> -> memref<4x8x1024xf32, #tpu.memory_space<vmem>>
    %dma_wait3A_289 = arith.constant 0 : i32
    %dma_wait3A_290 = arith.constant 0 : i32
    %dma_wait3A_291 = tpu.memref_slice %arg2[%dma_wait3A_289, %add3A_261, %dma_wait3A_290] : memref<4x8192x1024xf32, #tpu.memory_space<hbm>> -> memref<4x8x1024xf32, #tpu.memory_space<hbm>>
    tpu.wait_dma2 semaphore(%arg9 : memref<!tpu.dma_semaphore, #tpu.memory_space<semaphore_mem>>) src(%dma_wait3A_291 : memref<4x8x1024xf32, #tpu.memory_space<hbm>>) dst(%dma_wait3A_288 : memref<4x8x1024xf32, #tpu.memory_space<vmem>>)
    %parallel_loop3A_292 = arith.constant 0 : i32
    %parallel_loop3A_293 = arith.constant 512 : i32
    %parallel_loop3A_294 = arith.constant 1 : i32
    scf.for %parallel_loop3A_530 = %parallel_loop3A_292 to %parallel_loop3A_293 step %parallel_loop3A_294  : i32 {
      %parallel_loop3A_531 = arith.constant 64 : i32
      %parallel_loop3A_532 = arith.divsi %parallel_loop3A_530, %parallel_loop3A_531 : i32
      %parallel_loop3A_533 = arith.constant 0 : i32
      %parallel_loop3A_534 = arith.cmpi sgt, %parallel_loop3A_530, %parallel_loop3A_533 : i32
      %parallel_loop3A_535 = arith.extui %parallel_loop3A_534 : i1 to i32
      %parallel_loop3A_536 = arith.constant 0 : i32
      %parallel_loop3A_537 = arith.cmpi slt, %parallel_loop3A_530, %parallel_loop3A_536 : i32
      %parallel_loop3A_538 = arith.extui %parallel_loop3A_537 : i1 to i32
      %parallel_loop3A_539 = arith.subi %parallel_loop3A_535, %parallel_loop3A_538 : i32
      %parallel_loop3A_540 = arith.constant 0 : i32
      %parallel_loop3A_541 = arith.cmpi sgt, %parallel_loop3A_531, %parallel_loop3A_540 : i32
      %parallel_loop3A_542 = arith.extui %parallel_loop3A_541 : i1 to i32
      %parallel_loop3A_543 = arith.constant 0 : i32
      %parallel_loop3A_544 = arith.cmpi slt, %parallel_loop3A_531, %parallel_loop3A_543 : i32
      %parallel_loop3A_545 = arith.extui %parallel_loop3A_544 : i1 to i32
      %parallel_loop3A_546 = arith.subi %parallel_loop3A_542, %parallel_loop3A_545 : i32
      %parallel_loop3A_547 = arith.cmpi ne, %parallel_loop3A_539, %parallel_loop3A_546 : i32
      %parallel_loop3A_548 = arith.remsi %parallel_loop3A_530, %parallel_loop3A_531 : i32
      %parallel_loop3A_549 = arith.constant 0 : i32
      %parallel_loop3A_550 = arith.cmpi ne, %parallel_loop3A_548, %parallel_loop3A_549 : i32
      %parallel_loop3A_551 = arith.andi %parallel_loop3A_547, %parallel_loop3A_550 : i1
      %parallel_loop3A_552 = arith.constant 1 : i32
      %parallel_loop3A_553 = arith.subi %parallel_loop3A_532, %parallel_loop3A_552 : i32
      %parallel_loop3A_554 = arith.select %parallel_loop3A_551, %parallel_loop3A_553, %parallel_loop3A_532 : i32
      %parallel_loop3A_555 = arith.constant 64 : i32
      %parallel_loop3A_556 = arith.constant 0 : i32
      %parallel_loop3A_557 = arith.cmpi eq, %parallel_loop3A_555, %parallel_loop3A_556 : i32
      %parallel_loop3A_558 = arith.constant 1 : i32
      %parallel_loop3A_559 = arith.select %parallel_loop3A_557, %parallel_loop3A_558, %parallel_loop3A_555 : i32
      %parallel_loop3A_560 = arith.remsi %parallel_loop3A_530, %parallel_loop3A_559 : i32
      %parallel_loop3A_561 = arith.constant 0 : i32
      %parallel_loop3A_562 = arith.cmpi ne, %parallel_loop3A_560, %parallel_loop3A_561 : i32
      %parallel_loop3A_563 = arith.constant 0 : i32
      %parallel_loop3A_564 = arith.cmpi slt, %parallel_loop3A_560, %parallel_loop3A_563 : i32
      %parallel_loop3A_565 = arith.constant 0 : i32
      %parallel_loop3A_566 = arith.cmpi slt, %parallel_loop3A_559, %parallel_loop3A_565 : i32
      %parallel_loop3A_567 = arith.xori %parallel_loop3A_564, %parallel_loop3A_566 : i1
      %parallel_loop3A_568 = arith.andi %parallel_loop3A_567, %parallel_loop3A_562 : i1
      %parallel_loop3A_569 = arith.addi %parallel_loop3A_560, %parallel_loop3A_559 : i32
      %parallel_loop3A_570 = arith.select %parallel_loop3A_568, %parallel_loop3A_569, %parallel_loop3A_560 : i32
      %parallel_loop3A_571 = arith.constant 16 : i32
      %parallel_loop3A_572 = arith.muli %parallel_loop3A_570, %parallel_loop3A_571 : i32
      %parallel_loop3A_573 = arith.constant 2 : i32
      %parallel_loop3A_574 = arith.index_cast %parallel_loop3A_573 : i32 to index
      %parallel_loop3A_575 = arith.index_cast %parallel_loop3A_554 : i32 to index
      %parallel_loop3A_576 = arith.index_cast %parallel_loop3A_572 : i32 to index
      %parallel_loop3A_577 = tpu.vector_load %arg5[%parallel_loop3A_574, %parallel_loop3A_575, %parallel_loop3A_576] {strides = array<i32>} : memref<3x8x1024xf32, #tpu.memory_space<vmem>>, vector<1x1x16xf32>,
      %parallel_loop3A_578 = vector.shape_cast %parallel_loop3A_577 : vector<1x1x16xf32> to vector<16xf32>
      %parallel_loop3A_579 = arith.constant 2 : i32
      %parallel_loop3A_580 = arith.constant 0 : i32
      %parallel_loop3A_581 = arith.index_cast %parallel_loop3A_579 : i32 to index
      %parallel_loop3A_582 = arith.index_cast %parallel_loop3A_580 : i32 to index
      %parallel_loop3A_583 = arith.index_cast %parallel_loop3A_554 : i32 to index
      %parallel_loop3A_584 = arith.index_cast %parallel_loop3A_572 : i32 to index
      %parallel_loop3A_585 = tpu.vector_load %arg6[%parallel_loop3A_581, %parallel_loop3A_582, %parallel_loop3A_583, %parallel_loop3A_584] {strides = array<i32>} : memref<3x4x8x1024xf32, #tpu.memory_space<vmem>>, vector<1x1x1x16xf32>,
      %parallel_loop3A_586 = vector.shape_cast %parallel_loop3A_585 : vector<1x1x1x16xf32> to vector<16xf32>
      %parallel_loop3A_587 = arith.addf %parallel_loop3A_586, %parallel_loop3A_578 : vector<16xf32>
      %parallel_loop3A_588 = arith.constant 2 : i32
      %parallel_loop3A_589 = arith.constant 0 : i32
      %parallel_loop3A_590 = arith.index_cast %parallel_loop3A_588 : i32 to index
      %parallel_loop3A_591 = arith.index_cast %parallel_loop3A_589 : i32 to index
      %parallel_loop3A_592 = arith.index_cast %parallel_loop3A_554 : i32 to index
      %parallel_loop3A_593 = arith.index_cast %parallel_loop3A_572 : i32 to index
      %parallel_loop3A_594 = tpu.vector_load %arg6[%parallel_loop3A_590, %parallel_loop3A_591, %parallel_loop3A_592, %parallel_loop3A_593] {strides = array<i32>} : memref<3x4x8x1024xf32, #tpu.memory_space<vmem>>, vector<1x1x1x16xf32>,
      %parallel_loop3A_595 = vector.shape_cast %parallel_loop3A_594 : vector<1x1x1x16xf32> to vector<16xf32>
      %parallel_loop3A_596 = vector.shape_cast %parallel_loop3A_587 : vector<16xf32> to vector<1x1x1x16xf32>
      tpu.vector_store %arg6[%parallel_loop3A_590, %parallel_loop3A_591, %parallel_loop3A_592, %parallel_loop3A_593], %parallel_loop3A_596 {strides = array<i32>} : memref<3x4x8x1024xf32, #tpu.memory_space<vmem>>, vector<1x1x1x16xf32>,
      %parallel_loop3A_597 = arith.constant 2 : i32
      %parallel_loop3A_598 = arith.constant 1 : i32
      %parallel_loop3A_599 = arith.index_cast %parallel_loop3A_597 : i32 to index
      %parallel_loop3A_600 = arith.index_cast %parallel_loop3A_598 : i32 to index
      %parallel_loop3A_601 = arith.index_cast %parallel_loop3A_554 : i32 to index
      %parallel_loop3A_602 = arith.index_cast %parallel_loop3A_572 : i32 to index
      %parallel_loop3A_603 = tpu.vector_load %arg6[%parallel_loop3A_599, %parallel_loop3A_600, %parallel_loop3A_601, %parallel_loop3A_602] {strides = array<i32>} : memref<3x4x8x1024xf32, #tpu.memory_space<vmem>>, vector<1x1x1x16xf32>,
      %parallel_loop3A_604 = vector.shape_cast %parallel_loop3A_603 : vector<1x1x1x16xf32> to vector<16xf32>
      %parallel_loop3A_605 = arith.addf %parallel_loop3A_604, %parallel_loop3A_578 : vector<16xf32>
      %parallel_loop3A_606 = arith.constant 2 : i32
      %parallel_loop3A_607 = arith.constant 1 : i32
      %parallel_loop3A_608 = arith.index_cast %parallel_loop3A_606 : i32 to index
      %parallel_loop3A_609 = arith.index_cast %parallel_loop3A_607 : i32 to index
      %parallel_loop3A_610 = arith.index_cast %parallel_loop3A_554 : i32 to index
      %parallel_loop3A_611 = arith.index_cast %parallel_loop3A_572 : i32 to index
      %parallel_loop3A_612 = tpu.vector_load %arg6[%parallel_loop3A_608, %parallel_loop3A_609, %parallel_loop3A_610, %parallel_loop3A_611] {strides = array<i32>} : memref<3x4x8x1024xf32, #tpu.memory_space<vmem>>, vector<1x1x1x16xf32>,
      %parallel_loop3A_613 = vector.shape_cast %parallel_loop3A_612 : vector<1x1x1x16xf32> to vector<16xf32>
      %parallel_loop3A_614 = vector.shape_cast %parallel_loop3A_605 : vector<16xf32> to vector<1x1x1x16xf32>
      tpu.vector_store %arg6[%parallel_loop3A_608, %parallel_loop3A_609, %parallel_loop3A_610, %parallel_loop3A_611], %parallel_loop3A_614 {strides = array<i32>} : memref<3x4x8x1024xf32, #tpu.memory_space<vmem>>, vector<1x1x1x16xf32>,
      %parallel_loop3A_615 = arith.constant 2 : i32
      %parallel_loop3A_616 = arith.constant 2 : i32
      %parallel_loop3A_617 = arith.index_cast %parallel_loop3A_615 : i32 to index
      %parallel_loop3A_618 = arith.index_cast %parallel_loop3A_616 : i32 to index
      %parallel_loop3A_619 = arith.index_cast %parallel_loop3A_554 : i32 to index
      %parallel_loop3A_620 = arith.index_cast %parallel_loop3A_572 : i32 to index
      %parallel_loop3A_621 = tpu.vector_load %arg6[%parallel_loop3A_617, %parallel_loop3A_618, %parallel_loop3A_619, %parallel_loop3A_620] {strides = array<i32>} : memref<3x4x8x1024xf32, #tpu.memory_space<vmem>>, vector<1x1x1x16xf32>,
      %parallel_loop3A_622 = vector.shape_cast %parallel_loop3A_621 : vector<1x1x1x16xf32> to vector<16xf32>
      %parallel_loop3A_623 = arith.addf %parallel_loop3A_622, %parallel_loop3A_578 : vector<16xf32>
      %parallel_loop3A_624 = arith.constant 2 : i32
      %parallel_loop3A_625 = arith.constant 2 : i32
      %parallel_loop3A_626 = arith.index_cast %parallel_loop3A_624 : i32 to index
      %parallel_loop3A_627 = arith.index_cast %parallel_loop3A_625 : i32 to index
      %parallel_loop3A_628 = arith.index_cast %parallel_loop3A_554 : i32 to index
      %parallel_loop3A_629 = arith.index_cast %parallel_loop3A_572 : i32 to index
      %parallel_loop3A_630 = tpu.vector_load %arg6[%parallel_loop3A_626, %parallel_loop3A_627, %parallel_loop3A_628, %parallel_loop3A_629] {strides = array<i32>} : memref<3x4x8x1024xf32, #tpu.memory_space<vmem>>, vector<1x1x1x16xf32>,
      %parallel_loop3A_631 = vector.shape_cast %parallel_loop3A_630 : vector<1x1x1x16xf32> to vector<16xf32>
      %parallel_loop3A_632 = vector.shape_cast %parallel_loop3A_623 : vector<16xf32> to vector<1x1x1x16xf32>
      tpu.vector_store %arg6[%parallel_loop3A_626, %parallel_loop3A_627, %parallel_loop3A_628, %parallel_loop3A_629], %parallel_loop3A_632 {strides = array<i32>} : memref<3x4x8x1024xf32, #tpu.memory_space<vmem>>, vector<1x1x1x16xf32>,
      %parallel_loop3A_633 = arith.constant 2 : i32
      %parallel_loop3A_634 = arith.constant 3 : i32
      %parallel_loop3A_635 = arith.index_cast %parallel_loop3A_633 : i32 to index
      %parallel_loop3A_636 = arith.index_cast %parallel_loop3A_634 : i32 to index
      %parallel_loop3A_637 = arith.index_cast %parallel_loop3A_554 : i32 to index
      %parallel_loop3A_638 = arith.index_cast %parallel_loop3A_572 : i32 to index
      %parallel_loop3A_639 = tpu.vector_load %arg6[%parallel_loop3A_635, %parallel_loop3A_636, %parallel_loop3A_637, %parallel_loop3A_638] {strides = array<i32>} : memref<3x4x8x1024xf32, #tpu.memory_space<vmem>>, vector<1x1x1x16xf32>,
      %parallel_loop3A_640 = vector.shape_cast %parallel_loop3A_639 : vector<1x1x1x16xf32> to vector<16xf32>
      %parallel_loop3A_641 = arith.addf %parallel_loop3A_640, %parallel_loop3A_578 : vector<16xf32>
      %parallel_loop3A_642 = arith.constant 2 : i32
      %parallel_loop3A_643 = arith.constant 3 : i32
      %parallel_loop3A_644 = arith.index_cast %parallel_loop3A_642 : i32 to index
      %parallel_loop3A_645 = arith.index_cast %parallel_loop3A_643 : i32 to index
      %parallel_loop3A_646 = arith.index_cast %parallel_loop3A_554 : i32 to index
      %parallel_loop3A_647 = arith.index_cast %parallel_loop3A_572 : i32 to index
      %parallel_loop3A_648 = tpu.vector_load %arg6[%parallel_loop3A_644, %parallel_loop3A_645, %parallel_loop3A_646, %parallel_loop3A_647] {strides = array<i32>} : memref<3x4x8x1024xf32, #tpu.memory_space<vmem>>, vector<1x1x1x16xf32>,
      %parallel_loop3A_649 = vector.shape_cast %parallel_loop3A_648 : vector<1x1x1x16xf32> to vector<16xf32>
      %parallel_loop3A_650 = vector.shape_cast %parallel_loop3A_641 : vector<16xf32> to vector<1x1x1x16xf32>
      tpu.vector_store %arg6[%parallel_loop3A_644, %parallel_loop3A_645, %parallel_loop3A_646, %parallel_loop3A_647], %parallel_loop3A_650 {strides = array<i32>} : memref<3x4x8x1024xf32, #tpu.memory_space<vmem>>, vector<1x1x1x16xf32>,
    } {sc.loop_unroll_factor = 4 : i64, sc.parallel_access}
    %add3A_295 = arith.constant 232 : i32
    %add3A_296 = arith.addi %mul3A_2, %add3A_295 : i32
    %dma_start3A_297 = arith.constant 2 : i32
    %dma_start3A_298 = arith.constant 0 : i32
    %dma_start3A_299 = arith.constant 0 : i32
    %dma_start3A_300 = arith.constant 0 : i32
    %dma_start3A_301 = tpu.memref_slice %arg6[%dma_start3A_297, %dma_start3A_298, %dma_start3A_299, %dma_start3A_300] : memref<3x4x8x1024xf32, #tpu.memory_space<vmem>> -> memref<1x4x8x1024xf32, #tpu.memory_space<vmem>>
    %dma_start3A_302 = tpu.memref_squeeze %dma_start3A_301 : memref<1x4x8x1024xf32, #tpu.memory_space<vmem>> -> memref<4x8x1024xf32, #tpu.memory_space<vmem>>
    %dma_start3A_303 = arith.constant 0 : i32
    %dma_start3A_304 = arith.constant 0 : i32
    %dma_start3A_305 = tpu.memref_slice %arg4[%dma_start3A_303, %add3A_296, %dma_start3A_304] : memref<4x8192x1024xf32, #tpu.memory_space<hbm>> -> memref<4x8x1024xf32, #tpu.memory_space<hbm>>
    %dma_start3A_306 = arith.constant 0 : i32
    %dma_start3A_307 = arith.constant 0 : i32
    %dma_start3A_308 = tpu.memref_slice %arg4[%dma_start3A_306, %add3A_296, %dma_start3A_307] : memref<4x8192x1024xf32, #tpu.memory_space<hbm>> -> memref<4x8x1024xf32, #tpu.memory_space<hbm>>
    %dma_start3A_309 = arith.constant 0 : i32
    %dma_start3A_310 = arith.constant 0 : i32
    %dma_start3A_311 = arith.constant 0 : i32
    %dma_start3A_312 = tpu.memref_slice %arg6[%dma_start3A_297, %dma_start3A_309, %dma_start3A_310, %dma_start3A_311] : memref<3x4x8x1024xf32, #tpu.memory_space<vmem>> -> memref<1x4x8x1024xf32, #tpu.memory_space<vmem>>
    %dma_start3A_313 = tpu.memref_squeeze %dma_start3A_312 : memref<1x4x8x1024xf32, #tpu.memory_space<vmem>> -> memref<4x8x1024xf32, #tpu.memory_space<vmem>>
    tpu.enqueue_dma source(%dma_start3A_313 : memref<4x8x1024xf32, #tpu.memory_space<vmem>>) target(%dma_start3A_308 : memref<4x8x1024xf32, #tpu.memory_space<hbm>>) target_semaphore(%arg12 : memref<!tpu.dma_semaphore, #tpu.memory_space<semaphore_mem>>)
    %add3A_314 = arith.constant 224 : i32
    %add3A_315 = arith.addi %mul3A_2, %add3A_314 : i32
    %dma_wait3A_316 = arith.constant 1 : i32
    %dma_wait3A_317 = arith.constant 0 : i32
    %dma_wait3A_318 = arith.constant 0 : i32
    %dma_wait3A_319 = arith.constant 0 : i32
    %dma_wait3A_320 = tpu.memref_slice %arg6[%dma_wait3A_316, %dma_wait3A_317, %dma_wait3A_318, %dma_wait3A_319] : memref<3x4x8x1024xf32, #tpu.memory_space<vmem>> -> memref<1x4x8x1024xf32, #tpu.memory_space<vmem>>
    %dma_wait3A_321 = tpu.memref_squeeze %dma_wait3A_320 : memref<1x4x8x1024xf32, #tpu.memory_space<vmem>> -> memref<4x8x1024xf32, #tpu.memory_space<vmem>>
    %dma_wait3A_322 = arith.constant 0 : i32
    %dma_wait3A_323 = arith.constant 0 : i32
    %dma_wait3A_324 = tpu.memref_slice %arg4[%dma_wait3A_322, %add3A_315, %dma_wait3A_323] : memref<4x8192x1024xf32, #tpu.memory_space<hbm>> -> memref<4x8x1024xf32, #tpu.memory_space<hbm>>
    %dma_wait3A_325 = arith.constant 0 : i32
    %dma_wait3A_326 = arith.constant 0 : i32
    %dma_wait3A_327 = tpu.memref_slice %arg4[%dma_wait3A_325, %add3A_315, %dma_wait3A_326] : memref<4x8192x1024xf32, #tpu.memory_space<hbm>> -> memref<4x8x1024xf32, #tpu.memory_space<hbm>>
    %dma_wait3A_328 = arith.constant 0 : i32
    %dma_wait3A_329 = arith.constant 0 : i32
    %dma_wait3A_330 = arith.constant 0 : i32
    %dma_wait3A_331 = tpu.memref_slice %arg6[%dma_wait3A_316, %dma_wait3A_328, %dma_wait3A_329, %dma_wait3A_330] : memref<3x4x8x1024xf32, #tpu.memory_space<vmem>> -> memref<1x4x8x1024xf32, #tpu.memory_space<vmem>>
    %dma_wait3A_332 = tpu.memref_squeeze %dma_wait3A_331 : memref<1x4x8x1024xf32, #tpu.memory_space<vmem>> -> memref<4x8x1024xf32, #tpu.memory_space<vmem>>
    tpu.wait_dma2 semaphore(%arg11 : memref<!tpu.dma_semaphore, #tpu.memory_space<semaphore_mem>>) src(%dma_wait3A_332 : memref<4x8x1024xf32, #tpu.memory_space<vmem>>) dst(%dma_wait3A_327 : memref<4x8x1024xf32, #tpu.memory_space<hbm>>)
    %add3A_333 = arith.constant 248 : i32
    %add3A_334 = arith.addi %mul3A_2, %add3A_333 : i32
    %dma_start3A_335 = arith.constant 1 : i32
    %dma_start3A_336 = arith.constant 0 : i32
    %dma_start3A_337 = arith.constant 0 : i32
    %dma_start3A_338 = tpu.memref_slice %arg5[%dma_start3A_335, %dma_start3A_336, %dma_start3A_337] : memref<3x8x1024xf32, #tpu.memory_space<vmem>> -> memref<1x8x1024xf32, #tpu.memory_space<vmem>>
    %dma_start3A_339 = tpu.memref_squeeze %dma_start3A_338 : memref<1x8x1024xf32, #tpu.memory_space<vmem>> -> memref<8x1024xf32, #tpu.memory_space<vmem>>
    %dma_start3A_340 = arith.constant 0 : i32
    %dma_start3A_341 = tpu.memref_slice %arg3[%add3A_334, %dma_start3A_340] : memref<8192x1024xf32, #tpu.memory_space<hbm>> -> memref<8x1024xf32, #tpu.memory_space<hbm>>
    %dma_start3A_342 = arith.constant 0 : i32
    %dma_start3A_343 = arith.constant 0 : i32
    %dma_start3A_344 = tpu.memref_slice %arg5[%dma_start3A_335, %dma_start3A_342, %dma_start3A_343] : memref<3x8x1024xf32, #tpu.memory_space<vmem>> -> memref<1x8x1024xf32, #tpu.memory_space<vmem>>
    %dma_start3A_345 = tpu.memref_squeeze %dma_start3A_344 : memref<1x8x1024xf32, #tpu.memory_space<vmem>> -> memref<8x1024xf32, #tpu.memory_space<vmem>>
    %dma_start3A_346 = arith.constant 0 : i32
    %dma_start3A_347 = tpu.memref_slice %arg3[%add3A_334, %dma_start3A_346] : memref<8192x1024xf32, #tpu.memory_space<hbm>> -> memref<8x1024xf32, #tpu.memory_space<hbm>>
    tpu.enqueue_dma source(%dma_start3A_347 : memref<8x1024xf32, #tpu.memory_space<hbm>>) target(%dma_start3A_345 : memref<8x1024xf32, #tpu.memory_space<vmem>>) target_semaphore(%arg8 : memref<!tpu.dma_semaphore, #tpu.memory_space<semaphore_mem>>)
    %dma_start3A_348 = arith.constant 1 : i32
    %dma_start3A_349 = arith.constant 0 : i32
    %dma_start3A_350 = arith.constant 0 : i32
    %dma_start3A_351 = arith.constant 0 : i32
    %dma_start3A_352 = tpu.memref_slice %arg6[%dma_start3A_348, %dma_start3A_349, %dma_start3A_350, %dma_start3A_351] : memref<3x4x8x1024xf32, #tpu.memory_space<vmem>> -> memref<1x4x8x1024xf32, #tpu.memory_space<vmem>>
    %dma_start3A_353 = tpu.memref_squeeze %dma_start3A_352 : memref<1x4x8x1024xf32, #tpu.memory_space<vmem>> -> memref<4x8x1024xf32, #tpu.memory_space<vmem>>
    %dma_start3A_354 = arith.constant 0 : i32
    %dma_start3A_355 = arith.constant 0 : i32
    %dma_start3A_356 = tpu.memref_slice %arg2[%dma_start3A_354, %add3A_334, %dma_start3A_355] : memref<4x8192x1024xf32, #tpu.memory_space<hbm>> -> memref<4x8x1024xf32, #tpu.memory_space<hbm>>
    %dma_start3A_357 = arith.constant 0 : i32
    %dma_start3A_358 = arith.constant 0 : i32
    %dma_start3A_359 = arith.constant 0 : i32
    %dma_start3A_360 = tpu.memref_slice %arg6[%dma_start3A_348, %dma_start3A_357, %dma_start3A_358, %dma_start3A_359] : memref<3x4x8x1024xf32, #tpu.memory_space<vmem>> -> memref<1x4x8x1024xf32, #tpu.memory_space<vmem>>
    %dma_start3A_361 = tpu.memref_squeeze %dma_start3A_360 : memref<1x4x8x1024xf32, #tpu.memory_space<vmem>> -> memref<4x8x1024xf32, #tpu.memory_space<vmem>>
    %dma_start3A_362 = arith.constant 0 : i32
    %dma_start3A_363 = arith.constant 0 : i32
    %dma_start3A_364 = tpu.memref_slice %arg2[%dma_start3A_362, %add3A_334, %dma_start3A_363] : memref<4x8192x1024xf32, #tpu.memory_space<hbm>> -> memref<4x8x1024xf32, #tpu.memory_space<hbm>>
    tpu.enqueue_dma source(%dma_start3A_364 : memref<4x8x1024xf32, #tpu.memory_space<hbm>>) target(%dma_start3A_361 : memref<4x8x1024xf32, #tpu.memory_space<vmem>>) target_semaphore(%arg8 : memref<!tpu.dma_semaphore, #tpu.memory_space<semaphore_mem>>)
    %add3A_365 = arith.constant 240 : i32
    %add3A_366 = arith.addi %mul3A_2, %add3A_365 : i32
    %dma_wait3A_367 = arith.constant 0 : i32
    %dma_wait3A_368 = arith.constant 0 : i32
    %dma_wait3A_369 = arith.constant 0 : i32
    %dma_wait3A_370 = tpu.memref_slice %arg5[%dma_wait3A_367, %dma_wait3A_368, %dma_wait3A_369] : memref<3x8x1024xf32, #tpu.memory_space<vmem>> -> memref<1x8x1024xf32, #tpu.memory_space<vmem>>
    %dma_wait3A_371 = tpu.memref_squeeze %dma_wait3A_370 : memref<1x8x1024xf32, #tpu.memory_space<vmem>> -> memref<8x1024xf32, #tpu.memory_space<vmem>>
    %dma_wait3A_372 = arith.constant 0 : i32
    %dma_wait3A_373 = tpu.memref_slice %arg3[%add3A_366, %dma_wait3A_372] : memref<8192x1024xf32, #tpu.memory_space<hbm>> -> memref<8x1024xf32, #tpu.memory_space<hbm>>
    %dma_wait3A_374 = arith.constant 0 : i32
    %dma_wait3A_375 = arith.constant 0 : i32
    %dma_wait3A_376 = tpu.memref_slice %arg5[%dma_wait3A_367, %dma_wait3A_374, %dma_wait3A_375] : memref<3x8x1024xf32, #tpu.memory_space<vmem>> -> memref<1x8x1024xf32, #tpu.memory_space<vmem>>
    %dma_wait3A_377 = tpu.memref_squeeze %dma_wait3A_376 : memref<1x8x1024xf32, #tpu.memory_space<vmem>> -> memref<8x1024xf32, #tpu.memory_space<vmem>>
    %dma_wait3A_378 = arith.constant 0 : i32
    %dma_wait3A_379 = tpu.memref_slice %arg3[%add3A_366, %dma_wait3A_378] : memref<8192x1024xf32, #tpu.memory_space<hbm>> -> memref<8x1024xf32, #tpu.memory_space<hbm>>
    tpu.wait_dma2 semaphore(%arg7 : memref<!tpu.dma_semaphore, #tpu.memory_space<semaphore_mem>>) src(%dma_wait3A_379 : memref<8x1024xf32, #tpu.memory_space<hbm>>) dst(%dma_wait3A_377 : memref<8x1024xf32, #tpu.memory_space<vmem>>)
    %dma_wait3A_380 = arith.constant 0 : i32
    %dma_wait3A_381 = arith.constant 0 : i32
    %dma_wait3A_382 = arith.constant 0 : i32
    %dma_wait3A_383 = arith.constant 0 : i32
    %dma_wait3A_384 = tpu.memref_slice %arg6[%dma_wait3A_380, %dma_wait3A_381, %dma_wait3A_382, %dma_wait3A_383] : memref<3x4x8x1024xf32, #tpu.memory_space<vmem>> -> memref<1x4x8x1024xf32, #tpu.memory_space<vmem>>
    %dma_wait3A_385 = tpu.memref_squeeze %dma_wait3A_384 : memref<1x4x8x1024xf32, #tpu.memory_space<vmem>> -> memref<4x8x1024xf32, #tpu.memory_space<vmem>>
    %dma_wait3A_386 = arith.constant 0 : i32
    %dma_wait3A_387 = arith.constant 0 : i32
    %dma_wait3A_388 = tpu.memref_slice %arg2[%dma_wait3A_386, %add3A_366, %dma_wait3A_387] : memref<4x8192x1024xf32, #tpu.memory_space<hbm>> -> memref<4x8x1024xf32, #tpu.memory_space<hbm>>
    %dma_wait3A_389 = arith.constant 0 : i32
    %dma_wait3A_390 = arith.constant 0 : i32
    %dma_wait3A_391 = arith.constant 0 : i32
    %dma_wait3A_392 = tpu.memref_slice %arg6[%dma_wait3A_380, %dma_wait3A_389, %dma_wait3A_390, %dma_wait3A_391] : memref<3x4x8x1024xf32, #tpu.memory_space<vmem>> -> memref<1x4x8x1024xf32, #tpu.memory_space<vmem>>
    %dma_wait3A_393 = tpu.memref_squeeze %dma_wait3A_392 : memref<1x4x8x1024xf32, #tpu.memory_space<vmem>> -> memref<4x8x1024xf32, #tpu.memory_space<vmem>>
    %dma_wait3A_394 = arith.constant 0 : i32
    %dma_wait3A_395 = arith.constant 0 : i32
    %dma_wait3A_396 = tpu.memref_slice %arg2[%dma_wait3A_394, %add3A_366, %dma_wait3A_395] : memref<4x8192x1024xf32, #tpu.memory_space<hbm>> -> memref<4x8x1024xf32, #tpu.memory_space<hbm>>
    tpu.wait_dma2 semaphore(%arg7 : memref<!tpu.dma_semaphore, #tpu.memory_space<semaphore_mem>>) src(%dma_wait3A_396 : memref<4x8x1024xf32, #tpu.memory_space<hbm>>) dst(%dma_wait3A_393 : memref<4x8x1024xf32, #tpu.memory_space<vmem>>)
    %parallel_loop3A_397 = arith.constant 0 : i32
    %parallel_loop3A_398 = arith.constant 512 : i32
    %parallel_loop3A_399 = arith.constant 1 : i32
    scf.for %parallel_loop3A_530 = %parallel_loop3A_397 to %parallel_loop3A_398 step %parallel_loop3A_399  : i32 {
      %parallel_loop3A_531 = arith.constant 64 : i32
      %parallel_loop3A_532 = arith.divsi %parallel_loop3A_530, %parallel_loop3A_531 : i32
      %parallel_loop3A_533 = arith.constant 0 : i32
      %parallel_loop3A_534 = arith.cmpi sgt, %parallel_loop3A_530, %parallel_loop3A_533 : i32
      %parallel_loop3A_535 = arith.extui %parallel_loop3A_534 : i1 to i32
      %parallel_loop3A_536 = arith.constant 0 : i32
      %parallel_loop3A_537 = arith.cmpi slt, %parallel_loop3A_530, %parallel_loop3A_536 : i32
      %parallel_loop3A_538 = arith.extui %parallel_loop3A_537 : i1 to i32
      %parallel_loop3A_539 = arith.subi %parallel_loop3A_535, %parallel_loop3A_538 : i32
      %parallel_loop3A_540 = arith.constant 0 : i32
      %parallel_loop3A_541 = arith.cmpi sgt, %parallel_loop3A_531, %parallel_loop3A_540 : i32
      %parallel_loop3A_542 = arith.extui %parallel_loop3A_541 : i1 to i32
      %parallel_loop3A_543 = arith.constant 0 : i32
      %parallel_loop3A_544 = arith.cmpi slt, %parallel_loop3A_531, %parallel_loop3A_543 : i32
      %parallel_loop3A_545 = arith.extui %parallel_loop3A_544 : i1 to i32
      %parallel_loop3A_546 = arith.subi %parallel_loop3A_542, %parallel_loop3A_545 : i32
      %parallel_loop3A_547 = arith.cmpi ne, %parallel_loop3A_539, %parallel_loop3A_546 : i32
      %parallel_loop3A_548 = arith.remsi %parallel_loop3A_530, %parallel_loop3A_531 : i32
      %parallel_loop3A_549 = arith.constant 0 : i32
      %parallel_loop3A_550 = arith.cmpi ne, %parallel_loop3A_548, %parallel_loop3A_549 : i32
      %parallel_loop3A_551 = arith.andi %parallel_loop3A_547, %parallel_loop3A_550 : i1
      %parallel_loop3A_552 = arith.constant 1 : i32
      %parallel_loop3A_553 = arith.subi %parallel_loop3A_532, %parallel_loop3A_552 : i32
      %parallel_loop3A_554 = arith.select %parallel_loop3A_551, %parallel_loop3A_553, %parallel_loop3A_532 : i32
      %parallel_loop3A_555 = arith.constant 64 : i32
      %parallel_loop3A_556 = arith.constant 0 : i32
      %parallel_loop3A_557 = arith.cmpi eq, %parallel_loop3A_555, %parallel_loop3A_556 : i32
      %parallel_loop3A_558 = arith.constant 1 : i32
      %parallel_loop3A_559 = arith.select %parallel_loop3A_557, %parallel_loop3A_558, %parallel_loop3A_555 : i32
      %parallel_loop3A_560 = arith.remsi %parallel_loop3A_530, %parallel_loop3A_559 : i32
      %parallel_loop3A_561 = arith.constant 0 : i32
      %parallel_loop3A_562 = arith.cmpi ne, %parallel_loop3A_560, %parallel_loop3A_561 : i32
      %parallel_loop3A_563 = arith.constant 0 : i32
      %parallel_loop3A_564 = arith.cmpi slt, %parallel_loop3A_560, %parallel_loop3A_563 : i32
      %parallel_loop3A_565 = arith.constant 0 : i32
      %parallel_loop3A_566 = arith.cmpi slt, %parallel_loop3A_559, %parallel_loop3A_565 : i32
      %parallel_loop3A_567 = arith.xori %parallel_loop3A_564, %parallel_loop3A_566 : i1
      %parallel_loop3A_568 = arith.andi %parallel_loop3A_567, %parallel_loop3A_562 : i1
      %parallel_loop3A_569 = arith.addi %parallel_loop3A_560, %parallel_loop3A_559 : i32
      %parallel_loop3A_570 = arith.select %parallel_loop3A_568, %parallel_loop3A_569, %parallel_loop3A_560 : i32
      %parallel_loop3A_571 = arith.constant 16 : i32
      %parallel_loop3A_572 = arith.muli %parallel_loop3A_570, %parallel_loop3A_571 : i32
      %parallel_loop3A_573 = arith.constant 0 : i32
      %parallel_loop3A_574 = arith.index_cast %parallel_loop3A_573 : i32 to index
      %parallel_loop3A_575 = arith.index_cast %parallel_loop3A_554 : i32 to index
      %parallel_loop3A_576 = arith.index_cast %parallel_loop3A_572 : i32 to index
      %parallel_loop3A_577 = tpu.vector_load %arg5[%parallel_loop3A_574, %parallel_loop3A_575, %parallel_loop3A_576] {strides = array<i32>} : memref<3x8x1024xf32, #tpu.memory_space<vmem>>, vector<1x1x16xf32>,
      %parallel_loop3A_578 = vector.shape_cast %parallel_loop3A_577 : vector<1x1x16xf32> to vector<16xf32>
      %parallel_loop3A_579 = arith.constant 0 : i32
      %parallel_loop3A_580 = arith.constant 0 : i32
      %parallel_loop3A_581 = arith.index_cast %parallel_loop3A_579 : i32 to index
      %parallel_loop3A_582 = arith.index_cast %parallel_loop3A_580 : i32 to index
      %parallel_loop3A_583 = arith.index_cast %parallel_loop3A_554 : i32 to index
      %parallel_loop3A_584 = arith.index_cast %parallel_loop3A_572 : i32 to index
      %parallel_loop3A_585 = tpu.vector_load %arg6[%parallel_loop3A_581, %parallel_loop3A_582, %parallel_loop3A_583, %parallel_loop3A_584] {strides = array<i32>} : memref<3x4x8x1024xf32, #tpu.memory_space<vmem>>, vector<1x1x1x16xf32>,
      %parallel_loop3A_586 = vector.shape_cast %parallel_loop3A_585 : vector<1x1x1x16xf32> to vector<16xf32>
      %parallel_loop3A_587 = arith.addf %parallel_loop3A_586, %parallel_loop3A_578 : vector<16xf32>
      %parallel_loop3A_588 = arith.constant 0 : i32
      %parallel_loop3A_589 = arith.constant 0 : i32
      %parallel_loop3A_590 = arith.index_cast %parallel_loop3A_588 : i32 to index
      %parallel_loop3A_591 = arith.index_cast %parallel_loop3A_589 : i32 to index
      %parallel_loop3A_592 = arith.index_cast %parallel_loop3A_554 : i32 to index
      %parallel_loop3A_593 = arith.index_cast %parallel_loop3A_572 : i32 to index
      %parallel_loop3A_594 = tpu.vector_load %arg6[%parallel_loop3A_590, %parallel_loop3A_591, %parallel_loop3A_592, %parallel_loop3A_593] {strides = array<i32>} : memref<3x4x8x1024xf32, #tpu.memory_space<vmem>>, vector<1x1x1x16xf32>,
      %parallel_loop3A_595 = vector.shape_cast %parallel_loop3A_594 : vector<1x1x1x16xf32> to vector<16xf32>
      %parallel_loop3A_596 = vector.shape_cast %parallel_loop3A_587 : vector<16xf32> to vector<1x1x1x16xf32>
      tpu.vector_store %arg6[%parallel_loop3A_590, %parallel_loop3A_591, %parallel_loop3A_592, %parallel_loop3A_593], %parallel_loop3A_596 {strides = array<i32>} : memref<3x4x8x1024xf32, #tpu.memory_space<vmem>>, vector<1x1x1x16xf32>,
      %parallel_loop3A_597 = arith.constant 0 : i32
      %parallel_loop3A_598 = arith.constant 1 : i32
      %parallel_loop3A_599 = arith.index_cast %parallel_loop3A_597 : i32 to index
      %parallel_loop3A_600 = arith.index_cast %parallel_loop3A_598 : i32 to index
      %parallel_loop3A_601 = arith.index_cast %parallel_loop3A_554 : i32 to index
      %parallel_loop3A_602 = arith.index_cast %parallel_loop3A_572 : i32 to index
      %parallel_loop3A_603 = tpu.vector_load %arg6[%parallel_loop3A_599, %parallel_loop3A_600, %parallel_loop3A_601, %parallel_loop3A_602] {strides = array<i32>} : memref<3x4x8x1024xf32, #tpu.memory_space<vmem>>, vector<1x1x1x16xf32>,
      %parallel_loop3A_604 = vector.shape_cast %parallel_loop3A_603 : vector<1x1x1x16xf32> to vector<16xf32>
      %parallel_loop3A_605 = arith.addf %parallel_loop3A_604, %parallel_loop3A_578 : vector<16xf32>
      %parallel_loop3A_606 = arith.constant 0 : i32
      %parallel_loop3A_607 = arith.constant 1 : i32
      %parallel_loop3A_608 = arith.index_cast %parallel_loop3A_606 : i32 to index
      %parallel_loop3A_609 = arith.index_cast %parallel_loop3A_607 : i32 to index
      %parallel_loop3A_610 = arith.index_cast %parallel_loop3A_554 : i32 to index
      %parallel_loop3A_611 = arith.index_cast %parallel_loop3A_572 : i32 to index
      %parallel_loop3A_612 = tpu.vector_load %arg6[%parallel_loop3A_608, %parallel_loop3A_609, %parallel_loop3A_610, %parallel_loop3A_611] {strides = array<i32>} : memref<3x4x8x1024xf32, #tpu.memory_space<vmem>>, vector<1x1x1x16xf32>,
      %parallel_loop3A_613 = vector.shape_cast %parallel_loop3A_612 : vector<1x1x1x16xf32> to vector<16xf32>
      %parallel_loop3A_614 = vector.shape_cast %parallel_loop3A_605 : vector<16xf32> to vector<1x1x1x16xf32>
      tpu.vector_store %arg6[%parallel_loop3A_608, %parallel_loop3A_609, %parallel_loop3A_610, %parallel_loop3A_611], %parallel_loop3A_614 {strides = array<i32>} : memref<3x4x8x1024xf32, #tpu.memory_space<vmem>>, vector<1x1x1x16xf32>,
      %parallel_loop3A_615 = arith.constant 0 : i32
      %parallel_loop3A_616 = arith.constant 2 : i32
      %parallel_loop3A_617 = arith.index_cast %parallel_loop3A_615 : i32 to index
      %parallel_loop3A_618 = arith.index_cast %parallel_loop3A_616 : i32 to index
      %parallel_loop3A_619 = arith.index_cast %parallel_loop3A_554 : i32 to index
      %parallel_loop3A_620 = arith.index_cast %parallel_loop3A_572 : i32 to index
      %parallel_loop3A_621 = tpu.vector_load %arg6[%parallel_loop3A_617, %parallel_loop3A_618, %parallel_loop3A_619, %parallel_loop3A_620] {strides = array<i32>} : memref<3x4x8x1024xf32, #tpu.memory_space<vmem>>, vector<1x1x1x16xf32>,
      %parallel_loop3A_622 = vector.shape_cast %parallel_loop3A_621 : vector<1x1x1x16xf32> to vector<16xf32>
      %parallel_loop3A_623 = arith.addf %parallel_loop3A_622, %parallel_loop3A_578 : vector<16xf32>
      %parallel_loop3A_624 = arith.constant 0 : i32
      %parallel_loop3A_625 = arith.constant 2 : i32
      %parallel_loop3A_626 = arith.index_cast %parallel_loop3A_624 : i32 to index
      %parallel_loop3A_627 = arith.index_cast %parallel_loop3A_625 : i32 to index
      %parallel_loop3A_628 = arith.index_cast %parallel_loop3A_554 : i32 to index
      %parallel_loop3A_629 = arith.index_cast %parallel_loop3A_572 : i32 to index
      %parallel_loop3A_630 = tpu.vector_load %arg6[%parallel_loop3A_626, %parallel_loop3A_627, %parallel_loop3A_628, %parallel_loop3A_629] {strides = array<i32>} : memref<3x4x8x1024xf32, #tpu.memory_space<vmem>>, vector<1x1x1x16xf32>,
      %parallel_loop3A_631 = vector.shape_cast %parallel_loop3A_630 : vector<1x1x1x16xf32> to vector<16xf32>
      %parallel_loop3A_632 = vector.shape_cast %parallel_loop3A_623 : vector<16xf32> to vector<1x1x1x16xf32>
      tpu.vector_store %arg6[%parallel_loop3A_626, %parallel_loop3A_627, %parallel_loop3A_628, %parallel_loop3A_629], %parallel_loop3A_632 {strides = array<i32>} : memref<3x4x8x1024xf32, #tpu.memory_space<vmem>>, vector<1x1x1x16xf32>,
      %parallel_loop3A_633 = arith.constant 0 : i32
      %parallel_loop3A_634 = arith.constant 3 : i32
      %parallel_loop3A_635 = arith.index_cast %parallel_loop3A_633 : i32 to index
      %parallel_loop3A_636 = arith.index_cast %parallel_loop3A_634 : i32 to index
      %parallel_loop3A_637 = arith.index_cast %parallel_loop3A_554 : i32 to index
      %parallel_loop3A_638 = arith.index_cast %parallel_loop3A_572 : i32 to index
      %parallel_loop3A_639 = tpu.vector_load %arg6[%parallel_loop3A_635, %parallel_loop3A_636, %parallel_loop3A_637, %parallel_loop3A_638] {strides = array<i32>} : memref<3x4x8x1024xf32, #tpu.memory_space<vmem>>, vector<1x1x1x16xf32>,
      %parallel_loop3A_640 = vector.shape_cast %parallel_loop3A_639 : vector<1x1x1x16xf32> to vector<16xf32>
      %parallel_loop3A_641 = arith.addf %parallel_loop3A_640, %parallel_loop3A_578 : vector<16xf32>
      %parallel_loop3A_642 = arith.constant 0 : i32
      %parallel_loop3A_643 = arith.constant 3 : i32
      %parallel_loop3A_644 = arith.index_cast %parallel_loop3A_642 : i32 to index
      %parallel_loop3A_645 = arith.index_cast %parallel_loop3A_643 : i32 to index
      %parallel_loop3A_646 = arith.index_cast %parallel_loop3A_554 : i32 to index
      %parallel_loop3A_647 = arith.index_cast %parallel_loop3A_572 : i32 to index
      %parallel_loop3A_648 = tpu.vector_load %arg6[%parallel_loop3A_644, %parallel_loop3A_645, %parallel_loop3A_646, %parallel_loop3A_647] {strides = array<i32>} : memref<3x4x8x1024xf32, #tpu.memory_space<vmem>>, vector<1x1x1x16xf32>,
      %parallel_loop3A_649 = vector.shape_cast %parallel_loop3A_648 : vector<1x1x1x16xf32> to vector<16xf32>
      %parallel_loop3A_650 = vector.shape_cast %parallel_loop3A_641 : vector<16xf32> to vector<1x1x1x16xf32>
      tpu.vector_store %arg6[%parallel_loop3A_644, %parallel_loop3A_645, %parallel_loop3A_646, %parallel_loop3A_647], %parallel_loop3A_650 {strides = array<i32>} : memref<3x4x8x1024xf32, #tpu.memory_space<vmem>>, vector<1x1x1x16xf32>,
    } {sc.loop_unroll_factor = 4 : i64, sc.parallel_access}
    %add3A_400 = arith.constant 240 : i32
    %add3A_401 = arith.addi %mul3A_2, %add3A_400 : i32
    %dma_start3A_402 = arith.constant 0 : i32
    %dma_start3A_403 = arith.constant 0 : i32
    %dma_start3A_404 = arith.constant 0 : i32
    %dma_start3A_405 = arith.constant 0 : i32
    %dma_start3A_406 = tpu.memref_slice %arg6[%dma_start3A_402, %dma_start3A_403, %dma_start3A_404, %dma_start3A_405] : memref<3x4x8x1024xf32, #tpu.memory_space<vmem>> -> memref<1x4x8x1024xf32, #tpu.memory_space<vmem>>
    %dma_start3A_407 = tpu.memref_squeeze %dma_start3A_406 : memref<1x4x8x1024xf32, #tpu.memory_space<vmem>> -> memref<4x8x1024xf32, #tpu.memory_space<vmem>>
    %dma_start3A_408 = arith.constant 0 : i32
    %dma_start3A_409 = arith.constant 0 : i32
    %dma_start3A_410 = tpu.memref_slice %arg4[%dma_start3A_408, %add3A_401, %dma_start3A_409] : memref<4x8192x1024xf32, #tpu.memory_space<hbm>> -> memref<4x8x1024xf32, #tpu.memory_space<hbm>>
    %dma_start3A_411 = arith.constant 0 : i32
    %dma_start3A_412 = arith.constant 0 : i32
    %dma_start3A_413 = tpu.memref_slice %arg4[%dma_start3A_411, %add3A_401, %dma_start3A_412] : memref<4x8192x1024xf32, #tpu.memory_space<hbm>> -> memref<4x8x1024xf32, #tpu.memory_space<hbm>>
    %dma_start3A_414 = arith.constant 0 : i32
    %dma_start3A_415 = arith.constant 0 : i32
    %dma_start3A_416 = arith.constant 0 : i32
    %dma_start3A_417 = tpu.memref_slice %arg6[%dma_start3A_402, %dma_start3A_414, %dma_start3A_415, %dma_start3A_416] : memref<3x4x8x1024xf32, #tpu.memory_space<vmem>> -> memref<1x4x8x1024xf32, #tpu.memory_space<vmem>>
    %dma_start3A_418 = tpu.memref_squeeze %dma_start3A_417 : memref<1x4x8x1024xf32, #tpu.memory_space<vmem>> -> memref<4x8x1024xf32, #tpu.memory_space<vmem>>
    tpu.enqueue_dma source(%dma_start3A_418 : memref<4x8x1024xf32, #tpu.memory_space<vmem>>) target(%dma_start3A_413 : memref<4x8x1024xf32, #tpu.memory_space<hbm>>) target_semaphore(%arg10 : memref<!tpu.dma_semaphore, #tpu.memory_space<semaphore_mem>>)
    %add3A_419 = arith.constant 248 : i32
    %add3A_420 = arith.addi %mul3A_2, %add3A_419 : i32
    %dma_wait3A_421 = arith.constant 1 : i32
    %dma_wait3A_422 = arith.constant 0 : i32
    %dma_wait3A_423 = arith.constant 0 : i32
    %dma_wait3A_424 = tpu.memref_slice %arg5[%dma_wait3A_421, %dma_wait3A_422, %dma_wait3A_423] : memref<3x8x1024xf32, #tpu.memory_space<vmem>> -> memref<1x8x1024xf32, #tpu.memory_space<vmem>>
    %dma_wait3A_425 = tpu.memref_squeeze %dma_wait3A_424 : memref<1x8x1024xf32, #tpu.memory_space<vmem>> -> memref<8x1024xf32, #tpu.memory_space<vmem>>
    %dma_wait3A_426 = arith.constant 0 : i32
    %dma_wait3A_427 = tpu.memref_slice %arg3[%add3A_420, %dma_wait3A_426] : memref<8192x1024xf32, #tpu.memory_space<hbm>> -> memref<8x1024xf32, #tpu.memory_space<hbm>>
    %dma_wait3A_428 = arith.constant 0 : i32
    %dma_wait3A_429 = arith.constant 0 : i32
    %dma_wait3A_430 = tpu.memref_slice %arg5[%dma_wait3A_421, %dma_wait3A_428, %dma_wait3A_429] : memref<3x8x1024xf32, #tpu.memory_space<vmem>> -> memref<1x8x1024xf32, #tpu.memory_space<vmem>>
    %dma_wait3A_431 = tpu.memref_squeeze %dma_wait3A_430 : memref<1x8x1024xf32, #tpu.memory_space<vmem>> -> memref<8x1024xf32, #tpu.memory_space<vmem>>
    %dma_wait3A_432 = arith.constant 0 : i32
    %dma_wait3A_433 = tpu.memref_slice %arg3[%add3A_420, %dma_wait3A_432] : memref<8192x1024xf32, #tpu.memory_space<hbm>> -> memref<8x1024xf32, #tpu.memory_space<hbm>>
    tpu.wait_dma2 semaphore(%arg8 : memref<!tpu.dma_semaphore, #tpu.memory_space<semaphore_mem>>) src(%dma_wait3A_433 : memref<8x1024xf32, #tpu.memory_space<hbm>>) dst(%dma_wait3A_431 : memref<8x1024xf32, #tpu.memory_space<vmem>>)
    %dma_wait3A_434 = arith.constant 1 : i32
    %dma_wait3A_435 = arith.constant 0 : i32
    %dma_wait3A_436 = arith.constant 0 : i32
    %dma_wait3A_437 = arith.constant 0 : i32
    %dma_wait3A_438 = tpu.memref_slice %arg6[%dma_wait3A_434, %dma_wait3A_435, %dma_wait3A_436, %dma_wait3A_437] : memref<3x4x8x1024xf32, #tpu.memory_space<vmem>> -> memref<1x4x8x1024xf32, #tpu.memory_space<vmem>>
    %dma_wait3A_439 = tpu.memref_squeeze %dma_wait3A_438 : memref<1x4x8x1024xf32, #tpu.memory_space<vmem>> -> memref<4x8x1024xf32, #tpu.memory_space<vmem>>
    %dma_wait3A_440 = arith.constant 0 : i32
    %dma_wait3A_441 = arith.constant 0 : i32
    %dma_wait3A_442 = tpu.memref_slice %arg2[%dma_wait3A_440, %add3A_420, %dma_wait3A_441] : memref<4x8192x1024xf32, #tpu.memory_space<hbm>> -> memref<4x8x1024xf32, #tpu.memory_space<hbm>>
    %dma_wait3A_443 = arith.constant 0 : i32
    %dma_wait3A_444 = arith.constant 0 : i32
    %dma_wait3A_445 = arith.constant 0 : i32
    %dma_wait3A_446 = tpu.memref_slice %arg6[%dma_wait3A_434, %dma_wait3A_443, %dma_wait3A_444, %dma_wait3A_445] : memref<3x4x8x1024xf32, #tpu.memory_space<vmem>> -> memref<1x4x8x1024xf32, #tpu.memory_space<vmem>>
    %dma_wait3A_447 = tpu.memref_squeeze %dma_wait3A_446 : memref<1x4x8x1024xf32, #tpu.memory_space<vmem>> -> memref<4x8x1024xf32, #tpu.memory_space<vmem>>
    %dma_wait3A_448 = arith.constant 0 : i32
    %dma_wait3A_449 = arith.constant 0 : i32
    %dma_wait3A_450 = tpu.memref_slice %arg2[%dma_wait3A_448, %add3A_420, %dma_wait3A_449] : memref<4x8192x1024xf32, #tpu.memory_space<hbm>> -> memref<4x8x1024xf32, #tpu.memory_space<hbm>>
    tpu.wait_dma2 semaphore(%arg8 : memref<!tpu.dma_semaphore, #tpu.memory_space<semaphore_mem>>) src(%dma_wait3A_450 : memref<4x8x1024xf32, #tpu.memory_space<hbm>>) dst(%dma_wait3A_447 : memref<4x8x1024xf32, #tpu.memory_space<vmem>>)
    %parallel_loop3A_451 = arith.constant 0 : i32
    %parallel_loop3A_452 = arith.constant 512 : i32
    %parallel_loop3A_453 = arith.constant 1 : i32
    scf.for %parallel_loop3A_530 = %parallel_loop3A_451 to %parallel_loop3A_452 step %parallel_loop3A_453  : i32 {
      %parallel_loop3A_531 = arith.constant 64 : i32
      %parallel_loop3A_532 = arith.divsi %parallel_loop3A_530, %parallel_loop3A_531 : i32
      %parallel_loop3A_533 = arith.constant 0 : i32
      %parallel_loop3A_534 = arith.cmpi sgt, %parallel_loop3A_530, %parallel_loop3A_533 : i32
      %parallel_loop3A_535 = arith.extui %parallel_loop3A_534 : i1 to i32
      %parallel_loop3A_536 = arith.constant 0 : i32
      %parallel_loop3A_537 = arith.cmpi slt, %parallel_loop3A_530, %parallel_loop3A_536 : i32
      %parallel_loop3A_538 = arith.extui %parallel_loop3A_537 : i1 to i32
      %parallel_loop3A_539 = arith.subi %parallel_loop3A_535, %parallel_loop3A_538 : i32
      %parallel_loop3A_540 = arith.constant 0 : i32
      %parallel_loop3A_541 = arith.cmpi sgt, %parallel_loop3A_531, %parallel_loop3A_540 : i32
      %parallel_loop3A_542 = arith.extui %parallel_loop3A_541 : i1 to i32
      %parallel_loop3A_543 = arith.constant 0 : i32
      %parallel_loop3A_544 = arith.cmpi slt, %parallel_loop3A_531, %parallel_loop3A_543 : i32
      %parallel_loop3A_545 = arith.extui %parallel_loop3A_544 : i1 to i32
      %parallel_loop3A_546 = arith.subi %parallel_loop3A_542, %parallel_loop3A_545 : i32
      %parallel_loop3A_547 = arith.cmpi ne, %parallel_loop3A_539, %parallel_loop3A_546 : i32
      %parallel_loop3A_548 = arith.remsi %parallel_loop3A_530, %parallel_loop3A_531 : i32
      %parallel_loop3A_549 = arith.constant 0 : i32
      %parallel_loop3A_550 = arith.cmpi ne, %parallel_loop3A_548, %parallel_loop3A_549 : i32
      %parallel_loop3A_551 = arith.andi %parallel_loop3A_547, %parallel_loop3A_550 : i1
      %parallel_loop3A_552 = arith.constant 1 : i32
      %parallel_loop3A_553 = arith.subi %parallel_loop3A_532, %parallel_loop3A_552 : i32
      %parallel_loop3A_554 = arith.select %parallel_loop3A_551, %parallel_loop3A_553, %parallel_loop3A_532 : i32
      %parallel_loop3A_555 = arith.constant 64 : i32
      %parallel_loop3A_556 = arith.constant 0 : i32
      %parallel_loop3A_557 = arith.cmpi eq, %parallel_loop3A_555, %parallel_loop3A_556 : i32
      %parallel_loop3A_558 = arith.constant 1 : i32
      %parallel_loop3A_559 = arith.select %parallel_loop3A_557, %parallel_loop3A_558, %parallel_loop3A_555 : i32
      %parallel_loop3A_560 = arith.remsi %parallel_loop3A_530, %parallel_loop3A_559 : i32
      %parallel_loop3A_561 = arith.constant 0 : i32
      %parallel_loop3A_562 = arith.cmpi ne, %parallel_loop3A_560, %parallel_loop3A_561 : i32
      %parallel_loop3A_563 = arith.constant 0 : i32
      %parallel_loop3A_564 = arith.cmpi slt, %parallel_loop3A_560, %parallel_loop3A_563 : i32
      %parallel_loop3A_565 = arith.constant 0 : i32
      %parallel_loop3A_566 = arith.cmpi slt, %parallel_loop3A_559, %parallel_loop3A_565 : i32
      %parallel_loop3A_567 = arith.xori %parallel_loop3A_564, %parallel_loop3A_566 : i1
      %parallel_loop3A_568 = arith.andi %parallel_loop3A_567, %parallel_loop3A_562 : i1
      %parallel_loop3A_569 = arith.addi %parallel_loop3A_560, %parallel_loop3A_559 : i32
      %parallel_loop3A_570 = arith.select %parallel_loop3A_568, %parallel_loop3A_569, %parallel_loop3A_560 : i32
      %parallel_loop3A_571 = arith.constant 16 : i32
      %parallel_loop3A_572 = arith.muli %parallel_loop3A_570, %parallel_loop3A_571 : i32
      %parallel_loop3A_573 = arith.constant 1 : i32
      %parallel_loop3A_574 = arith.index_cast %parallel_loop3A_573 : i32 to index
      %parallel_loop3A_575 = arith.index_cast %parallel_loop3A_554 : i32 to index
      %parallel_loop3A_576 = arith.index_cast %parallel_loop3A_572 : i32 to index
      %parallel_loop3A_577 = tpu.vector_load %arg5[%parallel_loop3A_574, %parallel_loop3A_575, %parallel_loop3A_576] {strides = array<i32>} : memref<3x8x1024xf32, #tpu.memory_space<vmem>>, vector<1x1x16xf32>,
      %parallel_loop3A_578 = vector.shape_cast %parallel_loop3A_577 : vector<1x1x16xf32> to vector<16xf32>
      %parallel_loop3A_579 = arith.constant 1 : i32
      %parallel_loop3A_580 = arith.constant 0 : i32
      %parallel_loop3A_581 = arith.index_cast %parallel_loop3A_579 : i32 to index
      %parallel_loop3A_582 = arith.index_cast %parallel_loop3A_580 : i32 to index
      %parallel_loop3A_583 = arith.index_cast %parallel_loop3A_554 : i32 to index
      %parallel_loop3A_584 = arith.index_cast %parallel_loop3A_572 : i32 to index
      %parallel_loop3A_585 = tpu.vector_load %arg6[%parallel_loop3A_581, %parallel_loop3A_582, %parallel_loop3A_583, %parallel_loop3A_584] {strides = array<i32>} : memref<3x4x8x1024xf32, #tpu.memory_space<vmem>>, vector<1x1x1x16xf32>,
      %parallel_loop3A_586 = vector.shape_cast %parallel_loop3A_585 : vector<1x1x1x16xf32> to vector<16xf32>
      %parallel_loop3A_587 = arith.addf %parallel_loop3A_586, %parallel_loop3A_578 : vector<16xf32>
      %parallel_loop3A_588 = arith.constant 1 : i32
      %parallel_loop3A_589 = arith.constant 0 : i32
      %parallel_loop3A_590 = arith.index_cast %parallel_loop3A_588 : i32 to index
      %parallel_loop3A_591 = arith.index_cast %parallel_loop3A_589 : i32 to index
      %parallel_loop3A_592 = arith.index_cast %parallel_loop3A_554 : i32 to index
      %parallel_loop3A_593 = arith.index_cast %parallel_loop3A_572 : i32 to index
      %parallel_loop3A_594 = tpu.vector_load %arg6[%parallel_loop3A_590, %parallel_loop3A_591, %parallel_loop3A_592, %parallel_loop3A_593] {strides = array<i32>} : memref<3x4x8x1024xf32, #tpu.memory_space<vmem>>, vector<1x1x1x16xf32>,
      %parallel_loop3A_595 = vector.shape_cast %parallel_loop3A_594 : vector<1x1x1x16xf32> to vector<16xf32>
      %parallel_loop3A_596 = vector.shape_cast %parallel_loop3A_587 : vector<16xf32> to vector<1x1x1x16xf32>
      tpu.vector_store %arg6[%parallel_loop3A_590, %parallel_loop3A_591, %parallel_loop3A_592, %parallel_loop3A_593], %parallel_loop3A_596 {strides = array<i32>} : memref<3x4x8x1024xf32, #tpu.memory_space<vmem>>, vector<1x1x1x16xf32>,
      %parallel_loop3A_597 = arith.constant 1 : i32
      %parallel_loop3A_598 = arith.constant 1 : i32
      %parallel_loop3A_599 = arith.index_cast %parallel_loop3A_597 : i32 to index
      %parallel_loop3A_600 = arith.index_cast %parallel_loop3A_598 : i32 to index
      %parallel_loop3A_601 = arith.index_cast %parallel_loop3A_554 : i32 to index
      %parallel_loop3A_602 = arith.index_cast %parallel_loop3A_572 : i32 to index
      %parallel_loop3A_603 = tpu.vector_load %arg6[%parallel_loop3A_599, %parallel_loop3A_600, %parallel_loop3A_601, %parallel_loop3A_602] {strides = array<i32>} : memref<3x4x8x1024xf32, #tpu.memory_space<vmem>>, vector<1x1x1x16xf32>,
      %parallel_loop3A_604 = vector.shape_cast %parallel_loop3A_603 : vector<1x1x1x16xf32> to vector<16xf32>
      %parallel_loop3A_605 = arith.addf %parallel_loop3A_604, %parallel_loop3A_578 : vector<16xf32>
      %parallel_loop3A_606 = arith.constant 1 : i32
      %parallel_loop3A_607 = arith.constant 1 : i32
      %parallel_loop3A_608 = arith.index_cast %parallel_loop3A_606 : i32 to index
      %parallel_loop3A_609 = arith.index_cast %parallel_loop3A_607 : i32 to index
      %parallel_loop3A_610 = arith.index_cast %parallel_loop3A_554 : i32 to index
      %parallel_loop3A_611 = arith.index_cast %parallel_loop3A_572 : i32 to index
      %parallel_loop3A_612 = tpu.vector_load %arg6[%parallel_loop3A_608, %parallel_loop3A_609, %parallel_loop3A_610, %parallel_loop3A_611] {strides = array<i32>} : memref<3x4x8x1024xf32, #tpu.memory_space<vmem>>, vector<1x1x1x16xf32>,
      %parallel_loop3A_613 = vector.shape_cast %parallel_loop3A_612 : vector<1x1x1x16xf32> to vector<16xf32>
      %parallel_loop3A_614 = vector.shape_cast %parallel_loop3A_605 : vector<16xf32> to vector<1x1x1x16xf32>
      tpu.vector_store %arg6[%parallel_loop3A_608, %parallel_loop3A_609, %parallel_loop3A_610, %parallel_loop3A_611], %parallel_loop3A_614 {strides = array<i32>} : memref<3x4x8x1024xf32, #tpu.memory_space<vmem>>, vector<1x1x1x16xf32>,
      %parallel_loop3A_615 = arith.constant 1 : i32
      %parallel_loop3A_616 = arith.constant 2 : i32
      %parallel_loop3A_617 = arith.index_cast %parallel_loop3A_615 : i32 to index
      %parallel_loop3A_618 = arith.index_cast %parallel_loop3A_616 : i32 to index
      %parallel_loop3A_619 = arith.index_cast %parallel_loop3A_554 : i32 to index
      %parallel_loop3A_620 = arith.index_cast %parallel_loop3A_572 : i32 to index
      %parallel_loop3A_621 = tpu.vector_load %arg6[%parallel_loop3A_617, %parallel_loop3A_618, %parallel_loop3A_619, %parallel_loop3A_620] {strides = array<i32>} : memref<3x4x8x1024xf32, #tpu.memory_space<vmem>>, vector<1x1x1x16xf32>,
      %parallel_loop3A_622 = vector.shape_cast %parallel_loop3A_621 : vector<1x1x1x16xf32> to vector<16xf32>
      %parallel_loop3A_623 = arith.addf %parallel_loop3A_622, %parallel_loop3A_578 : vector<16xf32>
      %parallel_loop3A_624 = arith.constant 1 : i32
      %parallel_loop3A_625 = arith.constant 2 : i32
      %parallel_loop3A_626 = arith.index_cast %parallel_loop3A_624 : i32 to index
      %parallel_loop3A_627 = arith.index_cast %parallel_loop3A_625 : i32 to index
      %parallel_loop3A_628 = arith.index_cast %parallel_loop3A_554 : i32 to index
      %parallel_loop3A_629 = arith.index_cast %parallel_loop3A_572 : i32 to index
      %parallel_loop3A_630 = tpu.vector_load %arg6[%parallel_loop3A_626, %parallel_loop3A_627, %parallel_loop3A_628, %parallel_loop3A_629] {strides = array<i32>} : memref<3x4x8x1024xf32, #tpu.memory_space<vmem>>, vector<1x1x1x16xf32>,
      %parallel_loop3A_631 = vector.shape_cast %parallel_loop3A_630 : vector<1x1x1x16xf32> to vector<16xf32>
      %parallel_loop3A_632 = vector.shape_cast %parallel_loop3A_623 : vector<16xf32> to vector<1x1x1x16xf32>
      tpu.vector_store %arg6[%parallel_loop3A_626, %parallel_loop3A_627, %parallel_loop3A_628, %parallel_loop3A_629], %parallel_loop3A_632 {strides = array<i32>} : memref<3x4x8x1024xf32, #tpu.memory_space<vmem>>, vector<1x1x1x16xf32>,
      %parallel_loop3A_633 = arith.constant 1 : i32
      %parallel_loop3A_634 = arith.constant 3 : i32
      %parallel_loop3A_635 = arith.index_cast %parallel_loop3A_633 : i32 to index
      %parallel_loop3A_636 = arith.index_cast %parallel_loop3A_634 : i32 to index
      %parallel_loop3A_637 = arith.index_cast %parallel_loop3A_554 : i32 to index
      %parallel_loop3A_638 = arith.index_cast %parallel_loop3A_572 : i32 to index
      %parallel_loop3A_639 = tpu.vector_load %arg6[%parallel_loop3A_635, %parallel_loop3A_636, %parallel_loop3A_637, %parallel_loop3A_638] {strides = array<i32>} : memref<3x4x8x1024xf32, #tpu.memory_space<vmem>>, vector<1x1x1x16xf32>,
      %parallel_loop3A_640 = vector.shape_cast %parallel_loop3A_639 : vector<1x1x1x16xf32> to vector<16xf32>
      %parallel_loop3A_641 = arith.addf %parallel_loop3A_640, %parallel_loop3A_578 : vector<16xf32>
      %parallel_loop3A_642 = arith.constant 1 : i32
      %parallel_loop3A_643 = arith.constant 3 : i32
      %parallel_loop3A_644 = arith.index_cast %parallel_loop3A_642 : i32 to index
      %parallel_loop3A_645 = arith.index_cast %parallel_loop3A_643 : i32 to index
      %parallel_loop3A_646 = arith.index_cast %parallel_loop3A_554 : i32 to index
      %parallel_loop3A_647 = arith.index_cast %parallel_loop3A_572 : i32 to index
      %parallel_loop3A_648 = tpu.vector_load %arg6[%parallel_loop3A_644, %parallel_loop3A_645, %parallel_loop3A_646, %parallel_loop3A_647] {strides = array<i32>} : memref<3x4x8x1024xf32, #tpu.memory_space<vmem>>, vector<1x1x1x16xf32>,
      %parallel_loop3A_649 = vector.shape_cast %parallel_loop3A_648 : vector<1x1x1x16xf32> to vector<16xf32>
      %parallel_loop3A_650 = vector.shape_cast %parallel_loop3A_641 : vector<16xf32> to vector<1x1x1x16xf32>
      tpu.vector_store %arg6[%parallel_loop3A_644, %parallel_loop3A_645, %parallel_loop3A_646, %parallel_loop3A_647], %parallel_loop3A_650 {strides = array<i32>} : memref<3x4x8x1024xf32, #tpu.memory_space<vmem>>, vector<1x1x1x16xf32>,
    } {sc.loop_unroll_factor = 4 : i64, sc.parallel_access}
    %add3A_454 = arith.constant 248 : i32
    %add3A_455 = arith.addi %mul3A_2, %add3A_454 : i32
    %dma_start3A_456 = arith.constant 1 : i32
    %dma_start3A_457 = arith.constant 0 : i32
    %dma_start3A_458 = arith.constant 0 : i32
    %dma_start3A_459 = arith.constant 0 : i32
    %dma_start3A_460 = tpu.memref_slice %arg6[%dma_start3A_456, %dma_start3A_457, %dma_start3A_458, %dma_start3A_459] : memref<3x4x8x1024xf32, #tpu.memory_space<vmem>> -> memref<1x4x8x1024xf32, #tpu.memory_space<vmem>>
    %dma_start3A_461 = tpu.memref_squeeze %dma_start3A_460 : memref<1x4x8x1024xf32, #tpu.memory_space<vmem>> -> memref<4x8x1024xf32, #tpu.memory_space<vmem>>
    %dma_start3A_462 = arith.constant 0 : i32
    %dma_start3A_463 = arith.constant 0 : i32
    %dma_start3A_464 = tpu.memref_slice %arg4[%dma_start3A_462, %add3A_455, %dma_start3A_463] : memref<4x8192x1024xf32, #tpu.memory_space<hbm>> -> memref<4x8x1024xf32, #tpu.memory_space<hbm>>
    %dma_start3A_465 = arith.constant 0 : i32
    %dma_start3A_466 = arith.constant 0 : i32
    %dma_start3A_467 = tpu.memref_slice %arg4[%dma_start3A_465, %add3A_455, %dma_start3A_466] : memref<4x8192x1024xf32, #tpu.memory_space<hbm>> -> memref<4x8x1024xf32, #tpu.memory_space<hbm>>
    %dma_start3A_468 = arith.constant 0 : i32
    %dma_start3A_469 = arith.constant 0 : i32
    %dma_start3A_470 = arith.constant 0 : i32
    %dma_start3A_471 = tpu.memref_slice %arg6[%dma_start3A_456, %dma_start3A_468, %dma_start3A_469, %dma_start3A_470] : memref<3x4x8x1024xf32, #tpu.memory_space<vmem>> -> memref<1x4x8x1024xf32, #tpu.memory_space<vmem>>
    %dma_start3A_472 = tpu.memref_squeeze %dma_start3A_471 : memref<1x4x8x1024xf32, #tpu.memory_space<vmem>> -> memref<4x8x1024xf32, #tpu.memory_space<vmem>>
    tpu.enqueue_dma source(%dma_start3A_472 : memref<4x8x1024xf32, #tpu.memory_space<vmem>>) target(%dma_start3A_467 : memref<4x8x1024xf32, #tpu.memory_space<hbm>>) target_semaphore(%arg11 : memref<!tpu.dma_semaphore, #tpu.memory_space<semaphore_mem>>)
    %add3A_473 = arith.constant 232 : i32
    %add3A_474 = arith.addi %mul3A_2, %add3A_473 : i32
    %dma_wait3A_475 = arith.constant 2 : i32
    %dma_wait3A_476 = arith.constant 0 : i32
    %dma_wait3A_477 = arith.constant 0 : i32
    %dma_wait3A_478 = arith.constant 0 : i32
    %dma_wait3A_479 = tpu.memref_slice %arg6[%dma_wait3A_475, %dma_wait3A_476, %dma_wait3A_477, %dma_wait3A_478] : memref<3x4x8x1024xf32, #tpu.memory_space<vmem>> -> memref<1x4x8x1024xf32, #tpu.memory_space<vmem>>
    %dma_wait3A_480 = tpu.memref_squeeze %dma_wait3A_479 : memref<1x4x8x1024xf32, #tpu.memory_space<vmem>> -> memref<4x8x1024xf32, #tpu.memory_space<vmem>>
    %dma_wait3A_481 = arith.constant 0 : i32
    %dma_wait3A_482 = arith.constant 0 : i32
    %dma_wait3A_483 = tpu.memref_slice %arg4[%dma_wait3A_481, %add3A_474, %dma_wait3A_482] : memref<4x8192x1024xf32, #tpu.memory_space<hbm>> -> memref<4x8x1024xf32, #tpu.memory_space<hbm>>
    %dma_wait3A_484 = arith.constant 0 : i32
    %dma_wait3A_485 = arith.constant 0 : i32
    %dma_wait3A_486 = tpu.memref_slice %arg4[%dma_wait3A_484, %add3A_474, %dma_wait3A_485] : memref<4x8192x1024xf32, #tpu.memory_space<hbm>> -> memref<4x8x1024xf32, #tpu.memory_space<hbm>>
    %dma_wait3A_487 = arith.constant 0 : i32
    %dma_wait3A_488 = arith.constant 0 : i32
    %dma_wait3A_489 = arith.constant 0 : i32
    %dma_wait3A_490 = tpu.memref_slice %arg6[%dma_wait3A_475, %dma_wait3A_487, %dma_wait3A_488, %dma_wait3A_489] : memref<3x4x8x1024xf32, #tpu.memory_space<vmem>> -> memref<1x4x8x1024xf32, #tpu.memory_space<vmem>>
    %dma_wait3A_491 = tpu.memref_squeeze %dma_wait3A_490 : memref<1x4x8x1024xf32, #tpu.memory_space<vmem>> -> memref<4x8x1024xf32, #tpu.memory_space<vmem>>
    tpu.wait_dma2 semaphore(%arg12 : memref<!tpu.dma_semaphore, #tpu.memory_space<semaphore_mem>>) src(%dma_wait3A_491 : memref<4x8x1024xf32, #tpu.memory_space<vmem>>) dst(%dma_wait3A_486 : memref<4x8x1024xf32, #tpu.memory_space<hbm>>)
    %add3A_492 = arith.constant 240 : i32
    %add3A_493 = arith.addi %mul3A_2, %add3A_492 : i32
    %dma_wait3A_494 = arith.constant 0 : i32
    %dma_wait3A_495 = arith.constant 0 : i32
    %dma_wait3A_496 = arith.constant 0 : i32
    %dma_wait3A_497 = arith.constant 0 : i32
    %dma_wait3A_498 = tpu.memref_slice %arg6[%dma_wait3A_494, %dma_wait3A_495, %dma_wait3A_496, %dma_wait3A_497] : memref<3x4x8x1024xf32, #tpu.memory_space<vmem>> -> memref<1x4x8x1024xf32, #tpu.memory_space<vmem>>
    %dma_wait3A_499 = tpu.memref_squeeze %dma_wait3A_498 : memref<1x4x8x1024xf32, #tpu.memory_space<vmem>> -> memref<4x8x1024xf32, #tpu.memory_space<vmem>>
    %dma_wait3A_500 = arith.constant 0 : i32
    %dma_wait3A_501 = arith.constant 0 : i32
    %dma_wait3A_502 = tpu.memref_slice %arg4[%dma_wait3A_500, %add3A_493, %dma_wait3A_501] : memref<4x8192x1024xf32, #tpu.memory_space<hbm>> -> memref<4x8x1024xf32, #tpu.memory_space<hbm>>
    %dma_wait3A_503 = arith.constant 0 : i32
    %dma_wait3A_504 = arith.constant 0 : i32
    %dma_wait3A_505 = tpu.memref_slice %arg4[%dma_wait3A_503, %add3A_493, %dma_wait3A_504] : memref<4x8192x1024xf32, #tpu.memory_space<hbm>> -> memref<4x8x1024xf32, #tpu.memory_space<hbm>>
    %dma_wait3A_506 = arith.constant 0 : i32
    %dma_wait3A_507 = arith.constant 0 : i32
    %dma_wait3A_508 = arith.constant 0 : i32
    %dma_wait3A_509 = tpu.memref_slice %arg6[%dma_wait3A_494, %dma_wait3A_506, %dma_wait3A_507, %dma_wait3A_508] : memref<3x4x8x1024xf32, #tpu.memory_space<vmem>> -> memref<1x4x8x1024xf32, #tpu.memory_space<vmem>>
    %dma_wait3A_510 = tpu.memref_squeeze %dma_wait3A_509 : memref<1x4x8x1024xf32, #tpu.memory_space<vmem>> -> memref<4x8x1024xf32, #tpu.memory_space<vmem>>
    tpu.wait_dma2 semaphore(%arg10 : memref<!tpu.dma_semaphore, #tpu.memory_space<semaphore_mem>>) src(%dma_wait3A_510 : memref<4x8x1024xf32, #tpu.memory_space<vmem>>) dst(%dma_wait3A_505 : memref<4x8x1024xf32, #tpu.memory_space<hbm>>)
    %add3A_511 = arith.constant 248 : i32
    %add3A_512 = arith.addi %mul3A_2, %add3A_511 : i32
    %dma_wait3A_513 = arith.constant 1 : i32
    %dma_wait3A_514 = arith.constant 0 : i32
    %dma_wait3A_515 = arith.constant 0 : i32
    %dma_wait3A_516 = arith.constant 0 : i32
    %dma_wait3A_517 = tpu.memref_slice %arg6[%dma_wait3A_513, %dma_wait3A_514, %dma_wait3A_515, %dma_wait3A_516] : memref<3x4x8x1024xf32, #tpu.memory_space<vmem>> -> memref<1x4x8x1024xf32, #tpu.memory_space<vmem>>
    %dma_wait3A_518 = tpu.memref_squeeze %dma_wait3A_517 : memref<1x4x8x1024xf32, #tpu.memory_space<vmem>> -> memref<4x8x1024xf32, #tpu.memory_space<vmem>>
    %dma_wait3A_519 = arith.constant 0 : i32
    %dma_wait3A_520 = arith.constant 0 : i32
    %dma_wait3A_521 = tpu.memref_slice %arg4[%dma_wait3A_519, %add3A_512, %dma_wait3A_520] : memref<4x8192x1024xf32, #tpu.memory_space<hbm>> -> memref<4x8x1024xf32, #tpu.memory_space<hbm>>
    %dma_wait3A_522 = arith.constant 0 : i32
    %dma_wait3A_523 = arith.constant 0 : i32
    %dma_wait3A_524 = tpu.memref_slice %arg4[%dma_wait3A_522, %add3A_512, %dma_wait3A_523] : memref<4x8192x1024xf32, #tpu.memory_space<hbm>> -> memref<4x8x1024xf32, #tpu.memory_space<hbm>>
    %dma_wait3A_525 = arith.constant 0 : i32
    %dma_wait3A_526 = arith.constant 0 : i32
    %dma_wait3A_527 = arith.constant 0 : i32
    %dma_wait3A_528 = tpu.memref_slice %arg6[%dma_wait3A_513, %dma_wait3A_525, %dma_wait3A_526, %dma_wait3A_527] : memref<3x4x8x1024xf32, #tpu.memory_space<vmem>> -> memref<1x4x8x1024xf32, #tpu.memory_space<vmem>>
    %dma_wait3A_529 = tpu.memref_squeeze %dma_wait3A_528 : memref<1x4x8x1024xf32, #tpu.memory_space<vmem>> -> memref<4x8x1024xf32, #tpu.memory_space<vmem>>
    tpu.wait_dma2 semaphore(%arg11 : memref<!tpu.dma_semaphore, #tpu.memory_space<semaphore_mem>>) src(%dma_wait3A_529 : memref<4x8x1024xf32, #tpu.memory_space<vmem>>) dst(%dma_wait3A_524 : memref<4x8x1024xf32, #tpu.memory_space<hbm>>)
    return
  }
}

</mosaic_0001>

<sc_bundles>
// kernel: kernel.3.cloned.1.call-start
scs
__scs_entry_jumppad:
0x0: {  	(pc) =	sbr.rel $0x88, $3  }
0x1: {  	(tag) =	ssettag $0x0;
	lr =	simm.s32 $0x1  }
0x2: {  	[smem:$0x3F9F] =	sst lr;
	_ =	strace $0xD0000000  }
0x3: {  	_ = 	snop  }
0x4: {  	_ = 	snop  }
0x5: {  	_ = 	snop  }
0x6: {  	_ = 	snop  }
0x7: {  	_ = 	snop  }
__scs_overlays_trampoline_lowered:
0x8: {  	[smem:$0x3FAE] =	sst s0  }
0x9: {  	[smem:$0x3FAF] =	sst s1  }
0xa: {  	[smem:$0x3FB0] =	sst s2  }
0xb: {  	[smem:$0x3FB1] =	sst s3  }
0xc: {  	[smem:$0x3FB2] =	sst s4  }
0xd: {  	[smem:$0x3FB3] =	sst s5  }
0xe: {  	[smem:$0x3FB4] =	sst s6  }
0xf: {  	[smem:$0x3FB5] =	sst s7  }
0x10: {  	[smem:$0x3FB6] =	sst s8  }
0x11: {  	[smem:$0x3FB7] =	sst s9;
	s0 =	simm.s32 @!p0 $0x0  }
0x12: {  	s1 =	sld [smem:$0x3F9D];
	s0 =	simm.s32 @p0 $0x1  }
0x13: {  	[smem:$0x3FB8] =	sst s0;
	s0 =	simm.s32 @!p1 $0x0  }
0x14: {  	s2 =	sld [smem:$0x3F9C];
	s0 =	simm.s32 @p1 $0x1  }
0x15: {  	[smem:$0x3FB9] =	sst s0;
	s0 =	simm.s32 @!p2 $0x0  }
0x16: {  	s3 =	sld [smem:$0x3FDB];
	s0 =	simm.s32 @p2 $0x1  }
0x17: {  	s4 =	simm.s32 $0x1BF5;
	[smem:$0x3FBB] =	sst s0  }
0x18: {  	s0 =	sld [smem:$0x3F9E];
	_ =	swait.ge [sflag:s4], $0x0  }
0x19: {  	s7 =	sld [smem:$0x3F9F]  }
0x1a: {  	s8 =	sadd.s32 $0xFFFFE003, lr  }
0x1b: {  	s9 =	sadd.s32 $0xFFFFFEF7, lr;
	s5 =	simm.s32 $0xFFFFFFFF;
	p2 =	slt.u32 s8, $0xFFFFF086  }
0x1c: {  	p1 =	slt.u32 s9, $0xF7A;
	s5 =	simm.s32 @!p2 $0x0  }
0x1d: {  	s5 =	simm.s32 @p1 $0x1;
	p0 =	seq.s32 s7, s2  }
0x1e: {  	s7 =	smul.u32 @!p0 $0xF7A, s2;
	p2 =	seq.s32 @!p0 s5, $0x0  }
0x1f: {  	s9 =	smul.u32 $0xF7A, s1;
	s8 =	simm.s32 @!p0 $0x1BF5;
	p2 =	por !p2, p0  }
0x20: {  	[sflag:s8] =	ssyncset.s32 @!p0 $0xFFFFF086;
	s6 =	sadd.s32 @!p0 s3, s7;
	s7 =	simm.s32 @!p0 $0x108  }
0x21: {  	s3 =	sadd.s32 s3, s9;
	s6 =	sadd.s32 @!p0 $0x88, s6;
	s7 =	simm.s32 @p2 $0x1082  }
0x22: {  	[simem:s7], [sflag:s8] =	dma.local @!p0 [hbm:s6], $0xF7A  }
0x23: {  	s9 =	sor.u32 $0xD0000000, s2;
	s6 =	simm.s32 $0x108;
	_ =	swait.ge @!p0 [sflag:s8], $0x0  }
0x24: {  	s3 =	sadd.s32 $0x88, s3;
	s6 =	simm.s32 @!p1 $0x1082;
	[sflag:s4] =	ssyncset.s32 $0xFFFFF086  }
0x25: {  	[simem:s6], [sflag:s4] =	dma.local [hbm:s3], $0xF7A  }
0x26: {  	[smem:$0x3F9F] =	sst s1;
	(tag) =	ssettag s2;
	_ =	strace s9  }
0x27: {  	s1 =	sld [smem:$0x3FAF]  }
0x28: {  	s2 =	sld [smem:$0x3FB0]  }
0x29: {  	s4 =	sld [smem:$0x3FB2]  }
0x2a: {  	p0 =	seq.s32 s5, $0x0;
	s5 =	sld [smem:$0x3FB3]  }
0x2b: {  	s6 =	sld [smem:$0x3FB4]  }
0x2c: {  	s7 =	sld [smem:$0x3FB5]  }
0x2d: {  	s3 =	simm.s32 $0x108;
	s8 =	sld [smem:$0x3FB6]  }
0x2e: {  	s3 =	simm.s32 @!p0 $0x1082;
	s9 =	sld [smem:$0x3FB7]  }
0x2f: {  	lr =	sadd.s32 s0, s3;
	s0 =	sld [smem:$0x3FAE]  }
0x30: {  	s3 =	sld [smem:$0x3FB1]  }
0x31: {  	[smem:$0x3FBA] =	sst s10  }
0x32: {  	s10 =	sld [smem:$0x3FB8];
	_ =	sdelay $0x3  }
0x33: {  	p0 =	seq.s32 s10, $0x1;
	s10 =	sld [smem:$0x3FBA];
	_ =	sdelay $0x3  }
0x34: {  	[smem:$0x3FBA] =	sst s10  }
0x35: {  	s10 =	sld [smem:$0x3FB9];
	_ =	sdelay $0x3  }
0x36: {  	p1 =	seq.s32 s10, $0x1;
	s10 =	sld [smem:$0x3FBA];
	_ =	sdelay $0x3  }
0x37: {  	[smem:$0x3FBA] =	sst s10  }
0x38: {  	s10 =	sld [smem:$0x3FBB]  }
0x39: {  	_ = 	snop;
	(pc) =	sbr.ind lr, $3  }
0x3a: {  	_ = 	snop  }
0x3b: {  	_ = 	snop  }
0x3c: {  	p2 =	seq.s32 s10, $0x1;
	s10 =	sld [smem:$0x3FBA]  }
0x3d: {  	_ =	shalt  }
0x3e: {  	_ =	shalt  }
0x3f: {  	_ =	shalt  }
0x40: {  	_ =	shalt  }
0x41: {  	_ =	shalt  }
0x42: {  	_ =	shalt  }
0x43: {  	_ =	shalt  }
0x44: {  	_ =	shalt  }
0x45: {  	_ =	shalt  }
0x46: {  	_ =	shalt  }
0x47: {  	_ =	shalt  }
0x48: {  	_ =	shalt  }
0x49: {  	_ =	shalt  }
0x4a: {  	_ =	shalt  }
0x4b: {  	_ =	shalt  }
0x4c: {  	_ =	shalt  }
0x4d: {  	_ =	shalt  }
0x4e: {  	_ =	shalt  }
0x4f: {  	_ =	shalt  }
0x50: {  	_ =	shalt  }
0x51: {  	_ =	shalt  }
0x52: {  	_ =	shalt  }
0x53: {  	_ =	shalt  }
0x54: {  	_ =	shalt  }
0x55: {  	_ =	shalt  }
0x56: {  	_ =	shalt  }
0x57: {  	_ =	shalt  }
0x58: {  	_ =	shalt  }
0x59: {  	_ =	shalt  }
0x5a: {  	_ =	shalt  }
0x5b: {  	_ =	shalt  }
0x5c: {  	_ =	shalt  }
0x5d: {  	_ =	shalt  }
0x5e: {  	_ =	shalt  }
0x5f: {  	_ =	shalt  }
0x60: {  	_ =	shalt  }
0x61: {  	_ =	shalt  }
0x62: {  	_ =	shalt  }
0x63: {  	_ =	shalt  }
0x64: {  	_ =	shalt  }
0x65: {  	_ =	shalt  }
0x66: {  	_ =	shalt  }
0x67: {  	_ =	shalt  }
0x68: {  	_ =	shalt  }
0x69: {  	_ =	shalt  }
0x6a: {  	_ =	shalt  }
0x6b: {  	_ =	shalt  }
0x6c: {  	_ =	shalt  }
0x6d: {  	_ =	shalt  }
0x6e: {  	_ =	shalt  }
0x6f: {  	_ =	shalt  }
0x70: {  	_ =	shalt  }
0x71: {  	_ =	shalt  }
0x72: {  	_ =	shalt  }
0x73: {  	_ =	shalt  }
0x74: {  	_ =	shalt  }
0x75: {  	_ =	shalt  }
0x76: {  	_ =	shalt  }
0x77: {  	_ =	shalt  }
0x78: {  	_ =	shalt  }
0x79: {  	_ =	shalt  }
0x7a: {  	_ =	shalt  }
0x7b: {  	_ =	shalt  }
0x7c: {  	_ =	shalt  }
0x7d: {  	_ =	shalt  }
0x7e: {  	_ =	shalt  }
0x7f: {  	_ =	shalt  }
0x80: {  	_ =	shalt  }
0x81: {  	_ =	shalt  }
0x82: {  	_ =	shalt  }
0x83: {  	_ =	shalt  }
0x84: {  	_ =	shalt  }
0x85: {  	_ =	shalt  }
0x86: {  	_ =	shalt  }
0x87: {  	_ =	shalt  }
.Lfunc_end0:
.L_simem_size_0:
called_computation_lowered:
.L_overlay_start_0:
0x88: {  	s2 =	sld [smem:$0x3FD9]  }
0x89: {  	s3 =	sld [smem:$0x3FFE];
	_ =	sdelay $0x1  }
0x8a: {  	s1 =	srdreg.scid  }
0x8b: {  	s0 =	sand.u32 $0x1, s1  }
0x8c: {  	s18 =	sshll.u32 s0, $0xA;
	s2 =	sadd.s32 s3, s2  }
0x8d: {  	s2 =	sadd.s32 s2, s18  }
0x8e: {  	[smem:$0x3FC6] =	sst s2  }
0x8f: {  	_ = 	snop  }
0x90: {  	s2 =	sld [smem:$0x3FC9]  }
0x91: {  	s19 =	sld [smem:$0x3FC8]  }
0x92: {  	s4 =	sld [smem:$0x3FD0];
	(tm) =	ssettm $0x1  }
0x93: {  	s5 =	sld [smem:$0x3FFB];
	_ =	sdelay $0x3  }
0x94: {  	_ =	strace s5  }
0x95: {  	s5 =	sld [smem:$0x3FFC];
	_ =	sdelay $0x3  }
0x96: {  	_ =	strace s5  }
0x97: {  	s5 =	sld [smem:$0x3FFD];
	_ =	sdelay $0x3  }
0x98: {  	_ =	strace s5  }
0x99: {  	_ =	strace $0x8FFFFFFF  }
0x9a: {  	s20 =	sld [smem:$0x3FDB];
	_ =	sdelay $0x1  }
0x9b: {  	s6 =	simm.s32 $_scs_section_size  }
0x9c: {  	s7 =	simm.s32 $_size__tile_overlayer_lowered;
	s8 =	simm.s32 $_tile_overlayer_lowered  }
0x9d: {  	s23 =	simm.s32 $0x1BFF;
	s22 =	sshll.u32 s8, $0x1;
	s5 =	sadd.s32 s6, s20  }
0x9e: {  	s9 =	simm.s32 $0x0;
	s21 =	sshll.u32 s7, $0x1;
	s7 =	sadd.s32 s22, s5  }
0x9f: {  	[timem:s9], [sflag:s23] =	dma.local [hbm:s7], s21  }
0xa0: {  	_ =	swait.ge [sflag:s23], s21  }
0xa1: {  	s6 =	ssub.s32 $0x0, s21;
	[sflag:s23] =	ssyncset.done $0x0  }
0xa2: {  	[sflag:s23] =	ssyncadd.s32 s6;
	_ =	sdelay $0x1  }
0xa3: {  	s24 =	simm.s32 $0x1B8B  }
0xa4: {  	_ =	swait.ge [sflag:s24], $0x1  }
0xa5: {  	[sflag:s24] =	ssyncset.done $0x0  }
0xa6: {  	s25 =	simm.s32 $0x1B8E;
	[sflag:s24] =	ssyncadd.s32 $0xFFFFFFFF  }
0xa7: {  	s26 =	simm.s32 $execute0_lowered;
	[smem:$0x3FD2] =	sst s25  }
0xa8: {  	s6 =	sshll.u32 s26, $0x1;
	_ =	strace $0x80000046;
	[dreg:$0x1] =	wrdreg $0xFFFFFFFF  }
0xa9: {  	s28 =	simm.s32 $_size_execute0_lowered;
	s5 =	sadd.s32 s5, s6;
	[dreg:$0x0] =	wrdreg $0x0  }
0xaa: {  	s6 =	sshll.u32 s28, $0x1;
	[dreg:$0x2] =	wrdreg s5  }
0xab: {  	[dreg:$0x3] =	wrdreg s6  }
0xac: {  	[dreg:$0x4] =	wrdreg $0xC0  }
0xad: {  	_ =	task [dreg:s9], $0x5FFFF  }
0xae: {  	[dreg:$0x1] =	wrdreg $0xFFFFFFFF  }
0xaf: {  	[dreg:$0x0] =	wrdreg $0x60  }
0xb0: {  	[dreg:$0x2] =	wrdreg s2  }
0xb1: {  	[dreg:$0x3] =	wrdreg s19  }
0xb2: {  	[dreg:$0x4] =	wrdreg s4  }
0xb3: {  	[dreg:$0x5] =	wrdreg $0x9  }
0xb4: {  	_ =	task.clear_ibuf [dreg:s9], $0x6FFFF;
	_ =	strace $0x90000046  }
0xb5: {  	s29 =	simm.s32 $0x9;
	_ =	strace $0x80000048  }
0xb6: {  	_ =	swait.ge [sflag:s29], $0x1  }
0xb7: {  	[sflag:s29] =	ssyncadd.s32 $0xFFFFFFFF  }
0xb8: {  	_ =	strace $0x90000048  }
0xb9: {  	_ =	sfence  }
0xba: {  	s30 =	sld [smem:$0x0];
	_ =	sdelay $0x2  }
0xbb: {  	s31 =	sshll.u32 s1, $0xD;
	s1 =	sshrl.u32 s1, $0x2  }
0xbc: {  	s3 =	sand.u32 $0x4000, s31;
	s1 =	sadd.s32 s1, s30  }
0xbd: {  	s0 =	sor.u32 s3, s0;
	s1 =	sshll.u32 s1, $0x11  }
0xbe: {  	s0 =	sor.u32 s1, s0  }
0xbf: {  	s0 =	sadd.s32 $0x8F2B, s0  }
0xc0: {  	[sflag:s0] =	ssyncadd.remote.s32 $0x1  }
0xc1: {  	_ =	sfence.sel $0xFFFF  }
0xc2: {  	[dreg:$0x0] =	wrdreg $0xFFFFFFFF;
	(pc) =	sbr.abs _section_cstart, $3  }
0xc3: {  	[dreg:$0x1] =	wrdreg $0xFFFFFFFF  }
0xc4: {  	_ =	task.clear_ibuf [dreg:s9], $0x2FFFF;
	_ =	strace $0x9FFFFFFF  }
0xc5: {  	(tm) =	ssettm $0x7FFFFFFF  }
tec
execute0_lowered:
.L_overlay_start_1:
0x0: {  	(tag) =	ssettag $0x1  }
0x1: {  	s0 =	srdreg.scid  }
0x2: {  	s5 =	rddreg [dreg:$0x0];
	s1 =	stileid.u32;
	s0 =	sand.u32 $0x1, s0  }
0x3: {  	s6 =	rddreg [dreg:$0x1];
	s1 =	sshll.u32 s1, $0x9;
	s2 =	sshll.u32 s0, $0x8  }
0x4: {  	s7 =	rddreg [dreg:$0x2];
	s3 =	simm.s32 $0x0;
	s1 =	sor.u32 s2, s1  }
0x5: {  	[smem:$0x7FF] =	sst s3;
	s17 =	sor.u32 $0x8, s1  }
0x6: {  	_ =	strace $0x80000047;
	s18 =	sor.u32 $0x18, s1;
	[dreg:$0xe] =	wrdreg s17  }
0x7: {  	s19 =	sor.u32 $0x10, s1;
	[dreg:$0xf] =	wrdreg s18  }
0x8: {  	s0 =	ssub.s32 $0x2, s0;
	s20 =	sor.u32 $0x20, s1;
	[dreg:$0x10] =	wrdreg s19  }
0x9: {  	s10 =	sshll.u32 s1, $0x7;
	s1 =	sor.u32 $0x28, s1;
	[dreg:$0x11] =	wrdreg s20  }
0xa: {  	s9 =	sshrl.u32 s0, $0x1;
	s11 =	sadd.s32 s6, s10;
	[dreg:$0x12] =	wrdreg s1  }
0xb: {  	s0 =	ssub.s32 s0, s9;
	s4 =	sadd.s32 s5, s10;
	[dreg:$0x7] =	wrdreg s11  }
0xc: {  	s0 =	smax.u32 s0, $0x1;
	[dreg:$0x8] =	wrdreg s4  }
0xd: {  	s12 =	sor.u32 $0x400, s10;
	s8 =	sadd.s32 s7, s10;
	[dreg:$0x1a] =	wrdreg s0  }
0xe: {  	s13 =	sadd.s32 s6, s12;
	[dreg:$0xb] =	wrdreg s8  }
0xf: {  	s14 =	sor.u32 $0x800, s10;
	s2 =	sadd.s32 s5, s12;
	[dreg:$0x9] =	wrdreg s13  }
0x10: {  	s15 =	sadd.s32 s6, s14;
	[dreg:$0xa] =	wrdreg s2  }
0x11: {  	s16 =	sadd.s32 s5, s14;
	[dreg:$0xc] =	wrdreg s15  }
0x12: {  	s22 =	sor.u32 $0x7800, s10;
	s21 =	sadd.s32 $0x7000, s8;
	[dreg:$0xd] =	wrdreg s16  }
0x13: {  	s24 =	sadd.s32 s6, s22;
	[dreg:$0x13] =	wrdreg s21  }
0x14: {  	s23 =	sor.u32 $0x7C00, s10;
	s25 =	sadd.s32 s5, s22;
	[dreg:$0x14] =	wrdreg s24  }
0x15: {  	s26 =	sadd.s32 s6, s23;
	[dreg:$0x15] =	wrdreg s25  }
0x16: {  	s28 =	sadd.s32 s5, s23;
	[dreg:$0x16] =	wrdreg s26  }
0x17: {  	s1 =	sadd.s32 s7, s22;
	[dreg:$0x17] =	wrdreg s28  }
0x18: {  	s29 =	simm.s32 $0x2000;
	s30 =	sadd.s32 s7, s23;
	[dreg:$0x18] =	wrdreg s1  }
0x19: {  	s3 =	simm.s32 $0x0;
	s31 =	sadd.s32 $0x7400, s8;
	[dreg:$0x19] =	wrdreg s30  }
0x1a: {  	s4 =	simm.s32 $0xE000;
	[dreg:$0x1b] =	wrdreg s31;
	s2 =	simm.s32 $0x800000  }
.LBB2_1:
0x1b: {  	[dreg:$0x1c] =	wrdreg s3  }
0x1c: {  	s0 =	simm.s32 $0x0;
	s1 =	rddreg [dreg:$0x7]  }
0x1d: {  	[tilespmem:s0], [sflag:$0x1] =	stream.linear.gather [hbm4b:s1+s0], $0x2000, $0x38;
	[tilespmem:$0x1E000] =	vst v63  }
0x1e: {  	s21 =	rddreg [dreg:$0x8];
	s22 =	simm.s32 $0x6000  }
0x1f: {  	[tilespmem:s22], [sflag:$0x1] =	stream.strided.gather [hbm4b:s21+s29], $0x8000, s2, s29, $0x38;
	[tilespmem:$0x1E000] =	vst v63  }
0x20: {  	s23 =	rddreg [dreg:$0x9]  }
0x21: {  	[tilespmem:s29], [sflag:$0x2] =	stream.linear.gather [hbm4b:s23+s0], $0x2000, $0x38;
	[tilespmem:$0x1E000] =	vst v63  }
0x22: {  	s24 =	rddreg [dreg:$0xa];
	s25 =	simm.s32 $0x1  }
0x23: {  	[tilespmem:s4], [sflag:$0x2] =	stream.strided.gather [hbm4b:s24+s29], $0x8000, s2, s29, $0x38;
	[tilespmem:$0x1E000] =	vst v63  }
0x24: {  	_ =	swait.ge [sflag:s25], $0x2000  }
0x25: {  	[sflag:s25] =	ssyncset.done $0x0  }
0x26: {  	s26 =	sand.u32 $0x40, s0;
	[sflag:s25] =	ssyncadd.s32 $0xFFFFE000  }
0x27: {  	s28 =	sand.u32 $0x1C00, s0;
	s29 =	sand.u32 $0x380, s0;
	_ =	swait.ge [sflag:s25], $0x8000  }
0x28: {  	s30 =	sor.u32 $0x30, s26;
	s8 =	sor.u32 s29, s28;
	[sflag:s25] =	ssyncset.done $0x0  }
0x29: {  	s31 =	sor.u32 $0xC000, s8;
	s0 =	sor.u32 s30, s8;
	[sflag:s25] =	ssyncadd.s32 $0xFFFF8000  }
0x2a: {  	s6 =	sor.u32 $0x8000, s8;
	s12 =	sor.u32 s30, s31;
	v0 =	vld [tilespmem:s0+$0x0]  }
0x2b: {  	s14 =	sor.u32 $0xA000, s8;
	s10 =	sor.u32 s26, s6;
	v5 =	vld [tilespmem:s12+$0x0]  }
0x2c: {  	s20 =	sor.u32 s26, s14;
	v1 =	vld [tilespmem:s10+$0x0]  }
0x2d: {  	s15 =	sor.u32 $0x10, s26;
	s21 =	sor.u32 s26, s31;
	v2 =	vld [tilespmem:s20+$0x0]  }
0x2e: {  	s13 =	sor.u32 s15, s6;
	v3 =	vld [tilespmem:s21+$0x0]  }
0x2f: {  	s19 =	sor.u32 s15, s14;
	v4 =	vld [tilespmem:s13+$0x0]  }
0x30: {  	s16 =	sor.u32 $0x20, s26;
	s24 =	sor.u32 s15, s31;
	v9 =	vld [tilespmem:s19+$0x0]  }
0x31: {  	s2 =	sor.u32 s16, s6;
	v7 =	vld [tilespmem:s24+$0x0]  }
0x32: {  	s22 =	sor.u32 s16, s14;
	v6 =	vld [tilespmem:s2+$0x0]  }
0x33: {  	s18 =	sor.u32 s26, s8;
	v8 =	vld [tilespmem:s22+$0x0]  }
0x34: {  	v11 =	vld [tilespmem:s18+$0x0];
	v5 =	vadd.f32 v5, v0  }
0x35: {  	s25 =	sor.u32 s15, s8;
	v12 =	vld [tilespmem:s18+$0x6000]  }
0x36: {  	s4 =	sor.u32 s30, s6;
	v10 =	vld [tilespmem:s25+$0x0];
	[tilespmem:s12+$0x0] =	vst v5  }
0x37: {  	s1 =	sor.u32 s30, s14;
	v14 =	vld [tilespmem:s4+$0x0]  }
0x38: {  	s23 =	sor.u32 s16, s31;
	s6 =	simm.s32 $0x0;
	s26 =	sor.u32 s16, s8;
	v13 =	vld [tilespmem:s1+$0x0]  }
0x39: {  	s14 =	simm.s32 $0x40;
	s16 =	simm.s32 $0x0;
	s15 =	simm.s32 $0x0;
	v5 =	vld [tilespmem:s23+$0x0]  }
.LBB2_2:
0x3a: {  	_ = 	snop  }
0x3b: {  	s15 =	sadd.s32 $0x200, s15;
	s16 =	sadd.s32 $0x8, s16  }
0x3c: {  	v15 =	vld [tilespmem:s25+$0x6000];
	s3 =	sand.u32 $0x1C00, s15;
	s8 =	sand.u32 $0x380, s16  }
0x3d: {  	s12 =	sand.u32 $0x40, s14;
	v16 =	vld [tilespmem:s26+$0x0];
	s8 =	sor.u32 s8, s3;
	v14 =	vadd.f32 v14, v0;
	v13 =	vadd.f32 v13, v0  }
0x3e: {  	v17 =	vld [tilespmem:s26+$0x6000];
	s17 =	sor.u32 $0x30, s12;
	s30 =	sor.u32 $0xC000, s8;
	v1 =	vadd.f32 v1, v11;
	v2 =	vadd.f32 v2, v11  }
0x3f: {  	v12 =	vadd.f32 v12, v11;
	v3 =	vadd.f32 v3, v11;
	v11 =	vld [tilespmem:s0+$0x6000];
	s11 =	sor.u32 s17, s30;
	[tilespmem:s4+$0x0] =	vst v14  }
0x40: {  	s31 =	sor.u32 $0x10, s12;
	s3 =	sor.u32 s17, s8;
	v7 =	vadd.f32 v7, v10;
	[tilespmem:s1+$0x0] =	vst v13;
	v14 =	vld [tilespmem:s11+$0x0]  }
0x41: {  	s7 =	sor.u32 s31, s30;
	[tilespmem:s21+$0x0] =	vst v3;
	s21 =	sor.u32 s12, s30;
	v13 =	vld [tilespmem:s3+$0x0]  }
0x42: {  	s4 =	sor.u32 $0x8000, s8;
	[tilespmem:s24+$0x0] =	vst v7;
	s24 =	smov.u32 s7;
	v3 =	vld [tilespmem:s21+$0x0]  }
0x43: {  	v4 =	vadd.f32 v4, v10;
	s1 =	sor.u32 $0xA000, s8;
	[tilespmem:s10+$0x0] =	vst v1;
	s10 =	sor.u32 s12, s4;
	v7 =	vld [tilespmem:s24+$0x0]  }
0x44: {  	v9 =	vadd.f32 v9, v10;
	[tilespmem:s20+$0x0] =	vst v2;
	s20 =	sor.u32 s12, s1;
	v1 =	vld [tilespmem:s10+$0x0]  }
0x45: {  	s9 =	sor.u32 $0x20, s12;
	v5 =	vadd.f32 v5, v16;
	[tilespmem:s13+$0x0] =	vst v4;
	s29 =	sor.u32 s31, s4;
	v2 =	vld [tilespmem:s20+$0x0]  }
0x46: {  	[dreg:$0x5] =	wrdreg s0;
	v6 =	vadd.f32 v6, v16;
	s30 =	sor.u32 s9, s30;
	[tilespmem:s19+$0x0] =	vst v9;
	s0 =	sor.u32 s31, s1;
	v4 =	vld [tilespmem:s29+$0x0]  }
0x47: {  	v8 =	vadd.f32 v8, v16;
	s28 =	sor.u32 s9, s4;
	[tilespmem:s23+$0x0] =	vst v5;
	s23 =	smov.u32 s30;
	v9 =	vld [tilespmem:s0+$0x0]  }
0x48: {  	s5 =	sor.u32 s9, s1;
	[tilespmem:s2+$0x0] =	vst v6;
	s2 =	smov.u32 s28;
	v5 =	vld [tilespmem:s23+$0x0]  }
0x49: {  	s6 =	sadd.s32 $0x4, s6;
	v15 =	vadd.f32 v15, v10;
	s12 =	sor.u32 s12, s8;
	[tilespmem:s22+$0x0] =	vst v8;
	s22 =	smov.u32 s5;
	v6 =	vld [tilespmem:s2+$0x0]  }
0x4a: {  	p0 =	slt.u32 s6, $0x1FC;
	v10 =	vadd.f32 v17, v16;
	[tilespmem:s18+$0x6000] =	vst v12;
	s31 =	sor.u32 s31, s8;
	s18 =	smov.u32 s12;
	v8 =	vld [tilespmem:s22+$0x0]  }
.Ltmp0:
0x4b: {  	[tilespmem:s25+$0x6000] =	vst v15;
	s25 =	smov.u32 s31;
	v12 =	vld [tilespmem:s18+$0x6000];
	(pc) =	sbr.rel @p0 .LBB2_2-.Ltmp0, $4  }
0x4c: {  	s1 =	sor.u32 s17, s1;
	[tilespmem:s26+$0x6000] =	vst v10;
	v63 =	vadd.f32 v11, v0;
	v10 =	vld [tilespmem:s25+$0x0];
	v0 =	vmov v13  }
0x4d: {  	s4 =	sor.u32 s17, s4;
	s31 =	rddreg [dreg:$0x5];
	v13 =	vld [tilespmem:s1+$0x0];
	v11 =	vadd.f32 v14, v0  }
0x4e: {  	s14 =	sadd.s32 $0x40, s14;
	s8 =	sor.u32 s9, s8;
	s13 =	smov.u32 s29;
	[tilespmem:s31+$0x6000] =	vst v63;
	v14 =	vld [tilespmem:s4+$0x0]  }
0x4f: {  	s19 =	smov.u32 s0;
	s26 =	smov.u32 s8;
	s0 =	smov.u32 s3;
	[tilespmem:s11+$0x0] =	vst v11;
	v11 =	vld [tilespmem:s18+$0x0]  }
0x50: {  	_ = 	snop  }
0x51: {  	v55 =	vadd.f32 v4, v10  }
0x52: {  	v15 =	vld [tilespmem:s26+$0x0];
	v57 =	vadd.f32 v9, v10  }
0x53: {  	v56 =	vld [tilespmem:s25+$0x6000];
	v14 =	vadd.f32 v14, v0;
	[tilespmem:s13+$0x0] =	vst v55  }
0x54: {  	v58 =	vadd.f32 v7, v10;
	[tilespmem:s19+$0x0] =	vst v57  }
0x55: {  	v13 =	vadd.f32 v13, v0;
	[tilespmem:s4+$0x0] =	vst v14  }
0x56: {  	v1 =	vadd.f32 v1, v11;
	[tilespmem:s24+$0x0] =	vst v58  }
0x57: {  	v2 =	vadd.f32 v2, v11;
	v14 =	vld [tilespmem:s0+$0x6000];
	[tilespmem:s1+$0x0] =	vst v13  }
0x58: {  	v6 =	vadd.f32 v6, v15;
	[tilespmem:s10+$0x0] =	vst v1  }
0x59: {  	v59 =	vld [tilespmem:s26+$0x6000];
	v3 =	vadd.f32 v3, v11;
	[tilespmem:s20+$0x0] =	vst v2  }
0x5a: {  	v60 =	vadd.f32 v8, v15;
	[tilespmem:s2+$0x0] =	vst v6  }
0x5b: {  	v61 =	vadd.f32 v5, v15;
	[tilespmem:s21+$0x0] =	vst v3  }
0x5c: {  	v62 =	vadd.f32 v12, v11;
	[tilespmem:s22+$0x0] =	vst v60  }
0x5d: {  	v2 =	vadd.f32 v56, v10;
	[tilespmem:s23+$0x0] =	vst v61  }
0x5e: {  	v1 =	vadd.f32 v59, v15;
	[tilespmem:s18+$0x6000] =	vst v62  }
0x5f: {  	[tilespmem:s25+$0x6000] =	vst v2;
	v63 =	vadd.f32 v14, v0  }
0x60: {  	[tilespmem:s26+$0x6000] =	vst v1  }
0x61: {  	s31 =	simm.s32 $0x2000;
	s20 =	rddreg [dreg:$0x0];
	[tilespmem:s0+$0x6000] =	vst v63  }
0x62: {  	s24 =	simm.s32 $0x800000;
	s25 =	simm.s32 $0x6000;
	s0 =	rddreg [dreg:$0xb]  }
0x63: {  	[hbm4b:s0+s31] =	stream.strided.scatter [tilespmem:s25], [sflag:$0x4], $0x8000, s24, s31, $0x38;
	[tilespmem:$0x1E000] =	vst v63  }
0x64: {  	s3 =	simm.s32 $0x0;
	s28 =	simm.s32 $0x4000;
	s26 =	rddreg [dreg:$0xc]  }
0x65: {  	[tilespmem:s28], [sflag:$0x3] =	stream.linear.gather [hbm4b:s26+s3], $0x2000, $0x38;
	[tilespmem:$0x1E000] =	vst v63  }
0x66: {  	s30 =	simm.s32 $0x16000;
	s19 =	simm.s32 $0x0;
	s29 =	rddreg [dreg:$0xd]  }
0x67: {  	[tilespmem:s30], [sflag:$0x3] =	stream.strided.gather [hbm4b:s29+s31], $0x8000, s24, s31, $0x38;
	[tilespmem:$0x1E000] =	vst v63  }
.LBB2_4:
0x68: {  	s4 =	simm.s32 $0x2  }
0x69: {  	_ =	swait.ge [sflag:s4], $0x2000  }
0x6a: {  	s2 =	simm.s32 $0x0;
	[sflag:s4] =	ssyncset.done $0x0  }
0x6b: {  	s0 =	sand.u32 $0x1C00, s2;
	s1 =	sand.u32 $0x380, s2;
	[sflag:s4] =	ssyncadd.s32 $0xFFFFE000  }
0x6c: {  	s2 =	sand.u32 $0x40, s2;
	s0 =	sor.u32 s1, s0;
	_ =	swait.ge [sflag:s4], $0x8000  }
0x6d: {  	s3 =	sor.u32 $0x30, s2;
	s1 =	sor.u32 $0x2000, s0;
	[sflag:s4] =	ssyncset.done $0x0  }
0x6e: {  	s28 =	sor.u32 $0x14000, s0;
	s5 =	sor.u32 s3, s1;
	[sflag:s4] =	ssyncadd.s32 $0xFFFF8000  }
0x6f: {  	s29 =	sor.u32 s3, s28;
	v0 =	vld [tilespmem:s5+$0x0]  }
0x70: {  	s7 =	sor.u32 $0xE000, s0;
	s6 =	sor.u32 s2, s1;
	v1 =	vld [tilespmem:s29+$0x0]  }
0x71: {  	s8 =	sor.u32 $0x10000, s0;
	s30 =	sor.u32 s2, s7;
	v3 =	vld [tilespmem:s6+$0x0]  }
0x72: {  	s0 =	sor.u32 $0x12000, s0;
	s9 =	sor.u32 s2, s8;
	v4 =	vld [tilespmem:s30+$0x0]  }
0x73: {  	s10 =	sor.u32 s2, s0;
	v5 =	vld [tilespmem:s9+$0x0]  }
0x74: {  	s11 =	sor.u32 $0x10, s2;
	s12 =	sor.u32 s2, s28;
	v6 =	vld [tilespmem:s10+$0x0]  }
0x75: {  	s13 =	sor.u32 s11, s1;
	v7 =	vld [tilespmem:s12+$0x0]  }
0x76: {  	s15 =	sor.u32 s11, s7;
	v2 =	vld [tilespmem:s13+$0x0]  }
0x77: {  	v8 =	vld [tilespmem:s15+$0x0];
	_ =	sdelay $0x1  }
0x78: {  	s23 =	sor.u32 s11, s8;
	v1 =	vadd.f32 v1, v0  }
0x79: {  	s22 =	sor.u32 s11, s0;
	v9 =	vld [tilespmem:s23+$0x0];
	v4 =	vadd.f32 v4, v3  }
0x7a: {  	s2 =	sor.u32 $0x20, s2;
	s21 =	sor.u32 s11, s28;
	v10 =	vld [tilespmem:s22+$0x0];
	[tilespmem:s29+$0x0] =	vst v1;
	v1 =	vadd.f32 v5, v3;
	v5 =	vadd.f32 v6, v3  }
0x7b: {  	s18 =	sor.u32 s2, s7;
	[tilespmem:s30+$0x0] =	vst v4;
	v4 =	vld [tilespmem:s21+$0x0];
	v3 =	vadd.f32 v7, v3;
	v7 =	vadd.f32 v8, v2  }
0x7c: {  	s16 =	simm.s32 $0x8;
	s1 =	sor.u32 s2, s1;
	v6 =	vld [tilespmem:s18+$0x0];
	[tilespmem:s9+$0x0] =	vst v1  }
0x7d: {  	s17 =	simm.s32 $0x0;
	s14 =	sor.u32 s2, s0;
	v1 =	vld [tilespmem:s1+$0x0];
	s1 =	sor.u32 s2, s8;
	[tilespmem:s15+$0x0] =	vst v7  }
0x7e: {  	s6 =	simm.s32 $0x0;
	s13 =	sor.u32 s2, s28;
	s5 =	sor.u32 s3, s8;
	v8 =	vadd.f32 v9, v2;
	[tilespmem:s10+$0x0] =	vst v5;
	v5 =	vld [tilespmem:s1+$0x0]  }
0x7f: {  	s2 =	sor.u32 s3, s0;
	v7 =	vadd.f32 v10, v2;
	s15 =	simm.s32 $0x200;
	s10 =	sor.u32 s3, s7;
	[tilespmem:s12+$0x0] =	vst v3;
	v3 =	vld [tilespmem:s14+$0x0]  }
.LBB2_5:
0x80: {  	s0 =	sand.u32 $0x1C00, s15;
	s3 =	sand.u32 $0x380, s16;
	[tilespmem:s23+$0x0] =	vst v8;
	v2 =	vadd.f32 v4, v2;
	v4 =	vld [tilespmem:s13+$0x0];
	s17 =	sadd.s32 $0x40, s17  }
0x81: {  	s6 =	sadd.s32 $0x4, s6;
	s4 =	sand.u32 $0x40, s17;
	s0 =	sor.u32 s3, s0;
	[tilespmem:s22+$0x0] =	vst v7;
	v7 =	vld [tilespmem:s10+$0x0]  }
0x82: {  	p0 =	slt.u32 s6, $0x1FC;
	s7 =	sor.u32 $0x2000, s0;
	s3 =	sor.u32 $0x30, s4;
	[tilespmem:s21+$0x0] =	vst v2;
	v2 =	vadd.f32 v6, v1;
	v6 =	vld [tilespmem:s5+$0x0]  }
0x83: {  	s8 =	sor.u32 $0xE000, s0;
	s9 =	sor.u32 $0x14000, s0;
	s11 =	sor.u32 s3, s7;
	v5 =	vadd.f32 v5, v1;
	v8 =	vld [tilespmem:s2+$0x0]  }
0x84: {  	s12 =	sor.u32 $0x10000, s0;
	s0 =	sor.u32 $0x12000, s0;
	v9 =	vld [tilespmem:s11+$0x0];
	s11 =	sor.u32 s3, s9;
	[tilespmem:s18+$0x0] =	vst v2;
	v2 =	vadd.f32 v3, v1  }
0x85: {  	s21 =	sor.u32 $0x10, s4;
	s24 =	sor.u32 $0x20, s4;
	s18 =	sor.u32 s4, s7;
	v3 =	vld [tilespmem:s11+$0x0];
	[tilespmem:s1+$0x0] =	vst v5;
	v1 =	vadd.f32 v4, v1  }
0x86: {  	s25 =	sor.u32 s4, s8;
	s26 =	sor.u32 s4, s12;
	s28 =	sor.u32 s4, s0;
	v4 =	vld [tilespmem:s18+$0x0];
	[tilespmem:s14+$0x0] =	vst v2;
	v2 =	vadd.f32 v7, v0  }
0x87: {  	s29 =	sor.u32 s21, s7;
	s30 =	sor.u32 s21, s8;
	s4 =	sor.u32 s4, s9;
	v5 =	vld [tilespmem:s25+$0x0];
	[tilespmem:s13+$0x0] =	vst v1;
	v1 =	vadd.f32 v6, v0  }
0x88: {  	s23 =	sor.u32 s21, s12;
	s22 =	sor.u32 s21, s0;
	s21 =	sor.u32 s21, s9;
	v6 =	vld [tilespmem:s26+$0x0];
	[tilespmem:s10+$0x0] =	vst v2;
	v2 =	vadd.f32 v8, v0  }
0x89: {  	s7 =	sor.u32 s24, s7;
	s1 =	sor.u32 s24, s12;
	s18 =	sor.u32 s24, s8;
	v7 =	vld [tilespmem:s28+$0x0];
	[tilespmem:s5+$0x0] =	vst v1;
	v0 =	vmov v9  }
0x8a: {  	s14 =	sor.u32 s24, s0;
	s13 =	sor.u32 s24, s9;
	s10 =	sor.u32 s3, s8;
	v1 =	vld [tilespmem:s4+$0x0];
	v3 =	vadd.f32 v3, v0;
	[tilespmem:s2+$0x0] =	vst v2  }
0x8b: {  	s5 =	sor.u32 s3, s12;
	s2 =	sor.u32 s3, s0;
	v2 =	vld [tilespmem:s29+$0x0]  }
0x8c: {  	v5 =	vadd.f32 v5, v4;
	v8 =	vld [tilespmem:s30+$0x0];
	[tilespmem:s11+$0x0] =	vst v3  }
0x8d: {  	v3 =	vadd.f32 v6, v4;
	v9 =	vld [tilespmem:s23+$0x0]  }
0x8e: {  	[tilespmem:s25+$0x0] =	vst v5;
	v5 =	vadd.f32 v7, v4;
	v7 =	vld [tilespmem:s22+$0x0]  }
.Ltmp1:
0x8f: {  	[tilespmem:s26+$0x0] =	vst v3;
	v3 =	vadd.f32 v1, v4;
	v4 =	vld [tilespmem:s21+$0x0];
	(pc) =	sbr.rel @p0 .LBB2_5-.Ltmp1, $4  }
0x90: {  	[tilespmem:s28+$0x0] =	vst v5;
	v1 =	vld [tilespmem:s7+$0x0]  }
0x91: {  	[tilespmem:s4+$0x0] =	vst v3;
	v3 =	vadd.f32 v8, v2;
	v6 =	vld [tilespmem:s18+$0x0]  }
0x92: {  	v8 =	vadd.f32 v9, v2;
	v5 =	vld [tilespmem:s1+$0x0]  }
0x93: {  	s15 =	sadd.s32 $0x200, s15;
	s16 =	sadd.s32 $0x8, s16;
	[tilespmem:s30+$0x0] =	vst v3;
	v7 =	vadd.f32 v7, v2;
	v3 =	vld [tilespmem:s14+$0x0]  }
0x94: {  	_ = 	snop  }
0x95: {  	v9 =	vld [tilespmem:s13+$0x0];
	[tilespmem:s23+$0x0] =	vst v8;
	v2 =	vadd.f32 v4, v2  }
0x96: {  	v4 =	vld [tilespmem:s10+$0x0];
	[tilespmem:s22+$0x0] =	vst v7;
	v6 =	vadd.f32 v6, v1  }
0x97: {  	[tilespmem:s21+$0x0] =	vst v2;
	v2 =	vadd.f32 v5, v1  }
0x98: {  	[tilespmem:s18+$0x0] =	vst v6;
	v3 =	vadd.f32 v3, v1  }
0x99: {  	v7 =	vld [tilespmem:s5+$0x0];
	[tilespmem:s1+$0x0] =	vst v2  }
0x9a: {  	v5 =	vld [tilespmem:s2+$0x0];
	v1 =	vadd.f32 v9, v1;
	[tilespmem:s14+$0x0] =	vst v3  }
0x9b: {  	v2 =	vadd.f32 v4, v0;
	[dreg:$0x1d] =	wrdreg s19  }
0x9c: {  	[tilespmem:s13+$0x0] =	vst v1  }
0x9d: {  	s3 =	smul.u32 $0x18, s19;
	[tilespmem:s10+$0x0] =	vst v2  }
0x9e: {  	v1 =	vadd.f32 v7, v0;
	s0 =	rddreg [dreg:$0xe]  }
0x9f: {  	v0 =	vadd.f32 v5, v0;
	s0 =	sadd.s32 s3, s0  }
0xa0: {  	s6 =	rddreg [dreg:$0x2];
	s7 =	simm.s32 $0x4;
	[tilespmem:s5+$0x0] =	vst v1;
	s0 =	sshll.u32 s0, $0x7  }
0xa1: {  	s22 =	simm.s32 $0xE000;
	s21 =	simm.s32 $0x800000;
	[tilespmem:s2+$0x0] =	vst v0;
	s0 =	sadd.s32 s6, s0  }
0xa2: {  	[hbm4b:s0+s31] =	stream.strided.scatter [tilespmem:s22], [sflag:$0x5], $0x8000, s21, s31, $0x38;
	[tilespmem:$0x1E000] =	vst v63  }
0xa3: {  	_ =	swait.ge [sflag:s7], $0x8000  }
0xa4: {  	s8 =	rddreg [dreg:$0xf];
	[sflag:s7] =	ssyncset.done $0x0  }
0xa5: {  	s0 =	sadd.s32 s3, s8;
	[sflag:s7] =	ssyncadd.s32 $0xFFFF8000  }
0xa6: {  	s23 =	simm.s32 $0x0;
	s9 =	sshll.u32 s0, $0x7;
	s10 =	rddreg [dreg:$0x1]  }
0xa7: {  	s12 =	simm.s32 $0x6000;
	[dreg:$0x1e] =	wrdreg s3;
	s0 =	sadd.s32 s10, s9  }
0xa8: {  	[tilespmem:s23], [sflag:$0x1] =	stream.linear.gather [hbm4b:s0+s23], $0x2000, $0x38;
	[tilespmem:$0x1E000] =	vst v63  }
0xa9: {  	s4 =	simm.s32 $0x3;
	[dreg:$0x1f] =	wrdreg s9;
	s11 =	sadd.s32 s20, s9  }
0xaa: {  	[tilespmem:s12], [sflag:$0x1] =	stream.strided.gather [hbm4b:s11+s31], $0x8000, s21, s31, $0x38;
	[tilespmem:$0x1E000] =	vst v63  }
0xab: {  	_ =	swait.ge [sflag:s4], $0x2000  }
0xac: {  	[sflag:s4] =	ssyncset.done $0x0  }
0xad: {  	s14 =	sand.u32 $0x380, s23;
	s13 =	sand.u32 $0x1C00, s23;
	[sflag:s4] =	ssyncadd.s32 $0xFFFFE000  }
0xae: {  	s15 =	sand.u32 $0x40, s23;
	s0 =	sor.u32 s14, s13;
	_ =	swait.ge [sflag:s4], $0x8000  }
0xaf: {  	s16 =	sor.u32 $0x30, s15;
	s1 =	sor.u32 $0x4000, s0;
	[sflag:s4] =	ssyncset.done $0x0  }
0xb0: {  	s19 =	sor.u32 $0x1C000, s0;
	s25 =	sor.u32 s16, s1;
	[sflag:s4] =	ssyncadd.s32 $0xFFFF8000  }
0xb1: {  	s26 =	sor.u32 s16, s19;
	v0 =	vld [tilespmem:s25+$0x0]  }
0xb2: {  	s7 =	sor.u32 $0x16000, s0;
	s6 =	sor.u32 s15, s1;
	v1 =	vld [tilespmem:s26+$0x0]  }
0xb3: {  	s8 =	sor.u32 $0x18000, s0;
	s28 =	sor.u32 s15, s7;
	v3 =	vld [tilespmem:s6+$0x0]  }
0xb4: {  	s0 =	sor.u32 $0x1A000, s0;
	s9 =	sor.u32 s15, s8;
	v4 =	vld [tilespmem:s28+$0x0]  }
0xb5: {  	s29 =	sor.u32 s15, s0;
	v5 =	vld [tilespmem:s9+$0x0]  }
0xb6: {  	s11 =	sor.u32 $0x10, s15;
	s12 =	sor.u32 s15, s19;
	v6 =	vld [tilespmem:s29+$0x0]  }
0xb7: {  	s30 =	sor.u32 s11, s1;
	v7 =	vld [tilespmem:s12+$0x0]  }
0xb8: {  	s31 =	sor.u32 s11, s7;
	v2 =	vld [tilespmem:s30+$0x0]  }
0xb9: {  	v8 =	vld [tilespmem:s31+$0x0]  }
0xba: {  	v1 =	vadd.f32 v1, v0  }
0xbb: {  	s25 =	sor.u32 s11, s8;
	v4 =	vadd.f32 v4, v3  }
0xbc: {  	s24 =	sor.u32 s11, s0;
	v9 =	vld [tilespmem:s25+$0x0];
	[tilespmem:s26+$0x0] =	vst v1  }
0xbd: {  	s2 =	sor.u32 $0x20, s15;
	s18 =	sor.u32 s11, s19;
	v10 =	vld [tilespmem:s24+$0x0];
	v1 =	vadd.f32 v5, v3;
	[tilespmem:s28+$0x0] =	vst v4;
	v4 =	vadd.f32 v6, v3  }
0xbe: {  	s17 =	sor.u32 s2, s7;
	v5 =	vld [tilespmem:s18+$0x0];
	v3 =	vadd.f32 v7, v3;
	v7 =	vadd.f32 v8, v2  }
0xbf: {  	s1 =	sor.u32 s2, s1;
	v6 =	vld [tilespmem:s17+$0x0];
	[tilespmem:s9+$0x0] =	vst v1  }
0xc0: {  	s14 =	simm.s32 $0x200;
	s13 =	sor.u32 s2, s19;
	v1 =	vld [tilespmem:s1+$0x0];
	s1 =	sor.u32 s2, s8;
	[tilespmem:s31+$0x0] =	vst v7  }
0xc1: {  	s15 =	sor.u32 s2, s0;
	s10 =	sor.u32 s16, s7;
	s5 =	sor.u32 s16, s8;
	v8 =	vadd.f32 v9, v2;
	[tilespmem:s29+$0x0] =	vst v4;
	v4 =	vld [tilespmem:s1+$0x0]  }
0xc2: {  	s6 =	simm.s32 $0x0;
	s2 =	sor.u32 s16, s0;
	v7 =	vadd.f32 v10, v2;
	s16 =	simm.s32 $0x8;
	[tilespmem:s12+$0x0] =	vst v3;
	v3 =	vld [tilespmem:s15+$0x0]  }
.LBB2_7:
0xc3: {  	s0 =	sand.u32 $0x1C00, s14;
	s3 =	sand.u32 $0x380, s16;
	[tilespmem:s25+$0x0] =	vst v8;
	v2 =	vadd.f32 v5, v2;
	v5 =	vld [tilespmem:s13+$0x0];
	s23 =	sadd.s32 $0x40, s23  }
0xc4: {  	s6 =	sadd.s32 $0x4, s6;
	s4 =	sand.u32 $0x40, s23;
	s0 =	sor.u32 s3, s0;
	[tilespmem:s24+$0x0] =	vst v7;
	v7 =	vld [tilespmem:s10+$0x0]  }
0xc5: {  	p0 =	slt.u32 s6, $0x1FC;
	s7 =	sor.u32 $0x4000, s0;
	s3 =	sor.u32 $0x30, s4;
	[tilespmem:s18+$0x0] =	vst v2;
	v2 =	vadd.f32 v6, v1;
	v6 =	vld [tilespmem:s5+$0x0]  }
0xc6: {  	s8 =	sor.u32 $0x16000, s0;
	s9 =	sor.u32 $0x1C000, s0;
	s11 =	sor.u32 s3, s7;
	v4 =	vadd.f32 v4, v1;
	v8 =	vld [tilespmem:s2+$0x0]  }
0xc7: {  	s12 =	sor.u32 $0x18000, s0;
	s0 =	sor.u32 $0x1A000, s0;
	v9 =	vld [tilespmem:s11+$0x0];
	s11 =	sor.u32 s3, s9;
	[tilespmem:s17+$0x0] =	vst v2;
	v2 =	vadd.f32 v3, v1  }
0xc8: {  	s18 =	sor.u32 $0x10, s4;
	s26 =	sor.u32 $0x20, s4;
	s17 =	sor.u32 s4, s7;
	v3 =	vld [tilespmem:s11+$0x0];
	[tilespmem:s1+$0x0] =	vst v4;
	v1 =	vadd.f32 v5, v1  }
0xc9: {  	s28 =	sor.u32 s4, s8;
	s29 =	sor.u32 s4, s12;
	s30 =	sor.u32 s4, s0;
	v4 =	vld [tilespmem:s17+$0x0];
	[tilespmem:s15+$0x0] =	vst v2;
	v2 =	vadd.f32 v7, v0  }
0xca: {  	s31 =	sor.u32 s18, s7;
	s19 =	sor.u32 s18, s8;
	s4 =	sor.u32 s4, s9;
	v5 =	vld [tilespmem:s28+$0x0];
	[tilespmem:s13+$0x0] =	vst v1;
	v1 =	vadd.f32 v6, v0  }
0xcb: {  	s25 =	sor.u32 s18, s12;
	s24 =	sor.u32 s18, s0;
	s18 =	sor.u32 s18, s9;
	v6 =	vld [tilespmem:s29+$0x0];
	[tilespmem:s10+$0x0] =	vst v2;
	v2 =	vadd.f32 v8, v0  }
0xcc: {  	s7 =	sor.u32 s26, s7;
	s1 =	sor.u32 s26, s12;
	s17 =	sor.u32 s26, s8;
	v7 =	vld [tilespmem:s30+$0x0];
	[tilespmem:s5+$0x0] =	vst v1;
	v0 =	vmov v9  }
0xcd: {  	s15 =	sor.u32 s26, s0;
	s13 =	sor.u32 s26, s9;
	s10 =	sor.u32 s3, s8;
	v1 =	vld [tilespmem:s4+$0x0];
	v3 =	vadd.f32 v3, v0;
	[tilespmem:s2+$0x0] =	vst v2  }
0xce: {  	s5 =	sor.u32 s3, s12;
	s2 =	sor.u32 s3, s0;
	v2 =	vld [tilespmem:s31+$0x0]  }
0xcf: {  	v5 =	vadd.f32 v5, v4;
	v8 =	vld [tilespmem:s19+$0x0];
	[tilespmem:s11+$0x0] =	vst v3  }
0xd0: {  	v3 =	vadd.f32 v6, v4;
	v9 =	vld [tilespmem:s25+$0x0]  }
0xd1: {  	[tilespmem:s28+$0x0] =	vst v5;
	v6 =	vadd.f32 v7, v4;
	v7 =	vld [tilespmem:s24+$0x0]  }
.Ltmp2:
0xd2: {  	[tilespmem:s29+$0x0] =	vst v3;
	v3 =	vadd.f32 v1, v4;
	v5 =	vld [tilespmem:s18+$0x0];
	(pc) =	sbr.rel @p0 .LBB2_7-.Ltmp2, $4  }
0xd3: {  	[tilespmem:s30+$0x0] =	vst v6;
	v1 =	vld [tilespmem:s7+$0x0]  }
0xd4: {  	[tilespmem:s4+$0x0] =	vst v3;
	v3 =	vadd.f32 v8, v2;
	v6 =	vld [tilespmem:s17+$0x0]  }
0xd5: {  	v8 =	vadd.f32 v9, v2;
	v4 =	vld [tilespmem:s1+$0x0]  }
0xd6: {  	s14 =	sadd.s32 $0x200, s14;
	s16 =	sadd.s32 $0x8, s16;
	[tilespmem:s19+$0x0] =	vst v3;
	v7 =	vadd.f32 v7, v2;
	v3 =	vld [tilespmem:s15+$0x0]  }
0xd7: {  	v9 =	vld [tilespmem:s13+$0x0]  }
0xd8: {  	[tilespmem:s25+$0x0] =	vst v8;
	v2 =	vadd.f32 v5, v2;
	v5 =	vld [tilespmem:s10+$0x0]  }
0xd9: {  	[tilespmem:s24+$0x0] =	vst v7;
	v6 =	vadd.f32 v6, v1  }
0xda: {  	[tilespmem:s18+$0x0] =	vst v2;
	v2 =	vadd.f32 v4, v1  }
0xdb: {  	[tilespmem:s17+$0x0] =	vst v6;
	v3 =	vadd.f32 v3, v1  }
0xdc: {  	v7 =	vld [tilespmem:s5+$0x0];
	[tilespmem:s1+$0x0] =	vst v2;
	v1 =	vadd.f32 v9, v1  }
0xdd: {  	v4 =	vld [tilespmem:s2+$0x0];
	v2 =	vadd.f32 v5, v0;
	[tilespmem:s15+$0x0] =	vst v3  }
0xde: {  	[tilespmem:s13+$0x0] =	vst v1  }
0xdf: {  	[tilespmem:s10+$0x0] =	vst v2  }
0xe0: {  	s0 =	rddreg [dreg:$0x10]  }
0xe1: {  	v1 =	vadd.f32 v7, v0;
	s3 =	rddreg [dreg:$0x1e]  }
0xe2: {  	v0 =	vadd.f32 v4, v0;
	s0 =	sadd.s32 s3, s0  }
0xe3: {  	s16 =	simm.s32 $0x2000;
	s15 =	rddreg [dreg:$0x2];
	[tilespmem:s5+$0x0] =	vst v1;
	s0 =	sshll.u32 s0, $0x7  }
0xe4: {  	s18 =	simm.s32 $0x5;
	s17 =	simm.s32 $0x16000;
	[tilespmem:s2+$0x0] =	vst v0;
	s0 =	sadd.s32 s15, s0  }
0xe5: {  	[hbm4b:s0+s16] =	stream.strided.scatter [tilespmem:s17], [sflag:$0x6], $0x8000, s21, s16, $0x38;
	[tilespmem:$0x1E000] =	vst v63  }
0xe6: {  	_ =	swait.ge [sflag:s18], $0x8000  }
0xe7: {  	s19 =	rddreg [dreg:$0x11];
	[sflag:s18] =	ssyncset.done $0x0  }
0xe8: {  	s0 =	sadd.s32 s3, s19;
	[sflag:s18] =	ssyncadd.s32 $0xFFFF8000  }
0xe9: {  	s0 =	sshll.u32 s0, $0x7;
	s1 =	rddreg [dreg:$0x1]  }
0xea: {  	s24 =	simm.s32 $0x0;
	s1 =	sadd.s32 s1, s0  }
0xeb: {  	[tilespmem:s16], [sflag:$0x2] =	stream.linear.gather [hbm4b:s1+s24], $0x2000, $0x38;
	[tilespmem:$0x1E000] =	vst v63  }
0xec: {  	s0 =	sadd.s32 s20, s0  }
0xed: {  	[tilespmem:s22], [sflag:$0x2] =	stream.strided.gather [hbm4b:s0+s16], $0x8000, s21, s16, $0x38;
	[tilespmem:$0x1E000] =	vst v63  }
0xee: {  	s21 =	simm.s32 $0x1  }
0xef: {  	_ =	swait.ge [sflag:s21], $0x2000  }
0xf0: {  	[sflag:s21] =	ssyncset.done $0x0  }
0xf1: {  	s26 =	sand.u32 $0x1C00, s24;
	[sflag:s21] =	ssyncadd.s32 $0xFFFFE000  }
0xf2: {  	s28 =	sand.u32 $0x380, s24;
	s22 =	sand.u32 $0x40, s24;
	_ =	swait.ge [sflag:s21], $0x8000  }
0xf3: {  	s1 =	sor.u32 s28, s26;
	s4 =	sor.u32 $0x30, s22;
	[sflag:s21] =	ssyncset.done $0x0  }
0xf4: {  	s29 =	sor.u32 $0xC000, s1;
	s17 =	sor.u32 s4, s1;
	[sflag:s21] =	ssyncadd.s32 $0xFFFF8000  }
0xf5: {  	s7 =	sor.u32 $0x8000, s1;
	s8 =	sor.u32 s4, s29;
	v0 =	vld [tilespmem:s17+$0x0]  }
0xf6: {  	s9 =	sor.u32 $0xA000, s1;
	s2 =	sor.u32 s22, s7;
	v5 =	vld [tilespmem:s8+$0x0]  }
0xf7: {  	s6 =	sor.u32 s22, s9;
	v1 =	vld [tilespmem:s2+$0x0]  }
0xf8: {  	s11 =	sor.u32 $0x10, s22;
	s18 =	sor.u32 s22, s29;
	v2 =	vld [tilespmem:s6+$0x0]  }
0xf9: {  	s23 =	sor.u32 s11, s7;
	v3 =	vld [tilespmem:s18+$0x0]  }
0xfa: {  	s25 =	sor.u32 s11, s9;
	v4 =	vld [tilespmem:s23+$0x0]  }
0xfb: {  	s12 =	sor.u32 $0x20, s22;
	s14 =	sor.u32 s11, s29;
	v9 =	vld [tilespmem:s25+$0x0]  }
0xfc: {  	s5 =	sor.u32 s12, s7;
	v7 =	vld [tilespmem:s14+$0x0]  }
0xfd: {  	s26 =	sor.u32 s12, s9;
	v6 =	vld [tilespmem:s5+$0x0]  }
0xfe: {  	s13 =	sor.u32 s22, s1;
	v8 =	vld [tilespmem:s26+$0x0]  }
0xff: {  	v11 =	vld [tilespmem:s13+$0x0];
	v5 =	vadd.f32 v5, v0  }
0x100: {  	s15 =	sor.u32 s11, s1;
	v12 =	vld [tilespmem:s13+$0x6000]  }
0x101: {  	s3 =	sor.u32 s4, s7;
	v10 =	vld [tilespmem:s15+$0x0];
	[tilespmem:s8+$0x0] =	vst v5  }
0x102: {  	s4 =	sor.u32 s4, s9;
	v14 =	vld [tilespmem:s3+$0x0]  }
0x103: {  	s30 =	simm.s32 $0x0;
	s10 =	sor.u32 s12, s29;
	v13 =	vld [tilespmem:s4+$0x0]  }
0x104: {  	s31 =	simm.s32 $0x40;
	s16 =	sor.u32 s12, s1;
	s1 =	simm.s32 $0x0;
	v5 =	vld [tilespmem:s10+$0x0]  }
.LBB2_9:
0x105: {  	_ = 	snop  }
0x106: {  	s24 =	sadd.s32 $0x200, s24;
	s1 =	sadd.s32 $0x8, s1  }
0x107: {  	v15 =	vld [tilespmem:s15+$0x6000];
	s0 =	sand.u32 $0x1C00, s24;
	s7 =	sand.u32 $0x380, s1  }
0x108: {  	s8 =	sand.u32 $0x40, s31;
	v16 =	vld [tilespmem:s16+$0x0];
	s0 =	sor.u32 s7, s0;
	v14 =	vadd.f32 v14, v0;
	v13 =	vadd.f32 v13, v0  }
0x109: {  	v17 =	vld [tilespmem:s16+$0x6000];
	s7 =	sor.u32 $0x30, s8;
	s9 =	sor.u32 $0xC000, s0;
	v1 =	vadd.f32 v1, v11;
	v2 =	vadd.f32 v2, v11  }
0x10a: {  	v12 =	vadd.f32 v12, v11;
	v3 =	vadd.f32 v3, v11;
	v11 =	vld [tilespmem:s17+$0x6000];
	s19 =	sor.u32 s7, s9;
	[tilespmem:s3+$0x0] =	vst v14  }
0x10b: {  	s11 =	sor.u32 $0x10, s8;
	s12 =	sor.u32 s7, s0;
	v7 =	vadd.f32 v7, v10;
	[tilespmem:s4+$0x0] =	vst v13;
	v14 =	vld [tilespmem:s19+$0x0]  }
0x10c: {  	s20 =	sor.u32 s11, s9;
	[tilespmem:s18+$0x0] =	vst v3;
	s18 =	sor.u32 s8, s9;
	v13 =	vld [tilespmem:s12+$0x0]  }
0x10d: {  	s3 =	sor.u32 $0x8000, s0;
	[tilespmem:s14+$0x0] =	vst v7;
	s14 =	smov.u32 s20;
	v3 =	vld [tilespmem:s18+$0x0]  }
0x10e: {  	v4 =	vadd.f32 v4, v10;
	s4 =	sor.u32 $0xA000, s0;
	[tilespmem:s2+$0x0] =	vst v1;
	s2 =	sor.u32 s8, s3;
	v7 =	vld [tilespmem:s14+$0x0]  }
0x10f: {  	v9 =	vadd.f32 v9, v10;
	[tilespmem:s6+$0x0] =	vst v2;
	s6 =	sor.u32 s8, s4;
	v1 =	vld [tilespmem:s2+$0x0]  }
0x110: {  	s28 =	sor.u32 $0x20, s8;
	v5 =	vadd.f32 v5, v16;
	[tilespmem:s23+$0x0] =	vst v4;
	s29 =	sor.u32 s11, s3;
	v2 =	vld [tilespmem:s6+$0x0]  }
0x111: {  	v6 =	vadd.f32 v6, v16;
	s9 =	sor.u32 s28, s9;
	[tilespmem:s25+$0x0] =	vst v9;
	s22 =	sor.u32 s11, s4;
	v4 =	vld [tilespmem:s29+$0x0]  }
0x112: {  	v8 =	vadd.f32 v8, v16;
	s21 =	sor.u32 s28, s3;
	[tilespmem:s10+$0x0] =	vst v5;
	s10 =	smov.u32 s9;
	v9 =	vld [tilespmem:s22+$0x0]  }
0x113: {  	[dreg:$0x6] =	wrdreg s17;
	s17 =	sor.u32 s28, s4;
	[tilespmem:s5+$0x0] =	vst v6;
	s5 =	smov.u32 s21;
	v5 =	vld [tilespmem:s10+$0x0]  }
0x114: {  	s30 =	sadd.s32 $0x4, s30;
	v15 =	vadd.f32 v15, v10;
	s8 =	sor.u32 s8, s0;
	[tilespmem:s26+$0x0] =	vst v8;
	s26 =	smov.u32 s17;
	v6 =	vld [tilespmem:s5+$0x0]  }
0x115: {  	p0 =	slt.u32 s30, $0x1FC;
	v10 =	vadd.f32 v17, v16;
	[tilespmem:s13+$0x6000] =	vst v12;
	s11 =	sor.u32 s11, s0;
	s13 =	smov.u32 s8;
	v8 =	vld [tilespmem:s26+$0x0]  }
.Ltmp3:
0x116: {  	[tilespmem:s15+$0x6000] =	vst v15;
	s15 =	smov.u32 s11;
	v12 =	vld [tilespmem:s13+$0x6000];
	(pc) =	sbr.rel @p0 .LBB2_9-.Ltmp3, $4  }
0x117: {  	s4 =	sor.u32 s7, s4;
	[tilespmem:s16+$0x6000] =	vst v10;
	v63 =	vadd.f32 v11, v0;
	v10 =	vld [tilespmem:s15+$0x0];
	v0 =	vmov v13  }
0x118: {  	s3 =	sor.u32 s7, s3;
	s23 =	smov.u32 s29;
	s29 =	rddreg [dreg:$0x6];
	v13 =	vld [tilespmem:s4+$0x0];
	v11 =	vadd.f32 v14, v0  }
0x119: {  	s31 =	sadd.s32 $0x40, s31;
	s0 =	sor.u32 s28, s0;
	[tilespmem:s29+$0x6000] =	vst v63;
	v14 =	vld [tilespmem:s3+$0x0]  }
0x11a: {  	s25 =	smov.u32 s22;
	s16 =	smov.u32 s0;
	s17 =	smov.u32 s12;
	[tilespmem:s19+$0x0] =	vst v11;
	v11 =	vld [tilespmem:s13+$0x0]  }
0x11b: {  	_ = 	snop  }
0x11c: {  	v53 =	vadd.f32 v4, v10  }
0x11d: {  	v51 =	vld [tilespmem:s16+$0x0];
	v55 =	vadd.f32 v9, v10  }
0x11e: {  	v54 =	vld [tilespmem:s15+$0x6000];
	v14 =	vadd.f32 v14, v0;
	[tilespmem:s23+$0x0] =	vst v53  }
0x11f: {  	v56 =	vadd.f32 v7, v10;
	[tilespmem:s25+$0x0] =	vst v55  }
0x120: {  	v13 =	vadd.f32 v13, v0;
	[tilespmem:s3+$0x0] =	vst v14  }
0x121: {  	v1 =	vadd.f32 v1, v11;
	[tilespmem:s14+$0x0] =	vst v56  }
0x122: {  	v2 =	vadd.f32 v2, v11;
	v14 =	vld [tilespmem:s17+$0x6000];
	[tilespmem:s4+$0x0] =	vst v13  }
0x123: {  	v58 =	vadd.f32 v6, v51;
	[tilespmem:s2+$0x0] =	vst v1  }
0x124: {  	v57 =	vld [tilespmem:s16+$0x6000];
	v52 =	vadd.f32 v3, v11;
	[tilespmem:s6+$0x0] =	vst v2  }
0x125: {  	v59 =	vadd.f32 v8, v51;
	[tilespmem:s5+$0x0] =	vst v58  }
0x126: {  	v1 =	vadd.f32 v54, v10;
	[tilespmem:s18+$0x0] =	vst v52  }
0x127: {  	v60 =	vadd.f32 v5, v51;
	[tilespmem:s26+$0x0] =	vst v59  }
0x128: {  	v61 =	vadd.f32 v12, v11;
	[tilespmem:s15+$0x6000] =	vst v1  }
0x129: {  	v62 =	vadd.f32 v57, v51;
	[tilespmem:s10+$0x0] =	vst v60  }
0x12a: {  	[tilespmem:s13+$0x6000] =	vst v61;
	v63 =	vadd.f32 v14, v0  }
0x12b: {  	[tilespmem:s16+$0x6000] =	vst v62  }
0x12c: {  	s0 =	rddreg [dreg:$0x2];
	[tilespmem:s17+$0x6000] =	vst v63  }
0x12d: {  	s31 =	simm.s32 $0x2000;
	s22 =	simm.s32 $0x800000;
	s1 =	rddreg [dreg:$0x1f]  }
0x12e: {  	s24 =	simm.s32 $0x6;
	s23 =	simm.s32 $0x6000;
	s0 =	sadd.s32 s0, s1  }
0x12f: {  	[hbm4b:s0+s31] =	stream.strided.scatter [tilespmem:s23], [sflag:$0x4], $0x8000, s22, s31, $0x38;
	[tilespmem:$0x1E000] =	vst v63  }
0x130: {  	_ =	swait.ge [sflag:s24], $0x8000  }
0x131: {  	s25 =	rddreg [dreg:$0x12]  }
0x132: {  	s28 =	simm.s32 $0x0;
	s19 =	rddreg [dreg:$0x1d]  }
0x133: {  	s26 =	rddreg [dreg:$0x1e];
	[sflag:s24] =	ssyncset.done $0x0;
	s19 =	sadd.s32 $0x1, s19  }
0x134: {  	s0 =	sadd.s32 s26, s25;
	[sflag:s24] =	ssyncadd.s32 $0xFFFF8000;
	p0 =	sne.s32 s19, $0x9  }
.Ltmp4:
0x135: {  	s0 =	sshll.u32 s0, $0x7;
	s1 =	rddreg [dreg:$0x1];
	(pc) =	sbr.rel @p0 .LBB2_4-.Ltmp4, $4  }
0x136: {  	s29 =	simm.s32 $0x4000;
	s20 =	rddreg [dreg:$0x0];
	s1 =	sadd.s32 s1, s0  }
0x137: {  	[tilespmem:s29], [sflag:$0x3] =	stream.linear.gather [hbm4b:s1+s28], $0x2000, $0x38;
	[tilespmem:$0x1E000] =	vst v63  }
0x138: {  	s30 =	simm.s32 $0x16000;
	s0 =	sadd.s32 s20, s0  }
0x139: {  	[tilespmem:s30], [sflag:$0x3] =	stream.strided.gather [hbm4b:s0+s31], $0x8000, s22, s31, $0x38;
	[tilespmem:$0x1E000] =	vst v63  }
0x13a: {  	s4 =	simm.s32 $0x2  }
0x13b: {  	_ =	swait.ge [sflag:s4], $0x2000  }
0x13c: {  	s19 =	simm.s32 $0x0;
	[sflag:s4] =	ssyncset.done $0x0  }
0x13d: {  	s0 =	sand.u32 $0x1C00, s19;
	s1 =	sand.u32 $0x380, s19;
	[sflag:s4] =	ssyncadd.s32 $0xFFFFE000  }
0x13e: {  	s2 =	sand.u32 $0x40, s19;
	s0 =	sor.u32 s1, s0;
	_ =	swait.ge [sflag:s4], $0x8000  }
0x13f: {  	s3 =	sor.u32 $0x30, s2;
	s1 =	sor.u32 $0x2000, s0;
	[sflag:s4] =	ssyncset.done $0x0  }
0x140: {  	s28 =	sor.u32 $0x14000, s0;
	s5 =	sor.u32 s3, s1;
	[sflag:s4] =	ssyncadd.s32 $0xFFFF8000  }
0x141: {  	s29 =	sor.u32 s3, s28;
	v0 =	vld [tilespmem:s5+$0x0]  }
0x142: {  	s7 =	sor.u32 $0xE000, s0;
	s6 =	sor.u32 s2, s1;
	v1 =	vld [tilespmem:s29+$0x0]  }
0x143: {  	s8 =	sor.u32 $0x10000, s0;
	s30 =	sor.u32 s2, s7;
	v3 =	vld [tilespmem:s6+$0x0]  }
0x144: {  	s0 =	sor.u32 $0x12000, s0;
	s9 =	sor.u32 s2, s8;
	v4 =	vld [tilespmem:s30+$0x0]  }
0x145: {  	s10 =	sor.u32 s2, s0;
	v5 =	vld [tilespmem:s9+$0x0]  }
0x146: {  	s11 =	sor.u32 $0x10, s2;
	s12 =	sor.u32 s2, s28;
	v6 =	vld [tilespmem:s10+$0x0]  }
0x147: {  	s13 =	sor.u32 s11, s1;
	v7 =	vld [tilespmem:s12+$0x0]  }
0x148: {  	s15 =	sor.u32 s11, s7;
	v2 =	vld [tilespmem:s13+$0x0]  }
0x149: {  	v8 =	vld [tilespmem:s15+$0x0]  }
0x14a: {  	v1 =	vadd.f32 v1, v0  }
0x14b: {  	s21 =	sor.u32 s11, s8;
	v4 =	vadd.f32 v4, v3  }
0x14c: {  	s20 =	sor.u32 s11, s0;
	v9 =	vld [tilespmem:s21+$0x0];
	[tilespmem:s29+$0x0] =	vst v1  }
0x14d: {  	s2 =	sor.u32 $0x20, s2;
	s18 =	sor.u32 s11, s28;
	v10 =	vld [tilespmem:s20+$0x0];
	v1 =	vadd.f32 v5, v3;
	[tilespmem:s30+$0x0] =	vst v4;
	v4 =	vadd.f32 v6, v3  }
0x14e: {  	s17 =	sor.u32 s2, s7;
	v5 =	vld [tilespmem:s18+$0x0];
	v3 =	vadd.f32 v7, v3;
	v7 =	vadd.f32 v8, v2  }
0x14f: {  	s1 =	sor.u32 s2, s1;
	v6 =	vld [tilespmem:s17+$0x0];
	[tilespmem:s9+$0x0] =	vst v1  }
0x150: {  	s16 =	simm.s32 $0x8;
	s14 =	sor.u32 s2, s0;
	v1 =	vld [tilespmem:s1+$0x0];
	s1 =	sor.u32 s2, s8;
	[tilespmem:s15+$0x0] =	vst v7  }
0x151: {  	s6 =	simm.s32 $0x0;
	s13 =	sor.u32 s2, s28;
	s5 =	sor.u32 s3, s8;
	v8 =	vadd.f32 v9, v2;
	[tilespmem:s10+$0x0] =	vst v4;
	v4 =	vld [tilespmem:s1+$0x0]  }
0x152: {  	s2 =	sor.u32 s3, s0;
	v7 =	vadd.f32 v10, v2;
	s15 =	simm.s32 $0x200;
	s10 =	sor.u32 s3, s7;
	[tilespmem:s12+$0x0] =	vst v3;
	v3 =	vld [tilespmem:s14+$0x0]  }
.LBB2_12:
0x153: {  	s0 =	sand.u32 $0x1C00, s15;
	s3 =	sand.u32 $0x380, s16;
	[tilespmem:s21+$0x0] =	vst v8;
	v2 =	vadd.f32 v5, v2;
	v5 =	vld [tilespmem:s13+$0x0];
	s19 =	sadd.s32 $0x40, s19  }
0x154: {  	s6 =	sadd.s32 $0x4, s6;
	s4 =	sand.u32 $0x40, s19;
	s0 =	sor.u32 s3, s0;
	[tilespmem:s20+$0x0] =	vst v7;
	v7 =	vld [tilespmem:s10+$0x0]  }
0x155: {  	p0 =	slt.u32 s6, $0x1FC;
	s7 =	sor.u32 $0x2000, s0;
	s3 =	sor.u32 $0x30, s4;
	[tilespmem:s18+$0x0] =	vst v2;
	v2 =	vadd.f32 v6, v1;
	v6 =	vld [tilespmem:s5+$0x0]  }
0x156: {  	s8 =	sor.u32 $0xE000, s0;
	s9 =	sor.u32 $0x14000, s0;
	s11 =	sor.u32 s3, s7;
	v4 =	vadd.f32 v4, v1;
	v8 =	vld [tilespmem:s2+$0x0]  }
0x157: {  	s12 =	sor.u32 $0x10000, s0;
	s0 =	sor.u32 $0x12000, s0;
	v9 =	vld [tilespmem:s11+$0x0];
	s11 =	sor.u32 s3, s9;
	[tilespmem:s17+$0x0] =	vst v2;
	v2 =	vadd.f32 v3, v1  }
0x158: {  	s18 =	sor.u32 $0x10, s4;
	s22 =	sor.u32 $0x20, s4;
	s17 =	sor.u32 s4, s7;
	v3 =	vld [tilespmem:s11+$0x0];
	[tilespmem:s1+$0x0] =	vst v4;
	v1 =	vadd.f32 v5, v1  }
0x159: {  	s23 =	sor.u32 s4, s8;
	s24 =	sor.u32 s4, s12;
	s25 =	sor.u32 s4, s0;
	v4 =	vld [tilespmem:s17+$0x0];
	[tilespmem:s14+$0x0] =	vst v2;
	v2 =	vadd.f32 v7, v0  }
0x15a: {  	s26 =	sor.u32 s18, s7;
	s28 =	sor.u32 s18, s8;
	s4 =	sor.u32 s4, s9;
	v5 =	vld [tilespmem:s23+$0x0];
	[tilespmem:s13+$0x0] =	vst v1;
	v1 =	vadd.f32 v6, v0  }
0x15b: {  	s21 =	sor.u32 s18, s12;
	s20 =	sor.u32 s18, s0;
	s18 =	sor.u32 s18, s9;
	v6 =	vld [tilespmem:s24+$0x0];
	[tilespmem:s10+$0x0] =	vst v2;
	v2 =	vadd.f32 v8, v0  }
0x15c: {  	s7 =	sor.u32 s22, s7;
	s1 =	sor.u32 s22, s12;
	s17 =	sor.u32 s22, s8;
	v7 =	vld [tilespmem:s25+$0x0];
	[tilespmem:s5+$0x0] =	vst v1;
	v0 =	vmov v9  }
0x15d: {  	s14 =	sor.u32 s22, s0;
	s13 =	sor.u32 s22, s9;
	s10 =	sor.u32 s3, s8;
	v1 =	vld [tilespmem:s4+$0x0];
	v3 =	vadd.f32 v3, v0;
	[tilespmem:s2+$0x0] =	vst v2  }
0x15e: {  	s5 =	sor.u32 s3, s12;
	s2 =	sor.u32 s3, s0;
	v2 =	vld [tilespmem:s26+$0x0]  }
0x15f: {  	v5 =	vadd.f32 v5, v4;
	v8 =	vld [tilespmem:s28+$0x0];
	[tilespmem:s11+$0x0] =	vst v3  }
0x160: {  	v3 =	vadd.f32 v6, v4;
	v9 =	vld [tilespmem:s21+$0x0]  }
0x161: {  	[tilespmem:s23+$0x0] =	vst v5;
	v6 =	vadd.f32 v7, v4;
	v7 =	vld [tilespmem:s20+$0x0]  }
.Ltmp5:
0x162: {  	[tilespmem:s24+$0x0] =	vst v3;
	v3 =	vadd.f32 v1, v4;
	v5 =	vld [tilespmem:s18+$0x0];
	(pc) =	sbr.rel @p0 .LBB2_12-.Ltmp5, $4  }
0x163: {  	[tilespmem:s25+$0x0] =	vst v6;
	v1 =	vld [tilespmem:s7+$0x0]  }
0x164: {  	[tilespmem:s4+$0x0] =	vst v3;
	v3 =	vadd.f32 v8, v2;
	v6 =	vld [tilespmem:s17+$0x0]  }
0x165: {  	v8 =	vadd.f32 v9, v2;
	v4 =	vld [tilespmem:s1+$0x0]  }
0x166: {  	s15 =	sadd.s32 $0x200, s15;
	s16 =	sadd.s32 $0x8, s16;
	[tilespmem:s28+$0x0] =	vst v3;
	v7 =	vadd.f32 v7, v2;
	v3 =	vld [tilespmem:s14+$0x0]  }
0x167: {  	v9 =	vld [tilespmem:s13+$0x0]  }
0x168: {  	[tilespmem:s21+$0x0] =	vst v8;
	v2 =	vadd.f32 v5, v2;
	v5 =	vld [tilespmem:s10+$0x0]  }
0x169: {  	[tilespmem:s20+$0x0] =	vst v7;
	v7 =	vld [tilespmem:s5+$0x0];
	v6 =	vadd.f32 v6, v1  }
0x16a: {  	[tilespmem:s18+$0x0] =	vst v2;
	v2 =	vadd.f32 v4, v1;
	v4 =	vld [tilespmem:s2+$0x0]  }
0x16b: {  	[tilespmem:s17+$0x0] =	vst v6;
	v3 =	vadd.f32 v3, v1  }
0x16c: {  	[tilespmem:s1+$0x0] =	vst v2;
	v1 =	vadd.f32 v9, v1  }
0x16d: {  	v2 =	vadd.f32 v5, v0;
	[tilespmem:s14+$0x0] =	vst v3  }
0x16e: {  	[tilespmem:s13+$0x0] =	vst v1;
	v1 =	vadd.f32 v7, v0  }
0x16f: {  	[tilespmem:s10+$0x0] =	vst v2;
	v0 =	vadd.f32 v4, v0  }
0x170: {  	[tilespmem:s5+$0x0] =	vst v1  }
0x171: {  	s15 =	simm.s32 $0x4;
	[tilespmem:s2+$0x0] =	vst v0  }
0x172: {  	s14 =	simm.s32 $0xE000;
	s13 =	simm.s32 $0x800000;
	s0 =	rddreg [dreg:$0x13]  }
0x173: {  	[hbm4b:s0+s31] =	stream.strided.scatter [tilespmem:s14], [sflag:$0x5], $0x8000, s13, s31, $0x38;
	[tilespmem:$0x1E000] =	vst v63  }
0x174: {  	_ =	swait.ge [sflag:s15], $0x8000  }
0x175: {  	[sflag:s15] =	ssyncset.done $0x0  }
0x176: {  	s19 =	simm.s32 $0x0;
	s16 =	rddreg [dreg:$0x14];
	[sflag:s15] =	ssyncadd.s32 $0xFFFF8000  }
0x177: {  	[tilespmem:s19], [sflag:$0x1] =	stream.linear.gather [hbm4b:s16+s19], $0x2000, $0x38;
	[tilespmem:$0x1E000] =	vst v63  }
0x178: {  	s4 =	simm.s32 $0x3;
	s18 =	simm.s32 $0x6000;
	s17 =	rddreg [dreg:$0x15]  }
0x179: {  	[tilespmem:s18], [sflag:$0x1] =	stream.strided.gather [hbm4b:s17+s31], $0x8000, s13, s31, $0x38;
	[tilespmem:$0x1E000] =	vst v63  }
0x17a: {  	_ =	swait.ge [sflag:s4], $0x2000  }
0x17b: {  	[sflag:s4] =	ssyncset.done $0x0  }
0x17c: {  	s20 =	sand.u32 $0x1C00, s19;
	s21 =	sand.u32 $0x380, s19;
	[sflag:s4] =	ssyncadd.s32 $0xFFFFE000  }
0x17d: {  	s22 =	sand.u32 $0x40, s19;
	s0 =	sor.u32 s21, s20;
	_ =	swait.ge [sflag:s4], $0x8000  }
0x17e: {  	s3 =	sor.u32 $0x30, s22;
	s1 =	sor.u32 $0x4000, s0;
	[sflag:s4] =	ssyncset.done $0x0  }
0x17f: {  	s23 =	sor.u32 $0x1C000, s0;
	s24 =	sor.u32 s3, s1;
	[sflag:s4] =	ssyncadd.s32 $0xFFFF8000  }
0x180: {  	s25 =	sor.u32 s3, s23;
	v0 =	vld [tilespmem:s24+$0x0]  }
0x181: {  	s7 =	sor.u32 $0x16000, s0;
	s6 =	sor.u32 s22, s1;
	v1 =	vld [tilespmem:s25+$0x0]  }
0x182: {  	s8 =	sor.u32 $0x18000, s0;
	s26 =	sor.u32 s22, s7;
	v3 =	vld [tilespmem:s6+$0x0]  }
0x183: {  	s0 =	sor.u32 $0x1A000, s0;
	s9 =	sor.u32 s22, s8;
	v4 =	vld [tilespmem:s26+$0x0]  }
0x184: {  	s28 =	sor.u32 s22, s0;
	v5 =	vld [tilespmem:s9+$0x0]  }
0x185: {  	s11 =	sor.u32 $0x10, s22;
	s12 =	sor.u32 s22, s23;
	v6 =	vld [tilespmem:s28+$0x0]  }
0x186: {  	s29 =	sor.u32 s11, s1;
	v7 =	vld [tilespmem:s12+$0x0]  }
0x187: {  	s30 =	sor.u32 s11, s7;
	v2 =	vld [tilespmem:s29+$0x0]  }
0x188: {  	v8 =	vld [tilespmem:s30+$0x0]  }
0x189: {  	v1 =	vadd.f32 v1, v0  }
0x18a: {  	s21 =	sor.u32 s11, s8;
	v4 =	vadd.f32 v4, v3  }
0x18b: {  	s20 =	sor.u32 s11, s0;
	v9 =	vld [tilespmem:s21+$0x0];
	[tilespmem:s25+$0x0] =	vst v1  }
0x18c: {  	s2 =	sor.u32 $0x20, s22;
	s18 =	sor.u32 s11, s23;
	v10 =	vld [tilespmem:s20+$0x0];
	v1 =	vadd.f32 v5, v3;
	[tilespmem:s26+$0x0] =	vst v4;
	v4 =	vadd.f32 v6, v3  }
0x18d: {  	s17 =	sor.u32 s2, s7;
	v5 =	vld [tilespmem:s18+$0x0];
	v3 =	vadd.f32 v7, v3;
	v7 =	vadd.f32 v8, v2  }
0x18e: {  	s1 =	sor.u32 s2, s1;
	v6 =	vld [tilespmem:s17+$0x0];
	[tilespmem:s9+$0x0] =	vst v1  }
0x18f: {  	s14 =	simm.s32 $0x200;
	s10 =	sor.u32 s3, s7;
	v1 =	vld [tilespmem:s1+$0x0];
	s1 =	sor.u32 s2, s8;
	[tilespmem:s30+$0x0] =	vst v7  }
0x190: {  	s5 =	sor.u32 s3, s8;
	s15 =	sor.u32 s2, s0;
	s16 =	simm.s32 $0x8;
	v8 =	vadd.f32 v9, v2;
	[tilespmem:s28+$0x0] =	vst v4;
	v4 =	vld [tilespmem:s1+$0x0]  }
0x191: {  	s13 =	sor.u32 s2, s23;
	s6 =	simm.s32 $0x0;
	s2 =	sor.u32 s3, s0;
	v7 =	vadd.f32 v10, v2;
	[tilespmem:s12+$0x0] =	vst v3;
	v3 =	vld [tilespmem:s15+$0x0]  }
.LBB2_14:
0x192: {  	s0 =	sand.u32 $0x1C00, s14;
	s3 =	sand.u32 $0x380, s16;
	[tilespmem:s21+$0x0] =	vst v8;
	v2 =	vadd.f32 v5, v2;
	v5 =	vld [tilespmem:s13+$0x0];
	s19 =	sadd.s32 $0x40, s19  }
0x193: {  	s6 =	sadd.s32 $0x4, s6;
	s4 =	sand.u32 $0x40, s19;
	s0 =	sor.u32 s3, s0;
	[tilespmem:s20+$0x0] =	vst v7;
	v7 =	vld [tilespmem:s10+$0x0]  }
0x194: {  	p0 =	slt.u32 s6, $0x1FC;
	s7 =	sor.u32 $0x4000, s0;
	s3 =	sor.u32 $0x30, s4;
	[tilespmem:s18+$0x0] =	vst v2;
	v2 =	vadd.f32 v6, v1;
	v6 =	vld [tilespmem:s5+$0x0]  }
0x195: {  	s8 =	sor.u32 $0x16000, s0;
	s9 =	sor.u32 $0x1C000, s0;
	s11 =	sor.u32 s3, s7;
	v4 =	vadd.f32 v4, v1;
	v8 =	vld [tilespmem:s2+$0x0]  }
0x196: {  	s12 =	sor.u32 $0x18000, s0;
	s0 =	sor.u32 $0x1A000, s0;
	v9 =	vld [tilespmem:s11+$0x0];
	s11 =	sor.u32 s3, s9;
	[tilespmem:s17+$0x0] =	vst v2;
	v2 =	vadd.f32 v3, v1  }
0x197: {  	s18 =	sor.u32 $0x10, s4;
	s22 =	sor.u32 $0x20, s4;
	s17 =	sor.u32 s4, s7;
	v3 =	vld [tilespmem:s11+$0x0];
	[tilespmem:s1+$0x0] =	vst v4;
	v1 =	vadd.f32 v5, v1  }
0x198: {  	s23 =	sor.u32 s4, s8;
	s24 =	sor.u32 s4, s12;
	s25 =	sor.u32 s4, s0;
	v4 =	vld [tilespmem:s17+$0x0];
	[tilespmem:s15+$0x0] =	vst v2;
	v2 =	vadd.f32 v7, v0  }
0x199: {  	s26 =	sor.u32 s18, s7;
	s28 =	sor.u32 s18, s8;
	s4 =	sor.u32 s4, s9;
	v5 =	vld [tilespmem:s23+$0x0];
	[tilespmem:s13+$0x0] =	vst v1;
	v1 =	vadd.f32 v6, v0  }
0x19a: {  	s21 =	sor.u32 s18, s12;
	s20 =	sor.u32 s18, s0;
	s18 =	sor.u32 s18, s9;
	v6 =	vld [tilespmem:s24+$0x0];
	[tilespmem:s10+$0x0] =	vst v2;
	v2 =	vadd.f32 v8, v0  }
0x19b: {  	s7 =	sor.u32 s22, s7;
	s1 =	sor.u32 s22, s12;
	s17 =	sor.u32 s22, s8;
	v7 =	vld [tilespmem:s25+$0x0];
	[tilespmem:s5+$0x0] =	vst v1;
	v0 =	vmov v9  }
0x19c: {  	s15 =	sor.u32 s22, s0;
	s13 =	sor.u32 s22, s9;
	s10 =	sor.u32 s3, s8;
	v1 =	vld [tilespmem:s4+$0x0];
	v3 =	vadd.f32 v3, v0;
	[tilespmem:s2+$0x0] =	vst v2  }
0x19d: {  	s5 =	sor.u32 s3, s12;
	s2 =	sor.u32 s3, s0;
	v2 =	vld [tilespmem:s26+$0x0]  }
0x19e: {  	v5 =	vadd.f32 v5, v4;
	v8 =	vld [tilespmem:s28+$0x0];
	[tilespmem:s11+$0x0] =	vst v3  }
0x19f: {  	v3 =	vadd.f32 v6, v4;
	v9 =	vld [tilespmem:s21+$0x0]  }
0x1a0: {  	[tilespmem:s23+$0x0] =	vst v5;
	v6 =	vadd.f32 v7, v4;
	v7 =	vld [tilespmem:s20+$0x0]  }
.Ltmp6:
0x1a1: {  	[tilespmem:s24+$0x0] =	vst v3;
	v3 =	vadd.f32 v1, v4;
	v5 =	vld [tilespmem:s18+$0x0];
	(pc) =	sbr.rel @p0 .LBB2_14-.Ltmp6, $4  }
0x1a2: {  	[tilespmem:s25+$0x0] =	vst v6;
	v1 =	vld [tilespmem:s7+$0x0]  }
0x1a3: {  	[tilespmem:s4+$0x0] =	vst v3;
	v3 =	vadd.f32 v8, v2;
	v6 =	vld [tilespmem:s17+$0x0]  }
0x1a4: {  	v8 =	vadd.f32 v9, v2;
	v4 =	vld [tilespmem:s1+$0x0]  }
0x1a5: {  	s14 =	sadd.s32 $0x200, s14;
	s16 =	sadd.s32 $0x8, s16;
	[tilespmem:s28+$0x0] =	vst v3;
	v7 =	vadd.f32 v7, v2;
	v3 =	vld [tilespmem:s15+$0x0]  }
0x1a6: {  	v9 =	vld [tilespmem:s13+$0x0]  }
0x1a7: {  	[tilespmem:s21+$0x0] =	vst v8;
	v2 =	vadd.f32 v5, v2;
	v5 =	vld [tilespmem:s10+$0x0]  }
0x1a8: {  	[tilespmem:s20+$0x0] =	vst v7;
	v7 =	vld [tilespmem:s5+$0x0];
	v6 =	vadd.f32 v6, v1  }
0x1a9: {  	[tilespmem:s18+$0x0] =	vst v2;
	v2 =	vadd.f32 v4, v1;
	v4 =	vld [tilespmem:s2+$0x0]  }
0x1aa: {  	[tilespmem:s17+$0x0] =	vst v6;
	v3 =	vadd.f32 v3, v1  }
0x1ab: {  	[tilespmem:s1+$0x0] =	vst v2;
	v1 =	vadd.f32 v9, v1  }
0x1ac: {  	v2 =	vadd.f32 v5, v0;
	[tilespmem:s15+$0x0] =	vst v3  }
0x1ad: {  	[tilespmem:s13+$0x0] =	vst v1;
	v1 =	vadd.f32 v7, v0  }
0x1ae: {  	[tilespmem:s10+$0x0] =	vst v2;
	v0 =	vadd.f32 v4, v0  }
0x1af: {  	[tilespmem:s5+$0x0] =	vst v1  }
0x1b0: {  	s19 =	simm.s32 $0x800000;
	[tilespmem:s2+$0x0] =	vst v0  }
0x1b1: {  	s21 =	simm.s32 $0x16000;
	s22 =	simm.s32 $0x5;
	s0 =	rddreg [dreg:$0x1b]  }
0x1b2: {  	[hbm4b:s0+s31] =	stream.strided.scatter [tilespmem:s21], [sflag:$0x6], $0x8000, s19, s31, $0x38;
	[tilespmem:$0x1E000] =	vst v63  }
0x1b3: {  	_ =	swait.ge [sflag:s22], $0x8000  }
0x1b4: {  	[sflag:s22] =	ssyncset.done $0x0  }
0x1b5: {  	s20 =	simm.s32 $0x0;
	s23 =	rddreg [dreg:$0x16];
	[sflag:s22] =	ssyncadd.s32 $0xFFFF8000  }
0x1b6: {  	[tilespmem:s31], [sflag:$0x2] =	stream.linear.gather [hbm4b:s23+s20], $0x2000, $0x38;
	[tilespmem:$0x1E000] =	vst v63  }
0x1b7: {  	s25 =	simm.s32 $0xE000;
	s4 =	simm.s32 $0x1;
	s24 =	rddreg [dreg:$0x17]  }
0x1b8: {  	[tilespmem:s25], [sflag:$0x2] =	stream.strided.gather [hbm4b:s24+s31], $0x8000, s19, s31, $0x38;
	[tilespmem:$0x1E000] =	vst v63  }
0x1b9: {  	_ =	swait.ge [sflag:s4], $0x2000  }
0x1ba: {  	[sflag:s4] =	ssyncset.done $0x0  }
0x1bb: {  	s26 =	sand.u32 $0x40, s20;
	[sflag:s4] =	ssyncadd.s32 $0xFFFFE000  }
0x1bc: {  	s29 =	sand.u32 $0x1C00, s20;
	s30 =	sand.u32 $0x380, s20;
	_ =	swait.ge [sflag:s4], $0x8000  }
0x1bd: {  	s3 =	sor.u32 $0x30, s26;
	s1 =	sor.u32 s30, s29;
	[sflag:s4] =	ssyncset.done $0x0  }
0x1be: {  	s12 =	sor.u32 s3, s1;
	s31 =	sor.u32 $0xC000, s1;
	[sflag:s4] =	ssyncadd.s32 $0xFFFF8000  }
0x1bf: {  	s6 =	sor.u32 $0x8000, s1;
	s7 =	sor.u32 s3, s31;
	v0 =	vld [tilespmem:s12+$0x0]  }
0x1c0: {  	s8 =	sor.u32 $0xA000, s1;
	s10 =	sor.u32 s26, s6;
	v5 =	vld [tilespmem:s7+$0x0]  }
0x1c1: {  	s21 =	sor.u32 s26, s8;
	v1 =	vld [tilespmem:s10+$0x0]  }
0x1c2: {  	s9 =	sor.u32 $0x10, s26;
	s22 =	sor.u32 s26, s31;
	v2 =	vld [tilespmem:s21+$0x0]  }
0x1c3: {  	s16 =	sor.u32 s9, s6;
	v3 =	vld [tilespmem:s22+$0x0]  }
0x1c4: {  	s28 =	sor.u32 s9, s8;
	v4 =	vld [tilespmem:s16+$0x0]  }
0x1c5: {  	s11 =	sor.u32 $0x20, s26;
	s5 =	sor.u32 s9, s31;
	v9 =	vld [tilespmem:s28+$0x0]  }
0x1c6: {  	s2 =	sor.u32 s11, s6;
	v7 =	vld [tilespmem:s5+$0x0]  }
0x1c7: {  	s23 =	sor.u32 s11, s8;
	v6 =	vld [tilespmem:s2+$0x0]  }
0x1c8: {  	s18 =	sor.u32 s26, s1;
	v8 =	vld [tilespmem:s23+$0x0]  }
0x1c9: {  	v11 =	vld [tilespmem:s18+$0x0];
	v5 =	vadd.f32 v5, v0  }
0x1ca: {  	s13 =	sor.u32 s9, s1;
	v12 =	vld [tilespmem:s18+$0x6000]  }
0x1cb: {  	s4 =	sor.u32 s3, s6;
	v10 =	vld [tilespmem:s13+$0x0];
	[tilespmem:s7+$0x0] =	vst v5  }
0x1cc: {  	s25 =	sor.u32 s3, s8;
	v14 =	vld [tilespmem:s4+$0x0]  }
0x1cd: {  	s17 =	simm.s32 $0x40;
	s24 =	sor.u32 s11, s31;
	v13 =	vld [tilespmem:s25+$0x0]  }
0x1ce: {  	s14 =	sor.u32 s11, s1;
	s1 =	simm.s32 $0x0;
	s6 =	simm.s32 $0x0;
	v5 =	vld [tilespmem:s24+$0x0]  }
.LBB2_16:
0x1cf: {  	_ = 	snop  }
0x1d0: {  	s20 =	sadd.s32 $0x200, s20;
	s1 =	sadd.s32 $0x8, s1  }
0x1d1: {  	v15 =	vld [tilespmem:s13+$0x6000];
	s0 =	sand.u32 $0x1C00, s20;
	s3 =	sand.u32 $0x380, s1  }
0x1d2: {  	s8 =	sand.u32 $0x40, s17;
	v16 =	vld [tilespmem:s14+$0x0];
	s0 =	sor.u32 s3, s0;
	v14 =	vadd.f32 v14, v0;
	v13 =	vadd.f32 v13, v0  }
0x1d3: {  	v17 =	vld [tilespmem:s14+$0x6000];
	s7 =	sor.u32 $0x30, s8;
	s9 =	sor.u32 $0xC000, s0;
	v1 =	vadd.f32 v1, v11;
	v2 =	vadd.f32 v2, v11  }
0x1d4: {  	v12 =	vadd.f32 v12, v11;
	v3 =	vadd.f32 v3, v11;
	v11 =	vld [tilespmem:s12+$0x6000];
	s26 =	sor.u32 s7, s9;
	[tilespmem:s4+$0x0] =	vst v14  }
0x1d5: {  	s3 =	sor.u32 s7, s0;
	s11 =	sor.u32 $0xA000, s0;
	[tilespmem:s25+$0x0] =	vst v13;
	v14 =	vld [tilespmem:s26+$0x0]  }
0x1d6: {  	[dreg:$0x4] =	wrdreg s12;
	s12 =	sor.u32 $0x10, s8;
	v7 =	vadd.f32 v7, v10;
	[tilespmem:s21+$0x0] =	vst v2;
	s21 =	sor.u32 s8, s11;
	v13 =	vld [tilespmem:s3+$0x0]  }
0x1d7: {  	s31 =	sor.u32 s12, s9;
	[tilespmem:s22+$0x0] =	vst v3;
	s22 =	sor.u32 s8, s9;
	v2 =	vld [tilespmem:s21+$0x0]  }
0x1d8: {  	v4 =	vadd.f32 v4, v10;
	s4 =	sor.u32 $0x8000, s0;
	[tilespmem:s5+$0x0] =	vst v7;
	s5 =	smov.u32 s31;
	v3 =	vld [tilespmem:s22+$0x0]  }
0x1d9: {  	v9 =	vadd.f32 v9, v10;
	[tilespmem:s10+$0x0] =	vst v1;
	s25 =	smov.u32 s16;
	s10 =	sor.u32 s8, s4;
	v7 =	vld [tilespmem:s5+$0x0]  }
0x1da: {  	v6 =	vadd.f32 v6, v16;
	s16 =	smov.u32 s28;
	s28 =	sor.u32 $0x20, s8;
	s29 =	sor.u32 s12, s4;
	[tilespmem:s25+$0x0] =	vst v4;
	v1 =	vld [tilespmem:s10+$0x0]  }
0x1db: {  	s30 =	sor.u32 s12, s11;
	v8 =	vadd.f32 v8, v16;
	s15 =	sor.u32 s28, s4;
	[tilespmem:s16+$0x0] =	vst v9;
	v4 =	vld [tilespmem:s29+$0x0]  }
0x1dc: {  	v5 =	vadd.f32 v5, v16;
	s19 =	sor.u32 s28, s11;
	[tilespmem:s2+$0x0] =	vst v6;
	v9 =	vld [tilespmem:s30+$0x0];
	s2 =	smov.u32 s15  }
0x1dd: {  	s6 =	sadd.s32 $0x4, s6;
	s9 =	sor.u32 s28, s9;
	[tilespmem:s23+$0x0] =	vst v8;
	s23 =	smov.u32 s19;
	v6 =	vld [tilespmem:s2+$0x0]  }
0x1de: {  	v15 =	vadd.f32 v15, v10;
	s25 =	sor.u32 s7, s11;
	s11 =	sor.u32 s8, s0;
	[tilespmem:s24+$0x0] =	vst v5;
	s24 =	smov.u32 s9;
	v8 =	vld [tilespmem:s23+$0x0]  }
0x1df: {  	p0 =	slt.u32 s6, $0x1FC;
	v10 =	vadd.f32 v17, v16;
	[tilespmem:s18+$0x6000] =	vst v12;
	s12 =	sor.u32 s12, s0;
	s18 =	smov.u32 s11;
	v5 =	vld [tilespmem:s24+$0x0]  }
.Ltmp7:
0x1e0: {  	[tilespmem:s13+$0x6000] =	vst v15;
	s13 =	smov.u32 s12;
	v12 =	vld [tilespmem:s18+$0x6000];
	(pc) =	sbr.rel @p0 .LBB2_16-.Ltmp7, $4  }
0x1e1: {  	[tilespmem:s14+$0x6000] =	vst v10;
	v63 =	vadd.f32 v11, v0;
	v10 =	vld [tilespmem:s13+$0x0];
	v0 =	vmov v13  }
0x1e2: {  	s31 =	rddreg [dreg:$0x4];
	s4 =	sor.u32 s7, s4;
	v13 =	vld [tilespmem:s25+$0x0];
	v11 =	vadd.f32 v14, v0  }
0x1e3: {  	s17 =	sadd.s32 $0x40, s17;
	s0 =	sor.u32 s28, s0;
	s28 =	smov.u32 s30;
	[tilespmem:s31+$0x6000] =	vst v63;
	v14 =	vld [tilespmem:s4+$0x0]  }
0x1e4: {  	s16 =	smov.u32 s29;
	s14 =	smov.u32 s0;
	s12 =	smov.u32 s3;
	[tilespmem:s26+$0x0] =	vst v11;
	v11 =	vld [tilespmem:s18+$0x0]  }
0x1e5: {  	_ =	sdelay $0x2  }
0x1e6: {  	v14 =	vadd.f32 v14, v0  }
0x1e7: {  	v15 =	vld [tilespmem:s14+$0x0];
	v13 =	vadd.f32 v13, v0  }
0x1e8: {  	v1 =	vadd.f32 v1, v11;
	[tilespmem:s4+$0x0] =	vst v14  }
0x1e9: {  	v2 =	vadd.f32 v2, v11;
	v14 =	vld [tilespmem:s12+$0x6000];
	[tilespmem:s25+$0x0] =	vst v13  }
0x1ea: {  	v3 =	vadd.f32 v3, v11;
	[tilespmem:s10+$0x0] =	vst v1  }
0x1eb: {  	v1 =	vadd.f32 v4, v10;
	[tilespmem:s21+$0x0] =	vst v2  }
0x1ec: {  	v6 =	vadd.f32 v6, v15;
	[tilespmem:s22+$0x0] =	vst v3  }
0x1ed: {  	v4 =	vadd.f32 v9, v10;
	v2 =	vld [tilespmem:s13+$0x6000];
	[tilespmem:s16+$0x0] =	vst v1  }
0x1ee: {  	v3 =	vadd.f32 v7, v10;
	v1 =	vld [tilespmem:s14+$0x6000];
	[tilespmem:s2+$0x0] =	vst v6  }
0x1ef: {  	[tilespmem:s28+$0x0] =	vst v4;
	v4 =	vadd.f32 v8, v15  }
0x1f0: {  	[tilespmem:s5+$0x0] =	vst v3;
	v3 =	vadd.f32 v5, v15  }
0x1f1: {  	v5 =	vadd.f32 v12, v11;
	[tilespmem:s23+$0x0] =	vst v4  }
0x1f2: {  	v0 =	vadd.f32 v14, v0;
	[tilespmem:s24+$0x0] =	vst v3  }
0x1f3: {  	v2 =	vadd.f32 v2, v10;
	[tilespmem:s18+$0x6000] =	vst v5  }
0x1f4: {  	v1 =	vadd.f32 v1, v15;
	[tilespmem:s12+$0x6000] =	vst v0  }
0x1f5: {  	[tilespmem:s13+$0x6000] =	vst v2  }
0x1f6: {  	s29 =	simm.s32 $0x2000;
	s1 =	simm.s32 $0x800000;
	[tilespmem:s14+$0x6000] =	vst v1  }
0x1f7: {  	s15 =	simm.s32 $0x2;
	s14 =	simm.s32 $0x6000;
	s0 =	rddreg [dreg:$0x18]  }
0x1f8: {  	[hbm4b:s0+s29] =	stream.strided.scatter [tilespmem:s14], [sflag:$0x4], $0x8000, s1, s29, $0x38;
	[tilespmem:$0x1E000] =	vst v63  }
0x1f9: {  	_ =	swait.ge [sflag:s15], $0x2000  }
0x1fa: {  	s19 =	simm.s32 $0x0;
	[sflag:s15] =	ssyncset.done $0x0  }
0x1fb: {  	s17 =	sand.u32 $0x380, s19;
	s16 =	sand.u32 $0x1C00, s19;
	[sflag:s15] =	ssyncadd.s32 $0xFFFFE000  }
0x1fc: {  	s18 =	sand.u32 $0x40, s19;
	s0 =	sor.u32 s17, s16;
	_ =	swait.ge [sflag:s15], $0x8000  }
0x1fd: {  	s3 =	sor.u32 $0x30, s18;
	s1 =	sor.u32 $0x2000, s0;
	[sflag:s15] =	ssyncset.done $0x0  }
0x1fe: {  	s22 =	sor.u32 $0x14000, s0;
	s23 =	sor.u32 s3, s1;
	[sflag:s15] =	ssyncadd.s32 $0xFFFF8000  }
0x1ff: {  	s24 =	sor.u32 s3, s22;
	v0 =	vld [tilespmem:s23+$0x0]  }
0x200: {  	s7 =	sor.u32 $0xE000, s0;
	s6 =	sor.u32 s18, s1;
	v1 =	vld [tilespmem:s24+$0x0]  }
0x201: {  	s8 =	sor.u32 $0x10000, s0;
	s25 =	sor.u32 s18, s7;
	v3 =	vld [tilespmem:s6+$0x0]  }
0x202: {  	s0 =	sor.u32 $0x12000, s0;
	s9 =	sor.u32 s18, s8;
	v4 =	vld [tilespmem:s25+$0x0]  }
0x203: {  	s26 =	sor.u32 s18, s0;
	v5 =	vld [tilespmem:s9+$0x0]  }
0x204: {  	s11 =	sor.u32 $0x10, s18;
	s28 =	sor.u32 s18, s22;
	v6 =	vld [tilespmem:s26+$0x0]  }
0x205: {  	s30 =	sor.u32 s11, s1;
	v7 =	vld [tilespmem:s28+$0x0]  }
0x206: {  	s31 =	sor.u32 s11, s7;
	v2 =	vld [tilespmem:s30+$0x0]  }
0x207: {  	v8 =	vld [tilespmem:s31+$0x0]  }
0x208: {  	v1 =	vadd.f32 v1, v0  }
0x209: {  	s21 =	sor.u32 s11, s8;
	v4 =	vadd.f32 v4, v3  }
0x20a: {  	s20 =	sor.u32 s11, s0;
	v9 =	vld [tilespmem:s21+$0x0];
	[tilespmem:s24+$0x0] =	vst v1  }
0x20b: {  	s2 =	sor.u32 $0x20, s18;
	s18 =	sor.u32 s11, s22;
	v10 =	vld [tilespmem:s20+$0x0];
	v1 =	vadd.f32 v5, v3;
	[tilespmem:s25+$0x0] =	vst v4;
	v4 =	vadd.f32 v6, v3  }
0x20c: {  	s17 =	sor.u32 s2, s7;
	v5 =	vld [tilespmem:s18+$0x0];
	v3 =	vadd.f32 v7, v3;
	v7 =	vadd.f32 v8, v2  }
0x20d: {  	s1 =	sor.u32 s2, s1;
	v6 =	vld [tilespmem:s17+$0x0];
	[tilespmem:s9+$0x0] =	vst v1  }
0x20e: {  	s14 =	simm.s32 $0x200;
	s16 =	simm.s32 $0x8;
	v1 =	vld [tilespmem:s1+$0x0];
	s1 =	sor.u32 s2, s8;
	[tilespmem:s31+$0x0] =	vst v7  }
0x20f: {  	s13 =	sor.u32 s2, s22;
	s10 =	sor.u32 s3, s7;
	s15 =	sor.u32 s2, s0;
	v8 =	vadd.f32 v9, v2;
	[tilespmem:s26+$0x0] =	vst v4;
	v4 =	vld [tilespmem:s1+$0x0]  }
0x210: {  	s5 =	sor.u32 s3, s8;
	s6 =	simm.s32 $0x0;
	s2 =	sor.u32 s3, s0;
	v7 =	vadd.f32 v10, v2;
	[tilespmem:s28+$0x0] =	vst v3;
	v3 =	vld [tilespmem:s15+$0x0]  }
.LBB2_18:
0x211: {  	s0 =	sand.u32 $0x1C00, s14;
	s3 =	sand.u32 $0x380, s16;
	[tilespmem:s21+$0x0] =	vst v8;
	v2 =	vadd.f32 v5, v2;
	v5 =	vld [tilespmem:s13+$0x0];
	s19 =	sadd.s32 $0x40, s19  }
0x212: {  	s6 =	sadd.s32 $0x4, s6;
	s4 =	sand.u32 $0x40, s19;
	s0 =	sor.u32 s3, s0;
	[tilespmem:s20+$0x0] =	vst v7;
	v7 =	vld [tilespmem:s10+$0x0]  }
0x213: {  	p0 =	slt.u32 s6, $0x1FC;
	s7 =	sor.u32 $0x2000, s0;
	s3 =	sor.u32 $0x30, s4;
	[tilespmem:s18+$0x0] =	vst v2;
	v2 =	vadd.f32 v6, v1;
	v6 =	vld [tilespmem:s5+$0x0]  }
0x214: {  	s8 =	sor.u32 $0xE000, s0;
	s9 =	sor.u32 $0x14000, s0;
	s11 =	sor.u32 s3, s7;
	v4 =	vadd.f32 v4, v1;
	v8 =	vld [tilespmem:s2+$0x0]  }
0x215: {  	s12 =	sor.u32 $0x10000, s0;
	s0 =	sor.u32 $0x12000, s0;
	v9 =	vld [tilespmem:s11+$0x0];
	s11 =	sor.u32 s3, s9;
	[tilespmem:s17+$0x0] =	vst v2;
	v2 =	vadd.f32 v3, v1  }
0x216: {  	s18 =	sor.u32 $0x10, s4;
	s22 =	sor.u32 $0x20, s4;
	s17 =	sor.u32 s4, s7;
	v3 =	vld [tilespmem:s11+$0x0];
	[tilespmem:s1+$0x0] =	vst v4;
	v1 =	vadd.f32 v5, v1  }
0x217: {  	s23 =	sor.u32 s4, s8;
	s24 =	sor.u32 s4, s12;
	s25 =	sor.u32 s4, s0;
	v4 =	vld [tilespmem:s17+$0x0];
	[tilespmem:s15+$0x0] =	vst v2;
	v2 =	vadd.f32 v7, v0  }
0x218: {  	s26 =	sor.u32 s18, s7;
	s28 =	sor.u32 s18, s8;
	s4 =	sor.u32 s4, s9;
	v5 =	vld [tilespmem:s23+$0x0];
	[tilespmem:s13+$0x0] =	vst v1;
	v1 =	vadd.f32 v6, v0  }
0x219: {  	s21 =	sor.u32 s18, s12;
	s20 =	sor.u32 s18, s0;
	s18 =	sor.u32 s18, s9;
	v6 =	vld [tilespmem:s24+$0x0];
	[tilespmem:s10+$0x0] =	vst v2;
	v2 =	vadd.f32 v8, v0  }
0x21a: {  	s7 =	sor.u32 s22, s7;
	s1 =	sor.u32 s22, s12;
	s17 =	sor.u32 s22, s8;
	v7 =	vld [tilespmem:s25+$0x0];
	[tilespmem:s5+$0x0] =	vst v1;
	v0 =	vmov v9  }
0x21b: {  	s15 =	sor.u32 s22, s0;
	s13 =	sor.u32 s22, s9;
	s10 =	sor.u32 s3, s8;
	v1 =	vld [tilespmem:s4+$0x0];
	v3 =	vadd.f32 v3, v0;
	[tilespmem:s2+$0x0] =	vst v2  }
0x21c: {  	s5 =	sor.u32 s3, s12;
	s2 =	sor.u32 s3, s0;
	v2 =	vld [tilespmem:s26+$0x0]  }
0x21d: {  	v5 =	vadd.f32 v5, v4;
	v8 =	vld [tilespmem:s28+$0x0];
	[tilespmem:s11+$0x0] =	vst v3  }
0x21e: {  	v3 =	vadd.f32 v6, v4;
	v9 =	vld [tilespmem:s21+$0x0]  }
0x21f: {  	[tilespmem:s23+$0x0] =	vst v5;
	v6 =	vadd.f32 v7, v4;
	v7 =	vld [tilespmem:s20+$0x0]  }
.Ltmp8:
0x220: {  	[tilespmem:s24+$0x0] =	vst v3;
	v3 =	vadd.f32 v1, v4;
	v5 =	vld [tilespmem:s18+$0x0];
	(pc) =	sbr.rel @p0 .LBB2_18-.Ltmp8, $4  }
0x221: {  	[tilespmem:s25+$0x0] =	vst v6;
	v1 =	vld [tilespmem:s7+$0x0]  }
0x222: {  	[tilespmem:s4+$0x0] =	vst v3;
	v3 =	vadd.f32 v8, v2;
	v6 =	vld [tilespmem:s17+$0x0]  }
0x223: {  	v8 =	vadd.f32 v9, v2;
	v4 =	vld [tilespmem:s1+$0x0]  }
0x224: {  	s14 =	sadd.s32 $0x200, s14;
	s16 =	sadd.s32 $0x8, s16;
	[tilespmem:s28+$0x0] =	vst v3;
	v7 =	vadd.f32 v7, v2;
	v3 =	vld [tilespmem:s15+$0x0]  }
0x225: {  	v9 =	vld [tilespmem:s13+$0x0]  }
0x226: {  	[tilespmem:s21+$0x0] =	vst v8;
	v2 =	vadd.f32 v5, v2;
	v56 =	vld [tilespmem:s10+$0x0]  }
0x227: {  	v57 =	vld [tilespmem:s5+$0x0];
	[tilespmem:s20+$0x0] =	vst v7;
	v6 =	vadd.f32 v6, v1  }
0x228: {  	v59 =	vld [tilespmem:s2+$0x0];
	[tilespmem:s18+$0x0] =	vst v2;
	v58 =	vadd.f32 v4, v1  }
0x229: {  	[tilespmem:s17+$0x0] =	vst v6;
	v3 =	vadd.f32 v3, v1  }
0x22a: {  	[tilespmem:s1+$0x0] =	vst v58;
	v60 =	vadd.f32 v9, v1  }
0x22b: {  	v61 =	vadd.f32 v56, v0;
	[tilespmem:s15+$0x0] =	vst v3  }
0x22c: {  	v62 =	vadd.f32 v57, v0;
	[tilespmem:s13+$0x0] =	vst v60  }
0x22d: {  	v63 =	vadd.f32 v59, v0;
	[tilespmem:s10+$0x0] =	vst v61  }
0x22e: {  	[tilespmem:s5+$0x0] =	vst v62  }
0x22f: {  	s4 =	simm.s32 $0xE000;
	[tilespmem:s2+$0x0] =	vst v63  }
0x230: {  	s26 =	simm.s32 $0x6;
	s2 =	simm.s32 $0x800000;
	s0 =	rddreg [dreg:$0x19]  }
0x231: {  	[hbm4b:s0+s29] =	stream.strided.scatter [tilespmem:s4], [sflag:$0x5], $0x8000, s2, s29, $0x38;
	[tilespmem:$0x1E000] =	vst v63  }
0x232: {  	_ =	swait.ge [sflag:s26], $0x8000  }
0x233: {  	[sflag:s26] =	ssyncset.done $0x0  }
0x234: {  	s28 =	simm.s32 $0x4;
	[sflag:s26] =	ssyncadd.s32 $0xFFFF8000  }
0x235: {  	_ =	swait.ge [sflag:s28], $0x8000  }
0x236: {  	[sflag:s28] =	ssyncset.done $0x0  }
0x237: {  	s30 =	simm.s32 $0x5;
	[sflag:s28] =	ssyncadd.s32 $0xFFFF8000  }
0x238: {  	_ =	swait.ge [sflag:s30], $0x8000  }
0x239: {  	s3 =	rddreg [dreg:$0x1c]  }
0x23a: {  	s31 =	rddreg [dreg:$0x1a];
	s3 =	sadd.s32 $0x1, s3  }
0x23b: {  	p0 =	sne.s32 s3, s31  }
.Ltmp9:
0x23c: {  	_ = 	snop;
	(pc) =	sbr.rel @p0 .LBB2_1-.Ltmp9, $3  }
0x23d: {  	_ =	sdelay $0x1  }
0x23e: {  	[sflag:s30] =	ssyncset.done $0x0  }
0x23f: {  	[sflag:s30] =	ssyncadd.s32 $0xFFFF8000  }
0x240: {  	_ =	sfence.sel $0x180000  }
0x241: {  	[bflag:$0x0] =	sbarrier.arrive $0xFFFF  }
0x242: {  	_ =	strace $0x90000047  }
0x243: {  	s0 =	stileid.u32;
	[bflag:$0x2] =	sbarrier.arrive $0xFFFF  }
0x244: {  	p0 =	sne.s32 s0, $0x0;
	s0 =	rddreg [dreg:$0x3]  }
0x245: {  	s0 =	sadd.s32 @!p0 $0x100000, s0  }
0x246: {  	[sflag:s0] =	ssyncadd.tile.s32 @!p0 $0x1;
	_ =	shalt  }
.Lfunc_end2:
_tile_overlayer_lowered:
.L_overlay_start_2:
0x247: {  	(tag) =	ssettag $0x2  }
0x248: {  	s0 =	rddreg [dreg:$0x0];
	s2 =	stileid.u32  }
0x249: {  	s1 =	rddreg [dreg:$0x1];
	p0 =	sne.s32 s2, $0x0  }
0x24a: {  	s3 =	rddreg [dreg:$0x2];
	[bflag:$0x3] =	sbarrier.arrive $0xFFFF;
	s2 =	simm.s32 @!p0 $0x1C07  }
0x24b: {  	[timem:s3], [sflag:s2] =	dma.local @!p0 [hbm:s0], s1  }
0x24c: {  	s0 =	simm.s32 @!p0 $0x7  }
0x24d: {  	_ =	swait.ge @!p0 [sflag:s0], s1  }
0x24e: {  	s1 =	ssub.s32 @!p0 $0x0, s1;
	[sflag:s0] =	ssyncset.done @!p0 $0x0  }
0x24f: {  	[sflag:s0] =	ssyncadd.s32 @!p0 s1  }
0x250: {  	[bflag:$0x3] =	sbarrier.arrive $0xFFFF  }
0x251: {  	_ =	shalt  }

</sc_bundles>
